<compile_context>
chip_gen: v7x
topology: tpu7x:2x2x1
jax: 0.10.2.dev20260603
libtpu: 0.0.44.dev20260713+nightly
codegen_flags: <defaults>
</compile_context>

<pallas_src>
import functools

import jax
import jax.numpy as jnp
from jax import lax
from jax.experimental import pallas as pl
from jax.experimental.pallas import tpu as pltpu
from jax.experimental.pallas import tpu_sc as plsc

N_PROT = 10000
N_DRUG = 1024
TOT = N_PROT + N_DRUG
NP = 10240
NT = 11264
E_PP = 320000
E_DP = 32768
NC, NS, B = 2, 16, 128
NB0, NB1 = 80, 80
TOTB = NS * (NB0 + NB1)
EP_PAD = TOTB * B
NBW_CNT = TOTB // (NC * NS)
NBW_DP = 8

_MESH = plsc.VectorSubcoreMesh(core_axis_name="c", subcore_axis_name="s")


def _zero_fill(ref, nrows, d):
    def row(i, _):
        for k in range(d // 16):
            ref[i, pl.ds(16 * k, 16)] = jnp.zeros((16,), jnp.float32)
        return 0
    lax.fori_loop(0, nrows, row, 0)


def _make_sc_aggregate(nr, d, nbw0, nbw1):
    rows_pt = nr // NS
    nbw_max = max(nbw0, nbw1)

    @functools.partial(
        pl.kernel,
        out_type=jax.ShapeDtypeStruct((NC, nr, d), jnp.float32),
        mesh=_MESH,
        scratch_types=[
            pltpu.VMEM((nbw_max, B), jnp.int32),
            pltpu.VMEM((nbw_max, B), jnp.int32),
            [pltpu.VMEM((B, d), jnp.float32) for _ in range(4)],
            pltpu.VMEM((64, d), jnp.float32),
            pltpu.VMEM_SHARED((nr, d), jnp.float32),
            [pltpu.SemaphoreType.DMA for _ in range(4)],
            [pltpu.SemaphoreType.DMA for _ in range(4)],
            pltpu.SemaphoreType.DMA,
        ],
        compiler_params=pltpu.CompilerParams(use_tc_tiling_on_sc=False),
    )
    def agg(table_hbm, src_hbm, dst_hbm, out_hbm, sidx, didx, rows,
            zbuf, acc, gsem, ssem, zsem):
        c = lax.axis_index("c")
        s = lax.axis_index("s")
        _zero_fill(zbuf, 64, d)

        nz = rows_pt // 64
        def zacc(i, _):
            pltpu.async_copy(
                zbuf, acc.at[pl.ds(s * rows_pt + i * 64, 64)], zsem)
            return 0
        lax.fori_loop(0, nz, zacc, 0)

        def zdrain(i, _):
            pltpu.make_async_copy(
                zbuf, acc.at[pl.ds(s * rows_pt, 64)], zsem).wait()
            return 0
        lax.fori_loop(0, nz, zdrain, 0)
        plsc.subcore_barrier()

        if nbw0 == nbw1:
            nbw = nbw0
            base = (c * NS + s) * nbw0
            pltpu.sync_copy(src_hbm.at[pl.ds(base, nbw0)], sidx)
            pltpu.sync_copy(dst_hbm.at[pl.ds(base, nbw0)], didx)
        else:
            nbw = jnp.where(c == 0, nbw0, nbw1)

            @pl.when(c == 0)
            def _():
                pltpu.sync_copy(src_hbm.at[pl.ds(s * nbw0, nbw0)],
                                sidx.at[pl.ds(0, nbw0)])
                pltpu.sync_copy(dst_hbm.at[pl.ds(s * nbw0, nbw0)],
                                didx.at[pl.ds(0, nbw0)])

            @pl.when(c == 1)
            def _():
                pltpu.sync_copy(src_hbm.at[pl.ds(NS * nbw0 + s * nbw1, nbw1)],
                                sidx.at[pl.ds(0, nbw1)])
                pltpu.sync_copy(dst_hbm.at[pl.ds(NS * nbw0 + s * nbw1, nbw1)],
                                didx.at[pl.ds(0, nbw1)])

        def gather(j, k):
            return pltpu.make_async_copy(table_hbm.at[sidx.at[j]],
                                         rows[k], gsem[k])

        def sdrain(k):
            pltpu.make_async_copy(rows[k], acc.at[didx.at[0]],
                                  ssem[k]).wait()

        nq = nbw // 4
        gather(0, 0).start()
        gather(1, 1).start()
        gather(2, 2).start()

        def step(q, _):
            for k in range(4):
                j = 4 * q + k
                kp = (k + 3) % 4
                gather(j, k).wait()
                pltpu.async_copy(rows[k], acc.at[didx.at[j]], ssem[k],
                                 add=True)
                if k == 0:
                    @pl.when(q > 0)
                    def _():
                        sdrain(kp)
                    gather(j + 3, kp).start()
                else:
                    sdrain(kp)

                    @pl.when(q < nq - 1)
                    def _():
                        gather(j + 3, kp).start()
            return 0
        lax.fori_loop(0, nq, step, 0)
        sdrain(3)
        plsc.subcore_barrier()

        pltpu.sync_copy(acc.at[pl.ds(s * rows_pt, rows_pt)],
                        out_hbm.at[c, pl.ds(s * rows_pt, rows_pt)])

    return agg


@functools.partial(
    pl.kernel,
    out_type=[jax.ShapeDtypeStruct((NC * NP,), jnp.float32),
              jax.ShapeDtypeStruct((NC * NT,), jnp.float32)],
    mesh=_MESH,
    scratch_types=[
        pltpu.VMEM((NBW_CNT, B), jnp.int32),
        pltpu.VMEM((NBW_DP, B), jnp.int32),
        pltpu.VMEM((B,), jnp.float32),
        pltpu.VMEM((NT // NS,), jnp.float32),
        pltpu.VMEM_SHARED((NP,), jnp.float32),
        pltpu.VMEM_SHARED((NT,), jnp.float32),
        pltpu.SemaphoreType.DMA,
    ],
    compiler_params=pltpu.CompilerParams(use_tc_tiling_on_sc=False),
)
def _sc_counts(col_hbm, dpd_hbm, outp_hbm, outt_hbm,
               cidx, didx, ones, zbuf, accp, acct, csem):
    c = lax.axis_index("c")
    s = lax.axis_index("s")
    pp_pt = NP // NS
    tt_pt = NT // NS
    def fill(i, _):
        zbuf[pl.ds(i * 16, 16)] = jnp.zeros((16,), jnp.float32)
        return 0
    lax.fori_loop(0, tt_pt // 16, fill, 0)
    for k in range(B // 16):
        ones[pl.ds(16 * k, 16)] = jnp.ones((16,), jnp.float32)
    pltpu.sync_copy(zbuf.at[pl.ds(0, pp_pt)], accp.at[pl.ds(s * pp_pt, pp_pt)])
    pltpu.sync_copy(zbuf, acct.at[pl.ds(s * tt_pt, tt_pt)])
    plsc.subcore_barrier()

    w = c * NS + s
    pltpu.sync_copy(col_hbm.at[pl.ds(w * NBW_CNT, NBW_CNT)], cidx)
    pltpu.sync_copy(dpd_hbm.at[pl.ds(w * NBW_DP, NBW_DP)], didx)

    def cchunk(q, _):
        for k in range(4):
            pltpu.async_copy(ones, accp.at[cidx.at[4 * q + k]], csem,
                             add=True)
        for k in range(4):
            pltpu.make_async_copy(ones, accp.at[cidx.at[0]], csem).wait()
        return 0
    lax.fori_loop(0, NBW_CNT // 4, cchunk, 0)

    for k in range(NBW_DP):
        pltpu.async_copy(ones, acct.at[didx.at[k]], csem, add=True)
    for k in range(NBW_DP):
        pltpu.make_async_copy(ones, acct.at[didx.at[0]], csem).wait()
    plsc.subcore_barrier()

    pltpu.sync_copy(accp.at[pl.ds(s * pp_pt, pp_pt)], zbuf.at[pl.ds(0, pp_pt)])
    pltpu.sync_copy(zbuf.at[pl.ds(0, pp_pt)],
                    outp_hbm.at[pl.ds(c * NP + s * pp_pt, pp_pt)])
    pltpu.sync_copy(acct.at[pl.ds(s * tt_pt, tt_pt)], zbuf)
    pltpu.sync_copy(zbuf, outt_hbm.at[pl.ds(c * NT + s * tt_pt, tt_pt)])


def _tc_a(x_ref, w1_ref, cnt_ref, s1_ref, dinv_ref):
    cnt = cnt_ref[...]
    deg = lax.dot_general(cnt, jnp.ones((2, 1), jnp.float32),
                          (((0,), (0,)), ((), ()))) + 1.0
    valid = lax.broadcasted_iota(jnp.int32, (NP, 1), 0) < N_PROT
    dinv = jnp.where(valid, lax.rsqrt(deg), 0.0)
    dinv_ref[...] = dinv
    xw = jnp.dot(x_ref[...], w1_ref[...], preferred_element_type=jnp.float32)
    s1_ref[...] = jnp.zeros((NP, 32), jnp.float32)
    s1_ref[0:N_PROT, :] = xw * dinv[0:N_PROT, :]


def _tc_b(agg_ref, s1_ref, dinv_ref, b1_ref, w2_ref, s2_ref):
    dinv = dinv_ref[...]
    h1 = jax.nn.relu(dinv * (agg_ref[0] + agg_ref[1] + s1_ref[...])
                     + b1_ref[...])
    s2_ref[...] = jnp.dot(h1, w2_ref[...],
                          preferred_element_type=jnp.float32) * dinv


def _tc_c(agg_ref, s2_ref, dinv_ref, b2_ref, h2p_ref):
    dinv = dinv_ref[...]
    valid = lax.broadcasted_iota(jnp.int32, (NP, 1), 0) < N_PROT
    h2 = jnp.where(valid,
                   dinv * (agg_ref[0] + agg_ref[1] + s2_ref[...])
                   + b2_ref[...], 0.0)
    h2p_ref[...] = jnp.zeros((NT, 16), jnp.float32)
    h2p_ref[0:NP, :] = h2


def _tc_xd(xd_ref, emb_ref, out_ref):
    out_ref[...] = jnp.dot(xd_ref[...], emb_ref[...],
                           preferred_element_type=jnp.float32)


def _tc_d(ssum_ref, cnt_ref, wh_ref, xd_ref, wf1_ref, bf1_ref,
          wf2_ref, bf2_ref, out_ref):
    ssum = ssum_ref[0][N_PROT:TOT, :] + ssum_ref[1][N_PROT:TOT, :]
    cnt = lax.dot_general(cnt_ref[...], jnp.ones((2, 1), jnp.float32),
                          (((0,), (0,)), ((), ())))
    cnt = lax.slice(cnt, (N_PROT, 0), (TOT, 1))
    aggr = ssum / jnp.maximum(cnt, 1.0)
    prot_out = jnp.dot(aggr, wh_ref[...], preferred_element_type=jnp.float32)
    xd = xd_ref[...]
    g = (jnp.dot(jax.nn.relu(xd), wf1_ref[0:48, :],
                 preferred_element_type=jnp.float32)
         + jnp.dot(jax.nn.relu(prot_out), wf1_ref[48:64, :],
                   preferred_element_type=jnp.float32)
         + bf1_ref[...])
    h = jax.nn.relu(g)
    f = jnp.dot(h, wf2_ref[...], preferred_element_type=jnp.float32) \
        + bf2_ref[...]
    out_ref[...] = jax.nn.sigmoid(f)


def _tc_call(fn, out_shapes):
    return pl.pallas_call(fn, out_shape=out_shapes)


def kernel(x_prot, pp_edge_index, dp_edge_index, dp_range_list, x_drug,
           W1, b1, W2, b2, Wh, embed, Wf1, bf1, Wf2, bf2):
    f32 = jnp.float32
    pads = (jnp.arange(EP_PAD - E_PP, dtype=jnp.int32) % (NP - N_PROT)
            + N_PROT)
    pp2 = jnp.concatenate(
        [pp_edge_index.astype(jnp.int32), jnp.stack([pads, pads])], axis=1)
    src_pp = pp2[0].reshape(TOTB, B)
    col_pp = pp2[1].reshape(TOTB, B)
    src_dp = dp_edge_index[0].astype(jnp.int32).reshape(NC * NS * NBW_DP, B)
    dst_dp = dp_edge_index[1].astype(jnp.int32).reshape(NC * NS * NBW_DP, B)
    b1r, b2r = b1.reshape(1, -1), b2.reshape(1, -1)
    bf1r, bf2r = bf1.reshape(1, -1), bf2.reshape(1, -1)

    xd = _tc_call(_tc_xd, jax.ShapeDtypeStruct((N_DRUG, 48), f32))(
        x_drug, embed)

    cnt_pp, cnt_dp = _sc_counts(col_pp, dst_dp)
    cnt_pp = cnt_pp.reshape(NC, NP)
    cnt_dp = cnt_dp.reshape(NC, NT)

    s1, dinv = _tc_call(_tc_a, [jax.ShapeDtypeStruct((NP, 32), f32),
                                jax.ShapeDtypeStruct((NP, 1), f32)])(
        x_prot, W1, cnt_pp)

    agg1 = _make_sc_aggregate(NP, 32, NB0, NB1)(s1, src_pp, col_pp)

    s2 = _tc_call(_tc_b, jax.ShapeDtypeStruct((NP, 16), f32))(
        agg1, s1, dinv, b1r, W2)

    agg2 = _make_sc_aggregate(NP, 16, NB0, NB1)(s2, src_pp, col_pp)

    h2p = _tc_call(_tc_c, jax.ShapeDtypeStruct((NT, 16), f32))(
        agg2, s2, dinv, b2r)

    ssum = _make_sc_aggregate(NT, 16, NBW_DP, NBW_DP)(h2p, src_dp, dst_dp)

    out = _tc_call(_tc_d, jax.ShapeDtypeStruct((N_DRUG, N_DRUG), f32))(
        ssum, cnt_dp, Wh, xd, Wf1, bf1r, Wf2, bf2r)
    return out.reshape(-1)

# --- scband reference (transcript-rebuilt; emitter-appended) ---
"""Pipeline reference for scband-my-pdconv-49151605735633 (READ-ONLY COPY).

The authoritative reference and input builder live on the scoring server;
editing this copy changes nothing except your own understanding.
"""

import jax, jax.numpy as jnp
import numpy as np

N_PROT = 10000
N_DRUG = 1024
TOT = N_PROT + N_DRUG
D_PROT = 128
D_DRUG = 1024
HID1 = 32
HID2 = 16
PD_DIM = 16
N_EMBED = 48
E_PP = 320000
E_DP = 32768


def setup_inputs(seed: int = 0) -> dict:
    key = jax.random.key(seed)
    ks = jax.random.split(key, 16)
    x_prot = jax.random.normal(ks[0], (N_PROT, D_PROT), dtype=jnp.float32)
    pp_edge_index = jax.random.randint(ks[1], (2, E_PP), 0, N_PROT, dtype=jnp.int64)
    dp_edge_index = jax.random.randint(ks[2], (2, E_DP), 0, TOT, dtype=jnp.int64)
    dp_range_list = jax.random.randint(ks[3], (N_DRUG, 2), 0, N_PROT, dtype=jnp.int64)
    x_drug = jax.random.normal(ks[4], (N_DRUG, D_DRUG), dtype=jnp.float32)
    # learned params
    W1 = jax.random.normal(ks[5], (D_PROT, HID1), dtype=jnp.float32) / np.sqrt(D_PROT)
    b1 = jnp.zeros((HID1,), dtype=jnp.float32)
    W2 = jax.random.normal(ks[6], (HID1, HID2), dtype=jnp.float32) / np.sqrt(HID1)
    b2 = jnp.zeros((HID2,), dtype=jnp.float32)
    Wh = jax.random.normal(ks[7], (HID2, PD_DIM), dtype=jnp.float32) / np.sqrt(HID2)
    embed = jax.random.normal(ks[8], (D_DRUG, N_EMBED), dtype=jnp.float32)
    FFN = N_EMBED + HID2  # 64
    Wf1 = jax.random.normal(ks[9], (FFN, FFN), dtype=jnp.float32) / np.sqrt(FFN)
    bf1 = jnp.zeros((FFN,), dtype=jnp.float32)
    Wf2 = jax.random.normal(ks[10], (FFN, N_DRUG), dtype=jnp.float32) / np.sqrt(FFN)
    bf2 = jnp.zeros((N_DRUG,), dtype=jnp.float32)
    return {"x_prot": x_prot, "pp_edge_index": pp_edge_index, "dp_edge_index": dp_edge_index,
            "dp_range_list": dp_range_list, "x_drug": x_drug,
            "W1": W1, "b1": b1, "W2": W2, "b2": b2, "Wh": Wh, "embed": embed,
            "Wf1": Wf1, "bf1": bf1, "Wf2": Wf2, "bf2": bf2}


def _gcn_layer(x, row, col, W, b, n):
    # standard GCNConv: add self loops, symmetric normalization, then aggregate
    xw = x @ W
    sl = jnp.arange(n, dtype=row.dtype)
    r = jnp.concatenate([row, sl])
    c = jnp.concatenate([col, sl])
    deg = jax.ops.segment_sum(jnp.ones(r.shape[0], dtype=jnp.float32), c, num_segments=n)
    dinv = jnp.where(deg > 0, deg ** -0.5, 0.0)
    norm = dinv[r] * dinv[c]
    out = jax.ops.segment_sum(xw[r] * norm[:, None], c, num_segments=n)
    return out + b


def reference(x_prot, pp_edge_index, dp_edge_index, dp_range_list, x_drug,
              W1, b1, W2, b2, Wh, embed, Wf1, bf1, Wf2, bf2):
    row, col = pp_edge_index[0], pp_edge_index[1]
    # PPEncoder: two GCN layers
    h = _gcn_layer(x_prot, row, col, W1, b1, N_PROT)
    h = jax.nn.relu(h)
    h = _gcn_layer(h, row, col, W2, b2, N_PROT)
    # concat zero drug placeholder rows (hdrug)
    x_cat = jnp.concatenate([h, jnp.zeros((N_DRUG, h.shape[1]), dtype=h.dtype)], axis=0)
    # MyHierarchyConv: mean aggregation over dp edges, then slice target rows and matmul
    src, dst = dp_edge_index[0], dp_edge_index[1]
    ssum = jax.ops.segment_sum(x_cat[src], dst, num_segments=TOT)
    cnt = jax.ops.segment_sum(jnp.ones(dst.shape[0], dtype=jnp.float32), dst, num_segments=TOT)
    aggr = ssum / jnp.clip(cnt, 1.0)[:, None]
    prot_out = aggr[N_PROT:, :] @ Wh
    # drug embedding branch; d_norm is all-ones so division is identity (kept faithful)
    d_norm = jnp.ones((N_DRUG,), dtype=jnp.float32)
    xd = (x_drug @ embed) / d_norm[:, None]
    x_merge = jnp.concatenate([xd, prot_out], axis=1)
    # FFN (dropout is identity in eval mode): ReLU, Linear, ReLU, Linear
    f = jax.nn.relu(x_merge)
    f = f @ Wf1 + bf1
    f = jax.nn.relu(f)
    f = f @ Wf2 + bf2
    out = jax.nn.sigmoid(f)
    return out.reshape(-1)

if __name__ == "__main__":
    import jax
    _d = setup_inputs()
    print(jax.jit(kernel)(*tuple(_d.values())))

</pallas_src>

<mosaic_0001>
#map = affine_map<(d0, d1) -> (0, 0)>
#map1 = affine_map<(d0, d1) -> (0)>
module attributes {stable_mosaic.version = 14 : i64} {
  func.func @_sc_counts(%arg0: i32, %arg1: i32, %arg2: memref<2560x128xi32, #tpu.memory_space<hbm>>, %arg3: memref<256x128xi32, #tpu.memory_space<hbm>>, %arg4: memref<20480xf32, #tpu.memory_space<hbm>>, %arg5: memref<22528xf32, #tpu.memory_space<hbm>>, %arg6: memref<80x128xi32, #tpu.memory_space<vmem>>, %arg7: memref<8x128xi32, #tpu.memory_space<vmem>>, %arg8: memref<128xf32, #tpu.memory_space<vmem>>, %arg9: memref<704xf32, #tpu.memory_space<vmem>>, %arg10: memref<10240xf32, #tpu.memory_space<vmem_shared>>, %arg11: memref<11264xf32, #tpu.memory_space<vmem_shared>>, %arg12: memref<!tpu.dma_semaphore, #tpu.memory_space<semaphore_mem>>) attributes {dimension_semantics = [#tpu.dimension_semantics<core_parallel>, #tpu.dimension_semantics<subcore_parallel>], iteration_bounds = array<i64: 2, 16>, scalar_prefetch = 0 : i64, scratch_operands = 7 : i64, tpu.core_type = #tpu.core_type<sc_vector_subcore>, window_params = [{transform_indices = #map}, {transform_indices = #map}, {transform_indices = #map1}, {transform_indices = #map1}]} {
    %scan3A = arith.constant 0 : i32
    %scan3A_0 = arith.constant 0 : i32
    %scan3A_1 = arith.constant 44 : i32
    %scan3A_2 = arith.addi %scan3A_0, %scan3A_1 : i32
    %scan3A_3 = arith.constant 1 : i32
    %scan3A_4 = scf.for %scan3A_177 = %scan3A_0 to %scan3A_2 step %scan3A_3 iter_args(%scan3A_178 = %scan3A) -> (i32)  : i32 {
      %broadcast_in_dim3A_179 = arith.constant 0.000000e+00 : f32
      %broadcast_in_dim3A_180 = vector.broadcast %broadcast_in_dim3A_179 : f32 to vector<16xf32>
      %mul3A_181 = arith.constant 16 : i32
      %mul3A_182 = arith.muli %scan3A_177, %mul3A_181 : i32
      %swap3A_183 = arith.index_cast %mul3A_182 : i32 to index
      %swap3A_184 = tpu.vector_load %arg9[%swap3A_183] {strides = array<i32>} : memref<704xf32, #tpu.memory_space<vmem>>, vector<16xf32>,
      %swap3A_185 = vector.shape_cast %swap3A_184 : vector<16xf32> to vector<16xf32>
      %swap3A_186 = vector.shape_cast %broadcast_in_dim3A_180 : vector<16xf32> to vector<16xf32>
      tpu.vector_store %arg9[%swap3A_183], %swap3A_186 {strides = array<i32>} : memref<704xf32, #tpu.memory_space<vmem>>, vector<16xf32>,
      %scan3A_187 = arith.constant 0 : i32
      scf.yield %scan3A_187 : i32
    }
    %scan3A_5 = arith.constant 44 : i32
    %broadcast_in_dim3A = arith.constant 1.000000e+00 : f32
    %broadcast_in_dim3A_6 = vector.broadcast %broadcast_in_dim3A : f32 to vector<16xf32>
    %swap3A = arith.constant 0 : index
    %swap3A_7 = tpu.vector_load %arg8[%swap3A] {strides = array<i32>} : memref<128xf32, #tpu.memory_space<vmem>>, vector<16xf32>,
    %swap3A_8 = vector.shape_cast %swap3A_7 : vector<16xf32> to vector<16xf32>
    %swap3A_9 = vector.shape_cast %broadcast_in_dim3A_6 : vector<16xf32> to vector<16xf32>
    tpu.vector_store %arg8[%swap3A], %swap3A_9 {strides = array<i32>} : memref<128xf32, #tpu.memory_space<vmem>>, vector<16xf32>,
    %broadcast_in_dim3A_10 = arith.constant 1.000000e+00 : f32
    %broadcast_in_dim3A_11 = vector.broadcast %broadcast_in_dim3A_10 : f32 to vector<16xf32>
    %swap3A_12 = arith.constant 16 : index
    %swap3A_13 = tpu.vector_load %arg8[%swap3A_12] {strides = array<i32>} : memref<128xf32, #tpu.memory_space<vmem>>, vector<16xf32>,
    %swap3A_14 = vector.shape_cast %swap3A_13 : vector<16xf32> to vector<16xf32>
    %swap3A_15 = vector.shape_cast %broadcast_in_dim3A_11 : vector<16xf32> to vector<16xf32>
    tpu.vector_store %arg8[%swap3A_12], %swap3A_15 {strides = array<i32>} : memref<128xf32, #tpu.memory_space<vmem>>, vector<16xf32>,
    %broadcast_in_dim3A_16 = arith.constant 1.000000e+00 : f32
    %broadcast_in_dim3A_17 = vector.broadcast %broadcast_in_dim3A_16 : f32 to vector<16xf32>
    %swap3A_18 = arith.constant 32 : index
    %swap3A_19 = tpu.vector_load %arg8[%swap3A_18] {strides = array<i32>} : memref<128xf32, #tpu.memory_space<vmem>>, vector<16xf32>,
    %swap3A_20 = vector.shape_cast %swap3A_19 : vector<16xf32> to vector<16xf32>
    %swap3A_21 = vector.shape_cast %broadcast_in_dim3A_17 : vector<16xf32> to vector<16xf32>
    tpu.vector_store %arg8[%swap3A_18], %swap3A_21 {strides = array<i32>} : memref<128xf32, #tpu.memory_space<vmem>>, vector<16xf32>,
    %broadcast_in_dim3A_22 = arith.constant 1.000000e+00 : f32
    %broadcast_in_dim3A_23 = vector.broadcast %broadcast_in_dim3A_22 : f32 to vector<16xf32>
    %swap3A_24 = arith.constant 48 : index
    %swap3A_25 = tpu.vector_load %arg8[%swap3A_24] {strides = array<i32>} : memref<128xf32, #tpu.memory_space<vmem>>, vector<16xf32>,
    %swap3A_26 = vector.shape_cast %swap3A_25 : vector<16xf32> to vector<16xf32>
    %swap3A_27 = vector.shape_cast %broadcast_in_dim3A_23 : vector<16xf32> to vector<16xf32>
    tpu.vector_store %arg8[%swap3A_24], %swap3A_27 {strides = array<i32>} : memref<128xf32, #tpu.memory_space<vmem>>, vector<16xf32>,
    %broadcast_in_dim3A_28 = arith.constant 1.000000e+00 : f32
    %broadcast_in_dim3A_29 = vector.broadcast %broadcast_in_dim3A_28 : f32 to vector<16xf32>
    %swap3A_30 = arith.constant 64 : index
    %swap3A_31 = tpu.vector_load %arg8[%swap3A_30] {strides = array<i32>} : memref<128xf32, #tpu.memory_space<vmem>>, vector<16xf32>,
    %swap3A_32 = vector.shape_cast %swap3A_31 : vector<16xf32> to vector<16xf32>
    %swap3A_33 = vector.shape_cast %broadcast_in_dim3A_29 : vector<16xf32> to vector<16xf32>
    tpu.vector_store %arg8[%swap3A_30], %swap3A_33 {strides = array<i32>} : memref<128xf32, #tpu.memory_space<vmem>>, vector<16xf32>,
    %broadcast_in_dim3A_34 = arith.constant 1.000000e+00 : f32
    %broadcast_in_dim3A_35 = vector.broadcast %broadcast_in_dim3A_34 : f32 to vector<16xf32>
    %swap3A_36 = arith.constant 80 : index
    %swap3A_37 = tpu.vector_load %arg8[%swap3A_36] {strides = array<i32>} : memref<128xf32, #tpu.memory_space<vmem>>, vector<16xf32>,
    %swap3A_38 = vector.shape_cast %swap3A_37 : vector<16xf32> to vector<16xf32>
    %swap3A_39 = vector.shape_cast %broadcast_in_dim3A_35 : vector<16xf32> to vector<16xf32>
    tpu.vector_store %arg8[%swap3A_36], %swap3A_39 {strides = array<i32>} : memref<128xf32, #tpu.memory_space<vmem>>, vector<16xf32>,
    %broadcast_in_dim3A_40 = arith.constant 1.000000e+00 : f32
    %broadcast_in_dim3A_41 = vector.broadcast %broadcast_in_dim3A_40 : f32 to vector<16xf32>
    %swap3A_42 = arith.constant 96 : index
    %swap3A_43 = tpu.vector_load %arg8[%swap3A_42] {strides = array<i32>} : memref<128xf32, #tpu.memory_space<vmem>>, vector<16xf32>,
    %swap3A_44 = vector.shape_cast %swap3A_43 : vector<16xf32> to vector<16xf32>
    %swap3A_45 = vector.shape_cast %broadcast_in_dim3A_41 : vector<16xf32> to vector<16xf32>
    tpu.vector_store %arg8[%swap3A_42], %swap3A_45 {strides = array<i32>} : memref<128xf32, #tpu.memory_space<vmem>>, vector<16xf32>,
    %broadcast_in_dim3A_46 = arith.constant 1.000000e+00 : f32
    %broadcast_in_dim3A_47 = vector.broadcast %broadcast_in_dim3A_46 : f32 to vector<16xf32>
    %swap3A_48 = arith.constant 112 : index
    %swap3A_49 = tpu.vector_load %arg8[%swap3A_48] {strides = array<i32>} : memref<128xf32, #tpu.memory_space<vmem>>, vector<16xf32>,
    %swap3A_50 = vector.shape_cast %swap3A_49 : vector<16xf32> to vector<16xf32>
    %swap3A_51 = vector.shape_cast %broadcast_in_dim3A_47 : vector<16xf32> to vector<16xf32>
    tpu.vector_store %arg8[%swap3A_48], %swap3A_51 {strides = array<i32>} : memref<128xf32, #tpu.memory_space<vmem>>, vector<16xf32>,
    %mul3A = arith.constant 640 : i32
    %mul3A_52 = arith.muli %arg1, %mul3A : i32
    "tpu.region"() ({
      %run_scoped3A = tpu.sem_alloc : memref<!tpu.dma_semaphore, #tpu.memory_space<semaphore_mem>>
      %dma_start3A_177 = arith.constant 0 : i32
      %dma_start3A_178 = tpu.memref_slice %arg9[%dma_start3A_177] : memref<704xf32, #tpu.memory_space<vmem>> -> memref<640xf32, #tpu.memory_space<vmem>>
      %dma_start3A_179 = tpu.memref_slice %arg10[%mul3A_52] : memref<10240xf32, #tpu.memory_space<vmem_shared>> -> memref<640xf32, #tpu.memory_space<vmem_shared>>
      %dma_start3A_180 = tpu.memref_slice %arg10[%mul3A_52] : memref<10240xf32, #tpu.memory_space<vmem_shared>> -> memref<640xf32, #tpu.memory_space<vmem_shared>>
      %dma_start3A_181 = arith.constant 0 : i32
      %dma_start3A_182 = tpu.memref_slice %arg9[%dma_start3A_181] : memref<704xf32, #tpu.memory_space<vmem>> -> memref<640xf32, #tpu.memory_space<vmem>>
      tpu.enqueue_dma source(%dma_start3A_182 : memref<640xf32, #tpu.memory_space<vmem>>) target(%dma_start3A_180 : memref<640xf32, #tpu.memory_space<vmem_shared>>) target_semaphore(%run_scoped3A : memref<!tpu.dma_semaphore, #tpu.memory_space<semaphore_mem>>)
      %dma_wait3A_183 = arith.constant 0 : i32
      %dma_wait3A_184 = tpu.memref_slice %arg9[%dma_wait3A_183] : memref<704xf32, #tpu.memory_space<vmem>> -> memref<640xf32, #tpu.memory_space<vmem>>
      %dma_wait3A_185 = tpu.memref_slice %arg10[%mul3A_52] : memref<10240xf32, #tpu.memory_space<vmem_shared>> -> memref<640xf32, #tpu.memory_space<vmem_shared>>
      %dma_wait3A_186 = tpu.memref_slice %arg10[%mul3A_52] : memref<10240xf32, #tpu.memory_space<vmem_shared>> -> memref<640xf32, #tpu.memory_space<vmem_shared>>
      %dma_wait3A_187 = arith.constant 0 : i32
      %dma_wait3A_188 = tpu.memref_slice %arg9[%dma_wait3A_187] : memref<704xf32, #tpu.memory_space<vmem>> -> memref<640xf32, #tpu.memory_space<vmem>>
      tpu.wait_dma2 semaphore(%run_scoped3A : memref<!tpu.dma_semaphore, #tpu.memory_space<semaphore_mem>>) src(%dma_wait3A_188 : memref<640xf32, #tpu.memory_space<vmem>>) dst(%dma_wait3A_186 : memref<640xf32, #tpu.memory_space<vmem_shared>>)
      tpu.yield
    }) : () -> ()
    %mul3A_53 = arith.constant 704 : i32
    %mul3A_54 = arith.muli %arg1, %mul3A_53 : i32
    "tpu.region"() ({
      %run_scoped3A = tpu.sem_alloc : memref<!tpu.dma_semaphore, #tpu.memory_space<semaphore_mem>>
      %dma_start3A_177 = tpu.memref_slice %arg11[%mul3A_54] : memref<11264xf32, #tpu.memory_space<vmem_shared>> -> memref<704xf32, #tpu.memory_space<vmem_shared>>
      %dma_start3A_178 = tpu.memref_slice %arg11[%mul3A_54] : memref<11264xf32, #tpu.memory_space<vmem_shared>> -> memref<704xf32, #tpu.memory_space<vmem_shared>>
      tpu.enqueue_dma source(%arg9 : memref<704xf32, #tpu.memory_space<vmem>>) target(%dma_start3A_178 : memref<704xf32, #tpu.memory_space<vmem_shared>>) target_semaphore(%run_scoped3A : memref<!tpu.dma_semaphore, #tpu.memory_space<semaphore_mem>>)
      %dma_wait3A_179 = tpu.memref_slice %arg11[%mul3A_54] : memref<11264xf32, #tpu.memory_space<vmem_shared>> -> memref<704xf32, #tpu.memory_space<vmem_shared>>
      %dma_wait3A_180 = tpu.memref_slice %arg11[%mul3A_54] : memref<11264xf32, #tpu.memory_space<vmem_shared>> -> memref<704xf32, #tpu.memory_space<vmem_shared>>
      tpu.wait_dma2 semaphore(%run_scoped3A : memref<!tpu.dma_semaphore, #tpu.memory_space<semaphore_mem>>) src(%arg9 : memref<704xf32, #tpu.memory_space<vmem>>) dst(%dma_wait3A_180 : memref<704xf32, #tpu.memory_space<vmem_shared>>)
      tpu.yield
    }) : () -> ()
    %barrier3A = arith.constant 0 : index
    tpu.barrier barrier_id(%barrier3A)
    %mul3A_55 = arith.constant 16 : i32
    %mul3A_56 = arith.muli %arg0, %mul3A_55 : i32
    %add3A = arith.addi %mul3A_56, %arg1 : i32
    %mul3A_57 = arith.constant 80 : i32
    %mul3A_58 = arith.muli %add3A, %mul3A_57 : i32
    "tpu.region"() ({
      %run_scoped3A = tpu.sem_alloc : memref<!tpu.dma_semaphore, #tpu.memory_space<semaphore_mem>>
      %dma_start3A_177 = arith.constant 0 : i32
      %dma_start3A_178 = tpu.memref_slice %arg2[%mul3A_58, %dma_start3A_177] : memref<2560x128xi32, #tpu.memory_space<hbm>> -> memref<80x128xi32, #tpu.memory_space<hbm>>
      %dma_start3A_179 = arith.constant 0 : i32
      %dma_start3A_180 = tpu.memref_slice %arg2[%mul3A_58, %dma_start3A_179] : memref<2560x128xi32, #tpu.memory_space<hbm>> -> memref<80x128xi32, #tpu.memory_space<hbm>>
      tpu.enqueue_dma source(%dma_start3A_180 : memref<80x128xi32, #tpu.memory_space<hbm>>) target(%arg6 : memref<80x128xi32, #tpu.memory_space<vmem>>) target_semaphore(%run_scoped3A : memref<!tpu.dma_semaphore, #tpu.memory_space<semaphore_mem>>)
      %dma_wait3A_181 = arith.constant 0 : i32
      %dma_wait3A_182 = tpu.memref_slice %arg2[%mul3A_58, %dma_wait3A_181] : memref<2560x128xi32, #tpu.memory_space<hbm>> -> memref<80x128xi32, #tpu.memory_space<hbm>>
      %dma_wait3A_183 = arith.constant 0 : i32
      %dma_wait3A_184 = tpu.memref_slice %arg2[%mul3A_58, %dma_wait3A_183] : memref<2560x128xi32, #tpu.memory_space<hbm>> -> memref<80x128xi32, #tpu.memory_space<hbm>>
      tpu.wait_dma2 semaphore(%run_scoped3A : memref<!tpu.dma_semaphore, #tpu.memory_space<semaphore_mem>>) src(%dma_wait3A_184 : memref<80x128xi32, #tpu.memory_space<hbm>>) dst(%arg6 : memref<80x128xi32, #tpu.memory_space<vmem>>)
      tpu.yield
    }) : () -> ()
    %mul3A_59 = arith.constant 8 : i32
    %mul3A_60 = arith.muli %add3A, %mul3A_59 : i32
    "tpu.region"() ({
      %run_scoped3A = tpu.sem_alloc : memref<!tpu.dma_semaphore, #tpu.memory_space<semaphore_mem>>
      %dma_start3A_177 = arith.constant 0 : i32
      %dma_start3A_178 = tpu.memref_slice %arg3[%mul3A_60, %dma_start3A_177] : memref<256x128xi32, #tpu.memory_space<hbm>> -> memref<8x128xi32, #tpu.memory_space<hbm>>
      %dma_start3A_179 = arith.constant 0 : i32
      %dma_start3A_180 = tpu.memref_slice %arg3[%mul3A_60, %dma_start3A_179] : memref<256x128xi32, #tpu.memory_space<hbm>> -> memref<8x128xi32, #tpu.memory_space<hbm>>
      tpu.enqueue_dma source(%dma_start3A_180 : memref<8x128xi32, #tpu.memory_space<hbm>>) target(%arg7 : memref<8x128xi32, #tpu.memory_space<vmem>>) target_semaphore(%run_scoped3A : memref<!tpu.dma_semaphore, #tpu.memory_space<semaphore_mem>>)
      %dma_wait3A_181 = arith.constant 0 : i32
      %dma_wait3A_182 = tpu.memref_slice %arg3[%mul3A_60, %dma_wait3A_181] : memref<256x128xi32, #tpu.memory_space<hbm>> -> memref<8x128xi32, #tpu.memory_space<hbm>>
      %dma_wait3A_183 = arith.constant 0 : i32
      %dma_wait3A_184 = tpu.memref_slice %arg3[%mul3A_60, %dma_wait3A_183] : memref<256x128xi32, #tpu.memory_space<hbm>> -> memref<8x128xi32, #tpu.memory_space<hbm>>
      tpu.wait_dma2 semaphore(%run_scoped3A : memref<!tpu.dma_semaphore, #tpu.memory_space<semaphore_mem>>) src(%dma_wait3A_184 : memref<8x128xi32, #tpu.memory_space<hbm>>) dst(%arg7 : memref<8x128xi32, #tpu.memory_space<vmem>>)
      tpu.yield
    }) : () -> ()
    %scan3A_61 = arith.constant 0 : i32
    %scan3A_62 = arith.constant 0 : i32
    %scan3A_63 = arith.constant 20 : i32
    %scan3A_64 = arith.addi %scan3A_62, %scan3A_63 : i32
    %scan3A_65 = arith.constant 1 : i32
    %scan3A_66 = scf.for %scan3A_177 = %scan3A_62 to %scan3A_64 step %scan3A_65 iter_args(%scan3A_178 = %scan3A_61) -> (i32)  : i32 {
      %mul3A_179 = arith.constant 4 : i32
      %mul3A_180 = arith.muli %mul3A_179, %scan3A_177 : i32
      %add3A_181 = arith.constant 0 : i32
      %add3A_182 = arith.addi %mul3A_180, %add3A_181 : i32
      %dma_start3A_183 = arith.constant 0 : i32
      %dma_start3A_184 = tpu.memref_slice %arg6[%add3A_182, %dma_start3A_183] : memref<80x128xi32, #tpu.memory_space<vmem>> -> memref<1x128xi32, #tpu.memory_space<vmem>>
      %dma_start3A_185 = tpu.memref_squeeze %dma_start3A_184 : memref<1x128xi32, #tpu.memory_space<vmem>> -> memref<128xi32, #tpu.memory_space<vmem>>
      %dma_start3A_186 = arith.constant 0 : i32
      %dma_start3A_187 = tpu.memref_slice %arg10[%dma_start3A_186] : memref<10240xf32, #tpu.memory_space<vmem_shared>> -> memref<10240xf32, #tpu.memory_space<vmem_shared>>
      tpu.enqueue_indirect_dma source(%arg8 : memref<128xf32, #tpu.memory_space<vmem>>) target(%dma_start3A_187 : memref<10240xf32, #tpu.memory_space<vmem_shared>>) offsets(%dma_start3A_185 : memref<128xi32, #tpu.memory_space<vmem>>) semaphore(%arg12 : memref<!tpu.dma_semaphore, #tpu.memory_space<semaphore_mem>>) {add = true}
      %mul3A_188 = arith.constant 4 : i32
      %mul3A_189 = arith.muli %mul3A_188, %scan3A_177 : i32
      %add3A_190 = arith.constant 1 : i32
      %add3A_191 = arith.addi %mul3A_189, %add3A_190 : i32
      %dma_start3A_192 = arith.constant 0 : i32
      %dma_start3A_193 = tpu.memref_slice %arg6[%add3A_191, %dma_start3A_192] : memref<80x128xi32, #tpu.memory_space<vmem>> -> memref<1x128xi32, #tpu.memory_space<vmem>>
      %dma_start3A_194 = tpu.memref_squeeze %dma_start3A_193 : memref<1x128xi32, #tpu.memory_space<vmem>> -> memref<128xi32, #tpu.memory_space<vmem>>
      %dma_start3A_195 = arith.constant 0 : i32
      %dma_start3A_196 = tpu.memref_slice %arg10[%dma_start3A_195] : memref<10240xf32, #tpu.memory_space<vmem_shared>> -> memref<10240xf32, #tpu.memory_space<vmem_shared>>
      tpu.enqueue_indirect_dma source(%arg8 : memref<128xf32, #tpu.memory_space<vmem>>) target(%dma_start3A_196 : memref<10240xf32, #tpu.memory_space<vmem_shared>>) offsets(%dma_start3A_194 : memref<128xi32, #tpu.memory_space<vmem>>) semaphore(%arg12 : memref<!tpu.dma_semaphore, #tpu.memory_space<semaphore_mem>>) {add = true}
      %mul3A_197 = arith.constant 4 : i32
      %mul3A_198 = arith.muli %mul3A_197, %scan3A_177 : i32
      %add3A_199 = arith.constant 2 : i32
      %add3A_200 = arith.addi %mul3A_198, %add3A_199 : i32
      %dma_start3A_201 = arith.constant 0 : i32
      %dma_start3A_202 = tpu.memref_slice %arg6[%add3A_200, %dma_start3A_201] : memref<80x128xi32, #tpu.memory_space<vmem>> -> memref<1x128xi32, #tpu.memory_space<vmem>>
      %dma_start3A_203 = tpu.memref_squeeze %dma_start3A_202 : memref<1x128xi32, #tpu.memory_space<vmem>> -> memref<128xi32, #tpu.memory_space<vmem>>
      %dma_start3A_204 = arith.constant 0 : i32
      %dma_start3A_205 = tpu.memref_slice %arg10[%dma_start3A_204] : memref<10240xf32, #tpu.memory_space<vmem_shared>> -> memref<10240xf32, #tpu.memory_space<vmem_shared>>
      tpu.enqueue_indirect_dma source(%arg8 : memref<128xf32, #tpu.memory_space<vmem>>) target(%dma_start3A_205 : memref<10240xf32, #tpu.memory_space<vmem_shared>>) offsets(%dma_start3A_203 : memref<128xi32, #tpu.memory_space<vmem>>) semaphore(%arg12 : memref<!tpu.dma_semaphore, #tpu.memory_space<semaphore_mem>>) {add = true}
      %mul3A_206 = arith.constant 4 : i32
      %mul3A_207 = arith.muli %mul3A_206, %scan3A_177 : i32
      %add3A_208 = arith.constant 3 : i32
      %add3A_209 = arith.addi %mul3A_207, %add3A_208 : i32
      %dma_start3A_210 = arith.constant 0 : i32
      %dma_start3A_211 = tpu.memref_slice %arg6[%add3A_209, %dma_start3A_210] : memref<80x128xi32, #tpu.memory_space<vmem>> -> memref<1x128xi32, #tpu.memory_space<vmem>>
      %dma_start3A_212 = tpu.memref_squeeze %dma_start3A_211 : memref<1x128xi32, #tpu.memory_space<vmem>> -> memref<128xi32, #tpu.memory_space<vmem>>
      %dma_start3A_213 = arith.constant 0 : i32
      %dma_start3A_214 = tpu.memref_slice %arg10[%dma_start3A_213] : memref<10240xf32, #tpu.memory_space<vmem_shared>> -> memref<10240xf32, #tpu.memory_space<vmem_shared>>
      tpu.enqueue_indirect_dma source(%arg8 : memref<128xf32, #tpu.memory_space<vmem>>) target(%dma_start3A_214 : memref<10240xf32, #tpu.memory_space<vmem_shared>>) offsets(%dma_start3A_212 : memref<128xi32, #tpu.memory_space<vmem>>) semaphore(%arg12 : memref<!tpu.dma_semaphore, #tpu.memory_space<semaphore_mem>>) {add = true}
      %dma_wait3A_215 = arith.constant 0 : i32
      %dma_wait3A_216 = arith.constant 0 : i32
      %dma_wait3A_217 = tpu.memref_slice %arg6[%dma_wait3A_215, %dma_wait3A_216] : memref<80x128xi32, #tpu.memory_space<vmem>> -> memref<1x128xi32, #tpu.memory_space<vmem>>
      %dma_wait3A_218 = tpu.memref_squeeze %dma_wait3A_217 : memref<1x128xi32, #tpu.memory_space<vmem>> -> memref<128xi32, #tpu.memory_space<vmem>>
      %dma_wait3A_219 = arith.constant 0 : i32
      %dma_wait3A_220 = tpu.memref_slice %arg10[%dma_wait3A_219] : memref<10240xf32, #tpu.memory_space<vmem_shared>> -> memref<10240xf32, #tpu.memory_space<vmem_shared>>
      tpu.wait_indirect_dma semaphore(%arg12 : memref<!tpu.dma_semaphore, #tpu.memory_space<semaphore_mem>>) src(%arg8 : memref<128xf32, #tpu.memory_space<vmem>>) dst(%dma_wait3A_220 : memref<10240xf32, #tpu.memory_space<vmem_shared>>)
      %dma_wait3A_221 = arith.constant 0 : i32
      %dma_wait3A_222 = arith.constant 0 : i32
      %dma_wait3A_223 = tpu.memref_slice %arg6[%dma_wait3A_221, %dma_wait3A_222] : memref<80x128xi32, #tpu.memory_space<vmem>> -> memref<1x128xi32, #tpu.memory_space<vmem>>
      %dma_wait3A_224 = tpu.memref_squeeze %dma_wait3A_223 : memref<1x128xi32, #tpu.memory_space<vmem>> -> memref<128xi32, #tpu.memory_space<vmem>>
      %dma_wait3A_225 = arith.constant 0 : i32
      %dma_wait3A_226 = tpu.memref_slice %arg10[%dma_wait3A_225] : memref<10240xf32, #tpu.memory_space<vmem_shared>> -> memref<10240xf32, #tpu.memory_space<vmem_shared>>
      tpu.wait_indirect_dma semaphore(%arg12 : memref<!tpu.dma_semaphore, #tpu.memory_space<semaphore_mem>>) src(%arg8 : memref<128xf32, #tpu.memory_space<vmem>>) dst(%dma_wait3A_226 : memref<10240xf32, #tpu.memory_space<vmem_shared>>)
      %dma_wait3A_227 = arith.constant 0 : i32
      %dma_wait3A_228 = arith.constant 0 : i32
      %dma_wait3A_229 = tpu.memref_slice %arg6[%dma_wait3A_227, %dma_wait3A_228] : memref<80x128xi32, #tpu.memory_space<vmem>> -> memref<1x128xi32, #tpu.memory_space<vmem>>
      %dma_wait3A_230 = tpu.memref_squeeze %dma_wait3A_229 : memref<1x128xi32, #tpu.memory_space<vmem>> -> memref<128xi32, #tpu.memory_space<vmem>>
      %dma_wait3A_231 = arith.constant 0 : i32
      %dma_wait3A_232 = tpu.memref_slice %arg10[%dma_wait3A_231] : memref<10240xf32, #tpu.memory_space<vmem_shared>> -> memref<10240xf32, #tpu.memory_space<vmem_shared>>
      tpu.wait_indirect_dma semaphore(%arg12 : memref<!tpu.dma_semaphore, #tpu.memory_space<semaphore_mem>>) src(%arg8 : memref<128xf32, #tpu.memory_space<vmem>>) dst(%dma_wait3A_232 : memref<10240xf32, #tpu.memory_space<vmem_shared>>)
      %dma_wait3A_233 = arith.constant 0 : i32
      %dma_wait3A_234 = arith.constant 0 : i32
      %dma_wait3A_235 = tpu.memref_slice %arg6[%dma_wait3A_233, %dma_wait3A_234] : memref<80x128xi32, #tpu.memory_space<vmem>> -> memref<1x128xi32, #tpu.memory_space<vmem>>
      %dma_wait3A_236 = tpu.memref_squeeze %dma_wait3A_235 : memref<1x128xi32, #tpu.memory_space<vmem>> -> memref<128xi32, #tpu.memory_space<vmem>>
      %dma_wait3A_237 = arith.constant 0 : i32
      %dma_wait3A_238 = tpu.memref_slice %arg10[%dma_wait3A_237] : memref<10240xf32, #tpu.memory_space<vmem_shared>> -> memref<10240xf32, #tpu.memory_space<vmem_shared>>
      tpu.wait_indirect_dma semaphore(%arg12 : memref<!tpu.dma_semaphore, #tpu.memory_space<semaphore_mem>>) src(%arg8 : memref<128xf32, #tpu.memory_space<vmem>>) dst(%dma_wait3A_238 : memref<10240xf32, #tpu.memory_space<vmem_shared>>)
      %scan3A_239 = arith.constant 0 : i32
      scf.yield %scan3A_239 : i32
    }
    %scan3A_67 = arith.constant 20 : i32
    %dma_start3A = arith.constant 0 : i32
    %dma_start3A_68 = arith.constant 0 : i32
    %dma_start3A_69 = tpu.memref_slice %arg7[%dma_start3A, %dma_start3A_68] : memref<8x128xi32, #tpu.memory_space<vmem>> -> memref<1x128xi32, #tpu.memory_space<vmem>>
    %dma_start3A_70 = tpu.memref_squeeze %dma_start3A_69 : memref<1x128xi32, #tpu.memory_space<vmem>> -> memref<128xi32, #tpu.memory_space<vmem>>
    %dma_start3A_71 = arith.constant 0 : i32
    %dma_start3A_72 = tpu.memref_slice %arg11[%dma_start3A_71] : memref<11264xf32, #tpu.memory_space<vmem_shared>> -> memref<11264xf32, #tpu.memory_space<vmem_shared>>
    tpu.enqueue_indirect_dma source(%arg8 : memref<128xf32, #tpu.memory_space<vmem>>) target(%dma_start3A_72 : memref<11264xf32, #tpu.memory_space<vmem_shared>>) offsets(%dma_start3A_70 : memref<128xi32, #tpu.memory_space<vmem>>) semaphore(%arg12 : memref<!tpu.dma_semaphore, #tpu.memory_space<semaphore_mem>>) {add = true}
    %dma_start3A_73 = arith.constant 1 : i32
    %dma_start3A_74 = arith.constant 0 : i32
    %dma_start3A_75 = tpu.memref_slice %arg7[%dma_start3A_73, %dma_start3A_74] : memref<8x128xi32, #tpu.memory_space<vmem>> -> memref<1x128xi32, #tpu.memory_space<vmem>>
    %dma_start3A_76 = tpu.memref_squeeze %dma_start3A_75 : memref<1x128xi32, #tpu.memory_space<vmem>> -> memref<128xi32, #tpu.memory_space<vmem>>
    %dma_start3A_77 = arith.constant 0 : i32
    %dma_start3A_78 = tpu.memref_slice %arg11[%dma_start3A_77] : memref<11264xf32, #tpu.memory_space<vmem_shared>> -> memref<11264xf32, #tpu.memory_space<vmem_shared>>
    tpu.enqueue_indirect_dma source(%arg8 : memref<128xf32, #tpu.memory_space<vmem>>) target(%dma_start3A_78 : memref<11264xf32, #tpu.memory_space<vmem_shared>>) offsets(%dma_start3A_76 : memref<128xi32, #tpu.memory_space<vmem>>) semaphore(%arg12 : memref<!tpu.dma_semaphore, #tpu.memory_space<semaphore_mem>>) {add = true}
    %dma_start3A_79 = arith.constant 2 : i32
    %dma_start3A_80 = arith.constant 0 : i32
    %dma_start3A_81 = tpu.memref_slice %arg7[%dma_start3A_79, %dma_start3A_80] : memref<8x128xi32, #tpu.memory_space<vmem>> -> memref<1x128xi32, #tpu.memory_space<vmem>>
    %dma_start3A_82 = tpu.memref_squeeze %dma_start3A_81 : memref<1x128xi32, #tpu.memory_space<vmem>> -> memref<128xi32, #tpu.memory_space<vmem>>
    %dma_start3A_83 = arith.constant 0 : i32
    %dma_start3A_84 = tpu.memref_slice %arg11[%dma_start3A_83] : memref<11264xf32, #tpu.memory_space<vmem_shared>> -> memref<11264xf32, #tpu.memory_space<vmem_shared>>
    tpu.enqueue_indirect_dma source(%arg8 : memref<128xf32, #tpu.memory_space<vmem>>) target(%dma_start3A_84 : memref<11264xf32, #tpu.memory_space<vmem_shared>>) offsets(%dma_start3A_82 : memref<128xi32, #tpu.memory_space<vmem>>) semaphore(%arg12 : memref<!tpu.dma_semaphore, #tpu.memory_space<semaphore_mem>>) {add = true}
    %dma_start3A_85 = arith.constant 3 : i32
    %dma_start3A_86 = arith.constant 0 : i32
    %dma_start3A_87 = tpu.memref_slice %arg7[%dma_start3A_85, %dma_start3A_86] : memref<8x128xi32, #tpu.memory_space<vmem>> -> memref<1x128xi32, #tpu.memory_space<vmem>>
    %dma_start3A_88 = tpu.memref_squeeze %dma_start3A_87 : memref<1x128xi32, #tpu.memory_space<vmem>> -> memref<128xi32, #tpu.memory_space<vmem>>
    %dma_start3A_89 = arith.constant 0 : i32
    %dma_start3A_90 = tpu.memref_slice %arg11[%dma_start3A_89] : memref<11264xf32, #tpu.memory_space<vmem_shared>> -> memref<11264xf32, #tpu.memory_space<vmem_shared>>
    tpu.enqueue_indirect_dma source(%arg8 : memref<128xf32, #tpu.memory_space<vmem>>) target(%dma_start3A_90 : memref<11264xf32, #tpu.memory_space<vmem_shared>>) offsets(%dma_start3A_88 : memref<128xi32, #tpu.memory_space<vmem>>) semaphore(%arg12 : memref<!tpu.dma_semaphore, #tpu.memory_space<semaphore_mem>>) {add = true}
    %dma_start3A_91 = arith.constant 4 : i32
    %dma_start3A_92 = arith.constant 0 : i32
    %dma_start3A_93 = tpu.memref_slice %arg7[%dma_start3A_91, %dma_start3A_92] : memref<8x128xi32, #tpu.memory_space<vmem>> -> memref<1x128xi32, #tpu.memory_space<vmem>>
    %dma_start3A_94 = tpu.memref_squeeze %dma_start3A_93 : memref<1x128xi32, #tpu.memory_space<vmem>> -> memref<128xi32, #tpu.memory_space<vmem>>
    %dma_start3A_95 = arith.constant 0 : i32
    %dma_start3A_96 = tpu.memref_slice %arg11[%dma_start3A_95] : memref<11264xf32, #tpu.memory_space<vmem_shared>> -> memref<11264xf32, #tpu.memory_space<vmem_shared>>
    tpu.enqueue_indirect_dma source(%arg8 : memref<128xf32, #tpu.memory_space<vmem>>) target(%dma_start3A_96 : memref<11264xf32, #tpu.memory_space<vmem_shared>>) offsets(%dma_start3A_94 : memref<128xi32, #tpu.memory_space<vmem>>) semaphore(%arg12 : memref<!tpu.dma_semaphore, #tpu.memory_space<semaphore_mem>>) {add = true}
    %dma_start3A_97 = arith.constant 5 : i32
    %dma_start3A_98 = arith.constant 0 : i32
    %dma_start3A_99 = tpu.memref_slice %arg7[%dma_start3A_97, %dma_start3A_98] : memref<8x128xi32, #tpu.memory_space<vmem>> -> memref<1x128xi32, #tpu.memory_space<vmem>>
    %dma_start3A_100 = tpu.memref_squeeze %dma_start3A_99 : memref<1x128xi32, #tpu.memory_space<vmem>> -> memref<128xi32, #tpu.memory_space<vmem>>
    %dma_start3A_101 = arith.constant 0 : i32
    %dma_start3A_102 = tpu.memref_slice %arg11[%dma_start3A_101] : memref<11264xf32, #tpu.memory_space<vmem_shared>> -> memref<11264xf32, #tpu.memory_space<vmem_shared>>
    tpu.enqueue_indirect_dma source(%arg8 : memref<128xf32, #tpu.memory_space<vmem>>) target(%dma_start3A_102 : memref<11264xf32, #tpu.memory_space<vmem_shared>>) offsets(%dma_start3A_100 : memref<128xi32, #tpu.memory_space<vmem>>) semaphore(%arg12 : memref<!tpu.dma_semaphore, #tpu.memory_space<semaphore_mem>>) {add = true}
    %dma_start3A_103 = arith.constant 6 : i32
    %dma_start3A_104 = arith.constant 0 : i32
    %dma_start3A_105 = tpu.memref_slice %arg7[%dma_start3A_103, %dma_start3A_104] : memref<8x128xi32, #tpu.memory_space<vmem>> -> memref<1x128xi32, #tpu.memory_space<vmem>>
    %dma_start3A_106 = tpu.memref_squeeze %dma_start3A_105 : memref<1x128xi32, #tpu.memory_space<vmem>> -> memref<128xi32, #tpu.memory_space<vmem>>
    %dma_start3A_107 = arith.constant 0 : i32
    %dma_start3A_108 = tpu.memref_slice %arg11[%dma_start3A_107] : memref<11264xf32, #tpu.memory_space<vmem_shared>> -> memref<11264xf32, #tpu.memory_space<vmem_shared>>
    tpu.enqueue_indirect_dma source(%arg8 : memref<128xf32, #tpu.memory_space<vmem>>) target(%dma_start3A_108 : memref<11264xf32, #tpu.memory_space<vmem_shared>>) offsets(%dma_start3A_106 : memref<128xi32, #tpu.memory_space<vmem>>) semaphore(%arg12 : memref<!tpu.dma_semaphore, #tpu.memory_space<semaphore_mem>>) {add = true}
    %dma_start3A_109 = arith.constant 7 : i32
    %dma_start3A_110 = arith.constant 0 : i32
    %dma_start3A_111 = tpu.memref_slice %arg7[%dma_start3A_109, %dma_start3A_110] : memref<8x128xi32, #tpu.memory_space<vmem>> -> memref<1x128xi32, #tpu.memory_space<vmem>>
    %dma_start3A_112 = tpu.memref_squeeze %dma_start3A_111 : memref<1x128xi32, #tpu.memory_space<vmem>> -> memref<128xi32, #tpu.memory_space<vmem>>
    %dma_start3A_113 = arith.constant 0 : i32
    %dma_start3A_114 = tpu.memref_slice %arg11[%dma_start3A_113] : memref<11264xf32, #tpu.memory_space<vmem_shared>> -> memref<11264xf32, #tpu.memory_space<vmem_shared>>
    tpu.enqueue_indirect_dma source(%arg8 : memref<128xf32, #tpu.memory_space<vmem>>) target(%dma_start3A_114 : memref<11264xf32, #tpu.memory_space<vmem_shared>>) offsets(%dma_start3A_112 : memref<128xi32, #tpu.memory_space<vmem>>) semaphore(%arg12 : memref<!tpu.dma_semaphore, #tpu.memory_space<semaphore_mem>>) {add = true}
    %dma_wait3A = arith.constant 0 : i32
    %dma_wait3A_115 = arith.constant 0 : i32
    %dma_wait3A_116 = tpu.memref_slice %arg7[%dma_wait3A, %dma_wait3A_115] : memref<8x128xi32, #tpu.memory_space<vmem>> -> memref<1x128xi32, #tpu.memory_space<vmem>>
    %dma_wait3A_117 = tpu.memref_squeeze %dma_wait3A_116 : memref<1x128xi32, #tpu.memory_space<vmem>> -> memref<128xi32, #tpu.memory_space<vmem>>
    %dma_wait3A_118 = arith.constant 0 : i32
    %dma_wait3A_119 = tpu.memref_slice %arg11[%dma_wait3A_118] : memref<11264xf32, #tpu.memory_space<vmem_shared>> -> memref<11264xf32, #tpu.memory_space<vmem_shared>>
    tpu.wait_indirect_dma semaphore(%arg12 : memref<!tpu.dma_semaphore, #tpu.memory_space<semaphore_mem>>) src(%arg8 : memref<128xf32, #tpu.memory_space<vmem>>) dst(%dma_wait3A_119 : memref<11264xf32, #tpu.memory_space<vmem_shared>>)
    %dma_wait3A_120 = arith.constant 0 : i32
    %dma_wait3A_121 = arith.constant 0 : i32
    %dma_wait3A_122 = tpu.memref_slice %arg7[%dma_wait3A_120, %dma_wait3A_121] : memref<8x128xi32, #tpu.memory_space<vmem>> -> memref<1x128xi32, #tpu.memory_space<vmem>>
    %dma_wait3A_123 = tpu.memref_squeeze %dma_wait3A_122 : memref<1x128xi32, #tpu.memory_space<vmem>> -> memref<128xi32, #tpu.memory_space<vmem>>
    %dma_wait3A_124 = arith.constant 0 : i32
    %dma_wait3A_125 = tpu.memref_slice %arg11[%dma_wait3A_124] : memref<11264xf32, #tpu.memory_space<vmem_shared>> -> memref<11264xf32, #tpu.memory_space<vmem_shared>>
    tpu.wait_indirect_dma semaphore(%arg12 : memref<!tpu.dma_semaphore, #tpu.memory_space<semaphore_mem>>) src(%arg8 : memref<128xf32, #tpu.memory_space<vmem>>) dst(%dma_wait3A_125 : memref<11264xf32, #tpu.memory_space<vmem_shared>>)
    %dma_wait3A_126 = arith.constant 0 : i32
    %dma_wait3A_127 = arith.constant 0 : i32
    %dma_wait3A_128 = tpu.memref_slice %arg7[%dma_wait3A_126, %dma_wait3A_127] : memref<8x128xi32, #tpu.memory_space<vmem>> -> memref<1x128xi32, #tpu.memory_space<vmem>>
    %dma_wait3A_129 = tpu.memref_squeeze %dma_wait3A_128 : memref<1x128xi32, #tpu.memory_space<vmem>> -> memref<128xi32, #tpu.memory_space<vmem>>
    %dma_wait3A_130 = arith.constant 0 : i32
    %dma_wait3A_131 = tpu.memref_slice %arg11[%dma_wait3A_130] : memref<11264xf32, #tpu.memory_space<vmem_shared>> -> memref<11264xf32, #tpu.memory_space<vmem_shared>>
    tpu.wait_indirect_dma semaphore(%arg12 : memref<!tpu.dma_semaphore, #tpu.memory_space<semaphore_mem>>) src(%arg8 : memref<128xf32, #tpu.memory_space<vmem>>) dst(%dma_wait3A_131 : memref<11264xf32, #tpu.memory_space<vmem_shared>>)
    %dma_wait3A_132 = arith.constant 0 : i32
    %dma_wait3A_133 = arith.constant 0 : i32
    %dma_wait3A_134 = tpu.memref_slice %arg7[%dma_wait3A_132, %dma_wait3A_133] : memref<8x128xi32, #tpu.memory_space<vmem>> -> memref<1x128xi32, #tpu.memory_space<vmem>>
    %dma_wait3A_135 = tpu.memref_squeeze %dma_wait3A_134 : memref<1x128xi32, #tpu.memory_space<vmem>> -> memref<128xi32, #tpu.memory_space<vmem>>
    %dma_wait3A_136 = arith.constant 0 : i32
    %dma_wait3A_137 = tpu.memref_slice %arg11[%dma_wait3A_136] : memref<11264xf32, #tpu.memory_space<vmem_shared>> -> memref<11264xf32, #tpu.memory_space<vmem_shared>>
    tpu.wait_indirect_dma semaphore(%arg12 : memref<!tpu.dma_semaphore, #tpu.memory_space<semaphore_mem>>) src(%arg8 : memref<128xf32, #tpu.memory_space<vmem>>) dst(%dma_wait3A_137 : memref<11264xf32, #tpu.memory_space<vmem_shared>>)
    %dma_wait3A_138 = arith.constant 0 : i32
    %dma_wait3A_139 = arith.constant 0 : i32
    %dma_wait3A_140 = tpu.memref_slice %arg7[%dma_wait3A_138, %dma_wait3A_139] : memref<8x128xi32, #tpu.memory_space<vmem>> -> memref<1x128xi32, #tpu.memory_space<vmem>>
    %dma_wait3A_141 = tpu.memref_squeeze %dma_wait3A_140 : memref<1x128xi32, #tpu.memory_space<vmem>> -> memref<128xi32, #tpu.memory_space<vmem>>
    %dma_wait3A_142 = arith.constant 0 : i32
    %dma_wait3A_143 = tpu.memref_slice %arg11[%dma_wait3A_142] : memref<11264xf32, #tpu.memory_space<vmem_shared>> -> memref<11264xf32, #tpu.memory_space<vmem_shared>>
    tpu.wait_indirect_dma semaphore(%arg12 : memref<!tpu.dma_semaphore, #tpu.memory_space<semaphore_mem>>) src(%arg8 : memref<128xf32, #tpu.memory_space<vmem>>) dst(%dma_wait3A_143 : memref<11264xf32, #tpu.memory_space<vmem_shared>>)
    %dma_wait3A_144 = arith.constant 0 : i32
    %dma_wait3A_145 = arith.constant 0 : i32
    %dma_wait3A_146 = tpu.memref_slice %arg7[%dma_wait3A_144, %dma_wait3A_145] : memref<8x128xi32, #tpu.memory_space<vmem>> -> memref<1x128xi32, #tpu.memory_space<vmem>>
    %dma_wait3A_147 = tpu.memref_squeeze %dma_wait3A_146 : memref<1x128xi32, #tpu.memory_space<vmem>> -> memref<128xi32, #tpu.memory_space<vmem>>
    %dma_wait3A_148 = arith.constant 0 : i32
    %dma_wait3A_149 = tpu.memref_slice %arg11[%dma_wait3A_148] : memref<11264xf32, #tpu.memory_space<vmem_shared>> -> memref<11264xf32, #tpu.memory_space<vmem_shared>>
    tpu.wait_indirect_dma semaphore(%arg12 : memref<!tpu.dma_semaphore, #tpu.memory_space<semaphore_mem>>) src(%arg8 : memref<128xf32, #tpu.memory_space<vmem>>) dst(%dma_wait3A_149 : memref<11264xf32, #tpu.memory_space<vmem_shared>>)
    %dma_wait3A_150 = arith.constant 0 : i32
    %dma_wait3A_151 = arith.constant 0 : i32
    %dma_wait3A_152 = tpu.memref_slice %arg7[%dma_wait3A_150, %dma_wait3A_151] : memref<8x128xi32, #tpu.memory_space<vmem>> -> memref<1x128xi32, #tpu.memory_space<vmem>>
    %dma_wait3A_153 = tpu.memref_squeeze %dma_wait3A_152 : memref<1x128xi32, #tpu.memory_space<vmem>> -> memref<128xi32, #tpu.memory_space<vmem>>
    %dma_wait3A_154 = arith.constant 0 : i32
    %dma_wait3A_155 = tpu.memref_slice %arg11[%dma_wait3A_154] : memref<11264xf32, #tpu.memory_space<vmem_shared>> -> memref<11264xf32, #tpu.memory_space<vmem_shared>>
    tpu.wait_indirect_dma semaphore(%arg12 : memref<!tpu.dma_semaphore, #tpu.memory_space<semaphore_mem>>) src(%arg8 : memref<128xf32, #tpu.memory_space<vmem>>) dst(%dma_wait3A_155 : memref<11264xf32, #tpu.memory_space<vmem_shared>>)
    %dma_wait3A_156 = arith.constant 0 : i32
    %dma_wait3A_157 = arith.constant 0 : i32
    %dma_wait3A_158 = tpu.memref_slice %arg7[%dma_wait3A_156, %dma_wait3A_157] : memref<8x128xi32, #tpu.memory_space<vmem>> -> memref<1x128xi32, #tpu.memory_space<vmem>>
    %dma_wait3A_159 = tpu.memref_squeeze %dma_wait3A_158 : memref<1x128xi32, #tpu.memory_space<vmem>> -> memref<128xi32, #tpu.memory_space<vmem>>
    %dma_wait3A_160 = arith.constant 0 : i32
    %dma_wait3A_161 = tpu.memref_slice %arg11[%dma_wait3A_160] : memref<11264xf32, #tpu.memory_space<vmem_shared>> -> memref<11264xf32, #tpu.memory_space<vmem_shared>>
    tpu.wait_indirect_dma semaphore(%arg12 : memref<!tpu.dma_semaphore, #tpu.memory_space<semaphore_mem>>) src(%arg8 : memref<128xf32, #tpu.memory_space<vmem>>) dst(%dma_wait3A_161 : memref<11264xf32, #tpu.memory_space<vmem_shared>>)
    %barrier3A_162 = arith.constant 0 : index
    tpu.barrier barrier_id(%barrier3A_162)
    %mul3A_163 = arith.constant 640 : i32
    %mul3A_164 = arith.muli %arg1, %mul3A_163 : i32
    "tpu.region"() ({
      %run_scoped3A = tpu.sem_alloc : memref<!tpu.dma_semaphore, #tpu.memory_space<semaphore_mem>>
      %dma_start3A_177 = arith.constant 0 : i32
      %dma_start3A_178 = tpu.memref_slice %arg9[%dma_start3A_177] : memref<704xf32, #tpu.memory_space<vmem>> -> memref<640xf32, #tpu.memory_space<vmem>>
      %dma_start3A_179 = tpu.memref_slice %arg10[%mul3A_164] : memref<10240xf32, #tpu.memory_space<vmem_shared>> -> memref<640xf32, #tpu.memory_space<vmem_shared>>
      %dma_start3A_180 = arith.constant 0 : i32
      %dma_start3A_181 = tpu.memref_slice %arg9[%dma_start3A_180] : memref<704xf32, #tpu.memory_space<vmem>> -> memref<640xf32, #tpu.memory_space<vmem>>
      %dma_start3A_182 = tpu.memref_slice %arg10[%mul3A_164] : memref<10240xf32, #tpu.memory_space<vmem_shared>> -> memref<640xf32, #tpu.memory_space<vmem_shared>>
      tpu.enqueue_dma source(%dma_start3A_182 : memref<640xf32, #tpu.memory_space<vmem_shared>>) target(%dma_start3A_181 : memref<640xf32, #tpu.memory_space<vmem>>) target_semaphore(%run_scoped3A : memref<!tpu.dma_semaphore, #tpu.memory_space<semaphore_mem>>)
      %dma_wait3A_183 = arith.constant 0 : i32
      %dma_wait3A_184 = tpu.memref_slice %arg9[%dma_wait3A_183] : memref<704xf32, #tpu.memory_space<vmem>> -> memref<640xf32, #tpu.memory_space<vmem>>
      %dma_wait3A_185 = tpu.memref_slice %arg10[%mul3A_164] : memref<10240xf32, #tpu.memory_space<vmem_shared>> -> memref<640xf32, #tpu.memory_space<vmem_shared>>
      %dma_wait3A_186 = arith.constant 0 : i32
      %dma_wait3A_187 = tpu.memref_slice %arg9[%dma_wait3A_186] : memref<704xf32, #tpu.memory_space<vmem>> -> memref<640xf32, #tpu.memory_space<vmem>>
      %dma_wait3A_188 = tpu.memref_slice %arg10[%mul3A_164] : memref<10240xf32, #tpu.memory_space<vmem_shared>> -> memref<640xf32, #tpu.memory_space<vmem_shared>>
      tpu.wait_dma2 semaphore(%run_scoped3A : memref<!tpu.dma_semaphore, #tpu.memory_space<semaphore_mem>>) src(%dma_wait3A_188 : memref<640xf32, #tpu.memory_space<vmem_shared>>) dst(%dma_wait3A_187 : memref<640xf32, #tpu.memory_space<vmem>>)
      tpu.yield
    }) : () -> ()
    %mul3A_165 = arith.constant 10240 : i32
    %mul3A_166 = arith.muli %arg0, %mul3A_165 : i32
    %mul3A_167 = arith.constant 640 : i32
    %mul3A_168 = arith.muli %arg1, %mul3A_167 : i32
    %add3A_169 = arith.addi %mul3A_166, %mul3A_168 : i32
    "tpu.region"() ({
      %run_scoped3A = tpu.sem_alloc : memref<!tpu.dma_semaphore, #tpu.memory_space<semaphore_mem>>
      %dma_start3A_177 = arith.constant 0 : i32
      %dma_start3A_178 = tpu.memref_slice %arg9[%dma_start3A_177] : memref<704xf32, #tpu.memory_space<vmem>> -> memref<640xf32, #tpu.memory_space<vmem>>
      %dma_start3A_179 = tpu.memref_slice %arg4[%add3A_169] : memref<20480xf32, #tpu.memory_space<hbm>> -> memref<640xf32, #tpu.memory_space<hbm>>
      %dma_start3A_180 = tpu.memref_slice %arg4[%add3A_169] : memref<20480xf32, #tpu.memory_space<hbm>> -> memref<640xf32, #tpu.memory_space<hbm>>
      %dma_start3A_181 = arith.constant 0 : i32
      %dma_start3A_182 = tpu.memref_slice %arg9[%dma_start3A_181] : memref<704xf32, #tpu.memory_space<vmem>> -> memref<640xf32, #tpu.memory_space<vmem>>
      tpu.enqueue_dma source(%dma_start3A_182 : memref<640xf32, #tpu.memory_space<vmem>>) target(%dma_start3A_180 : memref<640xf32, #tpu.memory_space<hbm>>) target_semaphore(%run_scoped3A : memref<!tpu.dma_semaphore, #tpu.memory_space<semaphore_mem>>)
      %dma_wait3A_183 = arith.constant 0 : i32
      %dma_wait3A_184 = tpu.memref_slice %arg9[%dma_wait3A_183] : memref<704xf32, #tpu.memory_space<vmem>> -> memref<640xf32, #tpu.memory_space<vmem>>
      %dma_wait3A_185 = tpu.memref_slice %arg4[%add3A_169] : memref<20480xf32, #tpu.memory_space<hbm>> -> memref<640xf32, #tpu.memory_space<hbm>>
      %dma_wait3A_186 = tpu.memref_slice %arg4[%add3A_169] : memref<20480xf32, #tpu.memory_space<hbm>> -> memref<640xf32, #tpu.memory_space<hbm>>
      %dma_wait3A_187 = arith.constant 0 : i32
      %dma_wait3A_188 = tpu.memref_slice %arg9[%dma_wait3A_187] : memref<704xf32, #tpu.memory_space<vmem>> -> memref<640xf32, #tpu.memory_space<vmem>>
      tpu.wait_dma2 semaphore(%run_scoped3A : memref<!tpu.dma_semaphore, #tpu.memory_space<semaphore_mem>>) src(%dma_wait3A_188 : memref<640xf32, #tpu.memory_space<vmem>>) dst(%dma_wait3A_186 : memref<640xf32, #tpu.memory_space<hbm>>)
      tpu.yield
    }) : () -> ()
    %mul3A_170 = arith.constant 704 : i32
    %mul3A_171 = arith.muli %arg1, %mul3A_170 : i32
    "tpu.region"() ({
      %run_scoped3A = tpu.sem_alloc : memref<!tpu.dma_semaphore, #tpu.memory_space<semaphore_mem>>
      %dma_start3A_177 = tpu.memref_slice %arg11[%mul3A_171] : memref<11264xf32, #tpu.memory_space<vmem_shared>> -> memref<704xf32, #tpu.memory_space<vmem_shared>>
      %dma_start3A_178 = tpu.memref_slice %arg11[%mul3A_171] : memref<11264xf32, #tpu.memory_space<vmem_shared>> -> memref<704xf32, #tpu.memory_space<vmem_shared>>
      tpu.enqueue_dma source(%dma_start3A_178 : memref<704xf32, #tpu.memory_space<vmem_shared>>) target(%arg9 : memref<704xf32, #tpu.memory_space<vmem>>) target_semaphore(%run_scoped3A : memref<!tpu.dma_semaphore, #tpu.memory_space<semaphore_mem>>)
      %dma_wait3A_179 = tpu.memref_slice %arg11[%mul3A_171] : memref<11264xf32, #tpu.memory_space<vmem_shared>> -> memref<704xf32, #tpu.memory_space<vmem_shared>>
      %dma_wait3A_180 = tpu.memref_slice %arg11[%mul3A_171] : memref<11264xf32, #tpu.memory_space<vmem_shared>> -> memref<704xf32, #tpu.memory_space<vmem_shared>>
      tpu.wait_dma2 semaphore(%run_scoped3A : memref<!tpu.dma_semaphore, #tpu.memory_space<semaphore_mem>>) src(%dma_wait3A_180 : memref<704xf32, #tpu.memory_space<vmem_shared>>) dst(%arg9 : memref<704xf32, #tpu.memory_space<vmem>>)
      tpu.yield
    }) : () -> ()
    %mul3A_172 = arith.constant 11264 : i32
    %mul3A_173 = arith.muli %arg0, %mul3A_172 : i32
    %mul3A_174 = arith.constant 704 : i32
    %mul3A_175 = arith.muli %arg1, %mul3A_174 : i32
    %add3A_176 = arith.addi %mul3A_173, %mul3A_175 : i32
    "tpu.region"() ({
      %run_scoped3A = tpu.sem_alloc : memref<!tpu.dma_semaphore, #tpu.memory_space<semaphore_mem>>
      %dma_start3A_177 = tpu.memref_slice %arg5[%add3A_176] : memref<22528xf32, #tpu.memory_space<hbm>> -> memref<704xf32, #tpu.memory_space<hbm>>
      %dma_start3A_178 = tpu.memref_slice %arg5[%add3A_176] : memref<22528xf32, #tpu.memory_space<hbm>> -> memref<704xf32, #tpu.memory_space<hbm>>
      tpu.enqueue_dma source(%arg9 : memref<704xf32, #tpu.memory_space<vmem>>) target(%dma_start3A_178 : memref<704xf32, #tpu.memory_space<hbm>>) target_semaphore(%run_scoped3A : memref<!tpu.dma_semaphore, #tpu.memory_space<semaphore_mem>>)
      %dma_wait3A_179 = tpu.memref_slice %arg5[%add3A_176] : memref<22528xf32, #tpu.memory_space<hbm>> -> memref<704xf32, #tpu.memory_space<hbm>>
      %dma_wait3A_180 = tpu.memref_slice %arg5[%add3A_176] : memref<22528xf32, #tpu.memory_space<hbm>> -> memref<704xf32, #tpu.memory_space<hbm>>
      tpu.wait_dma2 semaphore(%run_scoped3A : memref<!tpu.dma_semaphore, #tpu.memory_space<semaphore_mem>>) src(%arg9 : memref<704xf32, #tpu.memory_space<vmem>>) dst(%dma_wait3A_180 : memref<704xf32, #tpu.memory_space<hbm>>)
      tpu.yield
    }) : () -> ()
    return
  }
}

#map = affine_map<(d0, d1) -> (0, 0)>
#map1 = affine_map<(d0, d1) -> (0, 0, 0)>
module attributes {stable_mosaic.version = 14 : i64} {
  func.func @agg(%arg0: i32, %arg1: i32, %arg2: memref<11264x16xf32, #tpu.memory_space<hbm>>, %arg3: memref<256x128xi32, #tpu.memory_space<hbm>>, %arg4: memref<256x128xi32, #tpu.memory_space<hbm>>, %arg5: memref<2x11264x16xf32, #tpu.memory_space<hbm>>, %arg6: memref<8x128xi32, #tpu.memory_space<vmem>>, %arg7: memref<8x128xi32, #tpu.memory_space<vmem>>, %arg8: memref<128x16xf32, #tpu.memory_space<vmem>>, %arg9: memref<128x16xf32, #tpu.memory_space<vmem>>, %arg10: memref<128x16xf32, #tpu.memory_space<vmem>>, %arg11: memref<128x16xf32, #tpu.memory_space<vmem>>, %arg12: memref<64x16xf32, #tpu.memory_space<vmem>>, %arg13: memref<11264x16xf32, #tpu.memory_space<vmem_shared>>, %arg14: memref<!tpu.dma_semaphore, #tpu.memory_space<semaphore_mem>>, %arg15: memref<!tpu.dma_semaphore, #tpu.memory_space<semaphore_mem>>, %arg16: memref<!tpu.dma_semaphore, #tpu.memory_space<semaphore_mem>>, %arg17: memref<!tpu.dma_semaphore, #tpu.memory_space<semaphore_mem>>, %arg18: memref<!tpu.dma_semaphore, #tpu.memory_space<semaphore_mem>>, %arg19: memref<!tpu.dma_semaphore, #tpu.memory_space<semaphore_mem>>, %arg20: memref<!tpu.dma_semaphore, #tpu.memory_space<semaphore_mem>>, %arg21: memref<!tpu.dma_semaphore, #tpu.memory_space<semaphore_mem>>, %arg22: memref<!tpu.dma_semaphore, #tpu.memory_space<semaphore_mem>>) attributes {dimension_semantics = [#tpu.dimension_semantics<core_parallel>, #tpu.dimension_semantics<subcore_parallel>], iteration_bounds = array<i64: 2, 16>, scalar_prefetch = 0 : i64, scratch_operands = 17 : i64, tpu.core_type = #tpu.core_type<sc_vector_subcore>, window_params = [{transform_indices = #map}, {transform_indices = #map}, {transform_indices = #map}, {transform_indices = #map1}]} {
    %scan3A = arith.constant 0 : i32
    %scan3A_0 = arith.constant 0 : i32
    %scan3A_1 = arith.constant 64 : i32
    %scan3A_2 = arith.addi %scan3A_0, %scan3A_1 : i32
    %scan3A_3 = arith.constant 1 : i32
    %scan3A_4 = scf.for %scan3A_61 = %scan3A_0 to %scan3A_2 step %scan3A_3 iter_args(%scan3A_62 = %scan3A) -> (i32)  : i32 {
      %broadcast_in_dim3A = arith.constant 0.000000e+00 : f32
      %broadcast_in_dim3A_63 = vector.broadcast %broadcast_in_dim3A : f32 to vector<16xf32>
      %swap3A = arith.index_cast %scan3A_61 : i32 to index
      %swap3A_64 = arith.constant 0 : index
      %swap3A_65 = tpu.vector_load %arg12[%swap3A, %swap3A_64] {strides = array<i32>} : memref<64x16xf32, #tpu.memory_space<vmem>>, vector<1x16xf32>,
      %swap3A_66 = vector.shape_cast %swap3A_65 : vector<1x16xf32> to vector<16xf32>
      %swap3A_67 = vector.shape_cast %broadcast_in_dim3A_63 : vector<16xf32> to vector<1x16xf32>
      tpu.vector_store %arg12[%swap3A, %swap3A_64], %swap3A_67 {strides = array<i32>} : memref<64x16xf32, #tpu.memory_space<vmem>>, vector<1x16xf32>,
      %scan3A_68 = arith.constant 0 : i32
      scf.yield %scan3A_68 : i32
    }
    %scan3A_5 = arith.constant 64 : i32
    %scan3A_6 = arith.constant 0 : i32
    %scan3A_7 = arith.constant 0 : i32
    %scan3A_8 = arith.constant 11 : i32
    %scan3A_9 = arith.addi %scan3A_7, %scan3A_8 : i32
    %scan3A_10 = arith.constant 1 : i32
    %scan3A_11 = scf.for %scan3A_61 = %scan3A_7 to %scan3A_9 step %scan3A_10 iter_args(%scan3A_62 = %scan3A_6) -> (i32)  : i32 {
      %mul3A_63 = arith.constant 704 : i32
      %mul3A_64 = arith.muli %arg1, %mul3A_63 : i32
      %mul3A_65 = arith.constant 64 : i32
      %mul3A_66 = arith.muli %scan3A_61, %mul3A_65 : i32
      %add3A_67 = arith.addi %mul3A_64, %mul3A_66 : i32
      %dma_start3A_68 = arith.constant 0 : i32
      %dma_start3A_69 = tpu.memref_slice %arg13[%add3A_67, %dma_start3A_68] : memref<11264x16xf32, #tpu.memory_space<vmem_shared>> -> memref<64x16xf32, #tpu.memory_space<vmem_shared>>
      %dma_start3A_70 = arith.constant 0 : i32
      %dma_start3A_71 = tpu.memref_slice %arg13[%add3A_67, %dma_start3A_70] : memref<11264x16xf32, #tpu.memory_space<vmem_shared>> -> memref<64x16xf32, #tpu.memory_space<vmem_shared>>
      tpu.enqueue_dma source(%arg12 : memref<64x16xf32, #tpu.memory_space<vmem>>) target(%dma_start3A_71 : memref<64x16xf32, #tpu.memory_space<vmem_shared>>) target_semaphore(%arg22 : memref<!tpu.dma_semaphore, #tpu.memory_space<semaphore_mem>>)
      %scan3A_72 = arith.constant 0 : i32
      scf.yield %scan3A_72 : i32
    }
    %scan3A_12 = arith.constant 11 : i32
    %scan3A_13 = arith.constant 0 : i32
    %scan3A_14 = arith.constant 0 : i32
    %scan3A_15 = arith.constant 11 : i32
    %scan3A_16 = arith.addi %scan3A_14, %scan3A_15 : i32
    %scan3A_17 = arith.constant 1 : i32
    %scan3A_18 = scf.for %scan3A_61 = %scan3A_14 to %scan3A_16 step %scan3A_17 iter_args(%scan3A_62 = %scan3A_13) -> (i32)  : i32 {
      %mul3A_63 = arith.constant 704 : i32
      %mul3A_64 = arith.muli %arg1, %mul3A_63 : i32
      %dma_wait3A_65 = arith.constant 0 : i32
      %dma_wait3A_66 = tpu.memref_slice %arg13[%mul3A_64, %dma_wait3A_65] : memref<11264x16xf32, #tpu.memory_space<vmem_shared>> -> memref<64x16xf32, #tpu.memory_space<vmem_shared>>
      %dma_wait3A_67 = arith.constant 0 : i32
      %dma_wait3A_68 = tpu.memref_slice %arg13[%mul3A_64, %dma_wait3A_67] : memref<11264x16xf32, #tpu.memory_space<vmem_shared>> -> memref<64x16xf32, #tpu.memory_space<vmem_shared>>
      tpu.wait_dma2 semaphore(%arg22 : memref<!tpu.dma_semaphore, #tpu.memory_space<semaphore_mem>>) src(%arg12 : memref<64x16xf32, #tpu.memory_space<vmem>>) dst(%dma_wait3A_68 : memref<64x16xf32, #tpu.memory_space<vmem_shared>>)
      %scan3A_69 = arith.constant 0 : i32
      scf.yield %scan3A_69 : i32
    }
    %scan3A_19 = arith.constant 11 : i32
    %barrier3A = arith.constant 0 : index
    tpu.barrier barrier_id(%barrier3A)
    %mul3A = arith.constant 16 : i32
    %mul3A_20 = arith.muli %arg0, %mul3A : i32
    %add3A = arith.addi %mul3A_20, %arg1 : i32
    %mul3A_21 = arith.constant 8 : i32
    %mul3A_22 = arith.muli %add3A, %mul3A_21 : i32
    "tpu.region"() ({
      %run_scoped3A = tpu.sem_alloc : memref<!tpu.dma_semaphore, #tpu.memory_space<semaphore_mem>>
      %dma_start3A_61 = arith.constant 0 : i32
      %dma_start3A_62 = tpu.memref_slice %arg3[%mul3A_22, %dma_start3A_61] : memref<256x128xi32, #tpu.memory_space<hbm>> -> memref<8x128xi32, #tpu.memory_space<hbm>>
      %dma_start3A_63 = arith.constant 0 : i32
      %dma_start3A_64 = tpu.memref_slice %arg3[%mul3A_22, %dma_start3A_63] : memref<256x128xi32, #tpu.memory_space<hbm>> -> memref<8x128xi32, #tpu.memory_space<hbm>>
      tpu.enqueue_dma source(%dma_start3A_64 : memref<8x128xi32, #tpu.memory_space<hbm>>) target(%arg6 : memref<8x128xi32, #tpu.memory_space<vmem>>) target_semaphore(%run_scoped3A : memref<!tpu.dma_semaphore, #tpu.memory_space<semaphore_mem>>)
      %dma_wait3A_65 = arith.constant 0 : i32
      %dma_wait3A_66 = tpu.memref_slice %arg3[%mul3A_22, %dma_wait3A_65] : memref<256x128xi32, #tpu.memory_space<hbm>> -> memref<8x128xi32, #tpu.memory_space<hbm>>
      %dma_wait3A_67 = arith.constant 0 : i32
      %dma_wait3A_68 = tpu.memref_slice %arg3[%mul3A_22, %dma_wait3A_67] : memref<256x128xi32, #tpu.memory_space<hbm>> -> memref<8x128xi32, #tpu.memory_space<hbm>>
      tpu.wait_dma2 semaphore(%run_scoped3A : memref<!tpu.dma_semaphore, #tpu.memory_space<semaphore_mem>>) src(%dma_wait3A_68 : memref<8x128xi32, #tpu.memory_space<hbm>>) dst(%arg6 : memref<8x128xi32, #tpu.memory_space<vmem>>)
      tpu.yield
    }) : () -> ()
    "tpu.region"() ({
      %run_scoped3A = tpu.sem_alloc : memref<!tpu.dma_semaphore, #tpu.memory_space<semaphore_mem>>
      %dma_start3A_61 = arith.constant 0 : i32
      %dma_start3A_62 = tpu.memref_slice %arg4[%mul3A_22, %dma_start3A_61] : memref<256x128xi32, #tpu.memory_space<hbm>> -> memref<8x128xi32, #tpu.memory_space<hbm>>
      %dma_start3A_63 = arith.constant 0 : i32
      %dma_start3A_64 = tpu.memref_slice %arg4[%mul3A_22, %dma_start3A_63] : memref<256x128xi32, #tpu.memory_space<hbm>> -> memref<8x128xi32, #tpu.memory_space<hbm>>
      tpu.enqueue_dma source(%dma_start3A_64 : memref<8x128xi32, #tpu.memory_space<hbm>>) target(%arg7 : memref<8x128xi32, #tpu.memory_space<vmem>>) target_semaphore(%run_scoped3A : memref<!tpu.dma_semaphore, #tpu.memory_space<semaphore_mem>>)
      %dma_wait3A_65 = arith.constant 0 : i32
      %dma_wait3A_66 = tpu.memref_slice %arg4[%mul3A_22, %dma_wait3A_65] : memref<256x128xi32, #tpu.memory_space<hbm>> -> memref<8x128xi32, #tpu.memory_space<hbm>>
      %dma_wait3A_67 = arith.constant 0 : i32
      %dma_wait3A_68 = tpu.memref_slice %arg4[%mul3A_22, %dma_wait3A_67] : memref<256x128xi32, #tpu.memory_space<hbm>> -> memref<8x128xi32, #tpu.memory_space<hbm>>
      tpu.wait_dma2 semaphore(%run_scoped3A : memref<!tpu.dma_semaphore, #tpu.memory_space<semaphore_mem>>) src(%dma_wait3A_68 : memref<8x128xi32, #tpu.memory_space<hbm>>) dst(%arg7 : memref<8x128xi32, #tpu.memory_space<vmem>>)
      tpu.yield
    }) : () -> ()
    %dma_start3A = arith.constant 0 : i32
    %dma_start3A_23 = arith.constant 0 : i32
    %dma_start3A_24 = tpu.memref_slice %arg6[%dma_start3A, %dma_start3A_23] : memref<8x128xi32, #tpu.memory_space<vmem>> -> memref<1x128xi32, #tpu.memory_space<vmem>>
    %dma_start3A_25 = tpu.memref_squeeze %dma_start3A_24 : memref<1x128xi32, #tpu.memory_space<vmem>> -> memref<128xi32, #tpu.memory_space<vmem>>
    %dma_start3A_26 = arith.constant 0 : i32
    %dma_start3A_27 = arith.constant 0 : i32
    %dma_start3A_28 = tpu.memref_slice %arg2[%dma_start3A_26, %dma_start3A_27] : memref<11264x16xf32, #tpu.memory_space<hbm>> -> memref<11264x16xf32, #tpu.memory_space<hbm>>
    tpu.enqueue_indirect_dma source(%dma_start3A_28 : memref<11264x16xf32, #tpu.memory_space<hbm>>) target(%arg8 : memref<128x16xf32, #tpu.memory_space<vmem>>) offsets(%dma_start3A_25 : memref<128xi32, #tpu.memory_space<vmem>>) semaphore(%arg14 : memref<!tpu.dma_semaphore, #tpu.memory_space<semaphore_mem>>)
    %dma_start3A_29 = arith.constant 1 : i32
    %dma_start3A_30 = arith.constant 0 : i32
    %dma_start3A_31 = tpu.memref_slice %arg6[%dma_start3A_29, %dma_start3A_30] : memref<8x128xi32, #tpu.memory_space<vmem>> -> memref<1x128xi32, #tpu.memory_space<vmem>>
    %dma_start3A_32 = tpu.memref_squeeze %dma_start3A_31 : memref<1x128xi32, #tpu.memory_space<vmem>> -> memref<128xi32, #tpu.memory_space<vmem>>
    %dma_start3A_33 = arith.constant 0 : i32
    %dma_start3A_34 = arith.constant 0 : i32
    %dma_start3A_35 = tpu.memref_slice %arg2[%dma_start3A_33, %dma_start3A_34] : memref<11264x16xf32, #tpu.memory_space<hbm>> -> memref<11264x16xf32, #tpu.memory_space<hbm>>
    tpu.enqueue_indirect_dma source(%dma_start3A_35 : memref<11264x16xf32, #tpu.memory_space<hbm>>) target(%arg9 : memref<128x16xf32, #tpu.memory_space<vmem>>) offsets(%dma_start3A_32 : memref<128xi32, #tpu.memory_space<vmem>>) semaphore(%arg15 : memref<!tpu.dma_semaphore, #tpu.memory_space<semaphore_mem>>)
    %dma_start3A_36 = arith.constant 2 : i32
    %dma_start3A_37 = arith.constant 0 : i32
    %dma_start3A_38 = tpu.memref_slice %arg6[%dma_start3A_36, %dma_start3A_37] : memref<8x128xi32, #tpu.memory_space<vmem>> -> memref<1x128xi32, #tpu.memory_space<vmem>>
    %dma_start3A_39 = tpu.memref_squeeze %dma_start3A_38 : memref<1x128xi32, #tpu.memory_space<vmem>> -> memref<128xi32, #tpu.memory_space<vmem>>
    %dma_start3A_40 = arith.constant 0 : i32
    %dma_start3A_41 = arith.constant 0 : i32
    %dma_start3A_42 = tpu.memref_slice %arg2[%dma_start3A_40, %dma_start3A_41] : memref<11264x16xf32, #tpu.memory_space<hbm>> -> memref<11264x16xf32, #tpu.memory_space<hbm>>
    tpu.enqueue_indirect_dma source(%dma_start3A_42 : memref<11264x16xf32, #tpu.memory_space<hbm>>) target(%arg10 : memref<128x16xf32, #tpu.memory_space<vmem>>) offsets(%dma_start3A_39 : memref<128xi32, #tpu.memory_space<vmem>>) semaphore(%arg16 : memref<!tpu.dma_semaphore, #tpu.memory_space<semaphore_mem>>)
    %scan3A_43 = arith.constant 0 : i32
    %scan3A_44 = arith.constant 0 : i32
    %scan3A_45 = arith.constant 2 : i32
    %scan3A_46 = arith.addi %scan3A_44, %scan3A_45 : i32
    %scan3A_47 = arith.constant 1 : i32
    %scan3A_48 = scf.for %scan3A_61 = %scan3A_44 to %scan3A_46 step %scan3A_47 iter_args(%scan3A_62 = %scan3A_43) -> (i32)  : i32 {
      %mul3A_63 = arith.constant 4 : i32
      %mul3A_64 = arith.muli %mul3A_63, %scan3A_61 : i32
      %add3A_65 = arith.constant 0 : i32
      %add3A_66 = arith.addi %mul3A_64, %add3A_65 : i32
      %dma_wait3A_67 = arith.constant 0 : i32
      %dma_wait3A_68 = tpu.memref_slice %arg6[%add3A_66, %dma_wait3A_67] : memref<8x128xi32, #tpu.memory_space<vmem>> -> memref<1x128xi32, #tpu.memory_space<vmem>>
      %dma_wait3A_69 = tpu.memref_squeeze %dma_wait3A_68 : memref<1x128xi32, #tpu.memory_space<vmem>> -> memref<128xi32, #tpu.memory_space<vmem>>
      %dma_wait3A_70 = arith.constant 0 : i32
      %dma_wait3A_71 = arith.constant 0 : i32
      %dma_wait3A_72 = tpu.memref_slice %arg2[%dma_wait3A_70, %dma_wait3A_71] : memref<11264x16xf32, #tpu.memory_space<hbm>> -> memref<11264x16xf32, #tpu.memory_space<hbm>>
      tpu.wait_indirect_dma semaphore(%arg14 : memref<!tpu.dma_semaphore, #tpu.memory_space<semaphore_mem>>) src(%dma_wait3A_72 : memref<11264x16xf32, #tpu.memory_space<hbm>>) dst(%arg8 : memref<128x16xf32, #tpu.memory_space<vmem>>)
      %dma_start3A_73 = arith.constant 0 : i32
      %dma_start3A_74 = tpu.memref_slice %arg7[%add3A_66, %dma_start3A_73] : memref<8x128xi32, #tpu.memory_space<vmem>> -> memref<1x128xi32, #tpu.memory_space<vmem>>
      %dma_start3A_75 = tpu.memref_squeeze %dma_start3A_74 : memref<1x128xi32, #tpu.memory_space<vmem>> -> memref<128xi32, #tpu.memory_space<vmem>>
      %dma_start3A_76 = arith.constant 0 : i32
      %dma_start3A_77 = arith.constant 0 : i32
      %dma_start3A_78 = tpu.memref_slice %arg13[%dma_start3A_76, %dma_start3A_77] : memref<11264x16xf32, #tpu.memory_space<vmem_shared>> -> memref<11264x16xf32, #tpu.memory_space<vmem_shared>>
      tpu.enqueue_indirect_dma source(%arg8 : memref<128x16xf32, #tpu.memory_space<vmem>>) target(%dma_start3A_78 : memref<11264x16xf32, #tpu.memory_space<vmem_shared>>) offsets(%dma_start3A_75 : memref<128xi32, #tpu.memory_space<vmem>>) semaphore(%arg18 : memref<!tpu.dma_semaphore, #tpu.memory_space<semaphore_mem>>) {add = true}
      %gt3A = arith.constant 0 : i32
      %gt3A_79 = arith.cmpi sgt, %scan3A_61, %gt3A : i32
      %convert_element_type3A = arith.extui %gt3A_79 : i1 to i32
      %cond3A = arith.constant 0 : i32
      %cond3A_80 = arith.cmpi ne, %convert_element_type3A, %cond3A : i32
      scf.if %cond3A_80 {
        %dma_wait3A_173 = arith.constant 0 : i32
        %dma_wait3A_174 = arith.constant 0 : i32
        %dma_wait3A_175 = tpu.memref_slice %arg7[%dma_wait3A_173, %dma_wait3A_174] : memref<8x128xi32, #tpu.memory_space<vmem>> -> memref<1x128xi32, #tpu.memory_space<vmem>>
        %dma_wait3A_176 = tpu.memref_squeeze %dma_wait3A_175 : memref<1x128xi32, #tpu.memory_space<vmem>> -> memref<128xi32, #tpu.memory_space<vmem>>
        %dma_wait3A_177 = arith.constant 0 : i32
        %dma_wait3A_178 = arith.constant 0 : i32
        %dma_wait3A_179 = tpu.memref_slice %arg13[%dma_wait3A_177, %dma_wait3A_178] : memref<11264x16xf32, #tpu.memory_space<vmem_shared>> -> memref<11264x16xf32, #tpu.memory_space<vmem_shared>>
        tpu.wait_indirect_dma semaphore(%arg21 : memref<!tpu.dma_semaphore, #tpu.memory_space<semaphore_mem>>) src(%arg11 : memref<128x16xf32, #tpu.memory_space<vmem>>) dst(%dma_wait3A_179 : memref<11264x16xf32, #tpu.memory_space<vmem_shared>>)
      } else {
      }
      %add3A_81 = arith.constant 3 : i32
      %add3A_82 = arith.addi %add3A_66, %add3A_81 : i32
      %dma_start3A_83 = arith.constant 0 : i32
      %dma_start3A_84 = tpu.memref_slice %arg6[%add3A_82, %dma_start3A_83] : memref<8x128xi32, #tpu.memory_space<vmem>> -> memref<1x128xi32, #tpu.memory_space<vmem>>
      %dma_start3A_85 = tpu.memref_squeeze %dma_start3A_84 : memref<1x128xi32, #tpu.memory_space<vmem>> -> memref<128xi32, #tpu.memory_space<vmem>>
      %dma_start3A_86 = arith.constant 0 : i32
      %dma_start3A_87 = arith.constant 0 : i32
      %dma_start3A_88 = tpu.memref_slice %arg2[%dma_start3A_86, %dma_start3A_87] : memref<11264x16xf32, #tpu.memory_space<hbm>> -> memref<11264x16xf32, #tpu.memory_space<hbm>>
      tpu.enqueue_indirect_dma source(%dma_start3A_88 : memref<11264x16xf32, #tpu.memory_space<hbm>>) target(%arg11 : memref<128x16xf32, #tpu.memory_space<vmem>>) offsets(%dma_start3A_85 : memref<128xi32, #tpu.memory_space<vmem>>) semaphore(%arg17 : memref<!tpu.dma_semaphore, #tpu.memory_space<semaphore_mem>>)
      %mul3A_89 = arith.constant 4 : i32
      %mul3A_90 = arith.muli %mul3A_89, %scan3A_61 : i32
      %add3A_91 = arith.constant 1 : i32
      %add3A_92 = arith.addi %mul3A_90, %add3A_91 : i32
      %dma_wait3A_93 = arith.constant 0 : i32
      %dma_wait3A_94 = tpu.memref_slice %arg6[%add3A_92, %dma_wait3A_93] : memref<8x128xi32, #tpu.memory_space<vmem>> -> memref<1x128xi32, #tpu.memory_space<vmem>>
      %dma_wait3A_95 = tpu.memref_squeeze %dma_wait3A_94 : memref<1x128xi32, #tpu.memory_space<vmem>> -> memref<128xi32, #tpu.memory_space<vmem>>
      %dma_wait3A_96 = arith.constant 0 : i32
      %dma_wait3A_97 = arith.constant 0 : i32
      %dma_wait3A_98 = tpu.memref_slice %arg2[%dma_wait3A_96, %dma_wait3A_97] : memref<11264x16xf32, #tpu.memory_space<hbm>> -> memref<11264x16xf32, #tpu.memory_space<hbm>>
      tpu.wait_indirect_dma semaphore(%arg15 : memref<!tpu.dma_semaphore, #tpu.memory_space<semaphore_mem>>) src(%dma_wait3A_98 : memref<11264x16xf32, #tpu.memory_space<hbm>>) dst(%arg9 : memref<128x16xf32, #tpu.memory_space<vmem>>)
      %dma_start3A_99 = arith.constant 0 : i32
      %dma_start3A_100 = tpu.memref_slice %arg7[%add3A_92, %dma_start3A_99] : memref<8x128xi32, #tpu.memory_space<vmem>> -> memref<1x128xi32, #tpu.memory_space<vmem>>
      %dma_start3A_101 = tpu.memref_squeeze %dma_start3A_100 : memref<1x128xi32, #tpu.memory_space<vmem>> -> memref<128xi32, #tpu.memory_space<vmem>>
      %dma_start3A_102 = arith.constant 0 : i32
      %dma_start3A_103 = arith.constant 0 : i32
      %dma_start3A_104 = tpu.memref_slice %arg13[%dma_start3A_102, %dma_start3A_103] : memref<11264x16xf32, #tpu.memory_space<vmem_shared>> -> memref<11264x16xf32, #tpu.memory_space<vmem_shared>>
      tpu.enqueue_indirect_dma source(%arg9 : memref<128x16xf32, #tpu.memory_space<vmem>>) target(%dma_start3A_104 : memref<11264x16xf32, #tpu.memory_space<vmem_shared>>) offsets(%dma_start3A_101 : memref<128xi32, #tpu.memory_space<vmem>>) semaphore(%arg19 : memref<!tpu.dma_semaphore, #tpu.memory_space<semaphore_mem>>) {add = true}
      %dma_wait3A_105 = arith.constant 0 : i32
      %dma_wait3A_106 = arith.constant 0 : i32
      %dma_wait3A_107 = tpu.memref_slice %arg7[%dma_wait3A_105, %dma_wait3A_106] : memref<8x128xi32, #tpu.memory_space<vmem>> -> memref<1x128xi32, #tpu.memory_space<vmem>>
      %dma_wait3A_108 = tpu.memref_squeeze %dma_wait3A_107 : memref<1x128xi32, #tpu.memory_space<vmem>> -> memref<128xi32, #tpu.memory_space<vmem>>
      %dma_wait3A_109 = arith.constant 0 : i32
      %dma_wait3A_110 = arith.constant 0 : i32
      %dma_wait3A_111 = tpu.memref_slice %arg13[%dma_wait3A_109, %dma_wait3A_110] : memref<11264x16xf32, #tpu.memory_space<vmem_shared>> -> memref<11264x16xf32, #tpu.memory_space<vmem_shared>>
      tpu.wait_indirect_dma semaphore(%arg18 : memref<!tpu.dma_semaphore, #tpu.memory_space<semaphore_mem>>) src(%arg8 : memref<128x16xf32, #tpu.memory_space<vmem>>) dst(%dma_wait3A_111 : memref<11264x16xf32, #tpu.memory_space<vmem_shared>>)
      %lt3A = arith.constant 1 : i32
      %lt3A_112 = arith.cmpi slt, %scan3A_61, %lt3A : i32
      %convert_element_type3A_113 = arith.extui %lt3A_112 : i1 to i32
      %cond3A_114 = arith.constant 0 : i32
      %cond3A_115 = arith.cmpi ne, %convert_element_type3A_113, %cond3A_114 : i32
      scf.if %cond3A_115 {
        %add3A_173 = arith.constant 3 : i32
        %add3A_174 = arith.addi %add3A_92, %add3A_173 : i32
        %dma_start3A_175 = arith.constant 0 : i32
        %dma_start3A_176 = tpu.memref_slice %arg6[%add3A_174, %dma_start3A_175] : memref<8x128xi32, #tpu.memory_space<vmem>> -> memref<1x128xi32, #tpu.memory_space<vmem>>
        %dma_start3A_177 = tpu.memref_squeeze %dma_start3A_176 : memref<1x128xi32, #tpu.memory_space<vmem>> -> memref<128xi32, #tpu.memory_space<vmem>>
        %dma_start3A_178 = arith.constant 0 : i32
        %dma_start3A_179 = arith.constant 0 : i32
        %dma_start3A_180 = tpu.memref_slice %arg2[%dma_start3A_178, %dma_start3A_179] : memref<11264x16xf32, #tpu.memory_space<hbm>> -> memref<11264x16xf32, #tpu.memory_space<hbm>>
        tpu.enqueue_indirect_dma source(%dma_start3A_180 : memref<11264x16xf32, #tpu.memory_space<hbm>>) target(%arg8 : memref<128x16xf32, #tpu.memory_space<vmem>>) offsets(%dma_start3A_177 : memref<128xi32, #tpu.memory_space<vmem>>) semaphore(%arg14 : memref<!tpu.dma_semaphore, #tpu.memory_space<semaphore_mem>>)
      } else {
      }
      %mul3A_116 = arith.constant 4 : i32
      %mul3A_117 = arith.muli %mul3A_116, %scan3A_61 : i32
      %add3A_118 = arith.constant 2 : i32
      %add3A_119 = arith.addi %mul3A_117, %add3A_118 : i32
      %dma_wait3A_120 = arith.constant 0 : i32
      %dma_wait3A_121 = tpu.memref_slice %arg6[%add3A_119, %dma_wait3A_120] : memref<8x128xi32, #tpu.memory_space<vmem>> -> memref<1x128xi32, #tpu.memory_space<vmem>>
      %dma_wait3A_122 = tpu.memref_squeeze %dma_wait3A_121 : memref<1x128xi32, #tpu.memory_space<vmem>> -> memref<128xi32, #tpu.memory_space<vmem>>
      %dma_wait3A_123 = arith.constant 0 : i32
      %dma_wait3A_124 = arith.constant 0 : i32
      %dma_wait3A_125 = tpu.memref_slice %arg2[%dma_wait3A_123, %dma_wait3A_124] : memref<11264x16xf32, #tpu.memory_space<hbm>> -> memref<11264x16xf32, #tpu.memory_space<hbm>>
      tpu.wait_indirect_dma semaphore(%arg16 : memref<!tpu.dma_semaphore, #tpu.memory_space<semaphore_mem>>) src(%dma_wait3A_125 : memref<11264x16xf32, #tpu.memory_space<hbm>>) dst(%arg10 : memref<128x16xf32, #tpu.memory_space<vmem>>)
      %dma_start3A_126 = arith.constant 0 : i32
      %dma_start3A_127 = tpu.memref_slice %arg7[%add3A_119, %dma_start3A_126] : memref<8x128xi32, #tpu.memory_space<vmem>> -> memref<1x128xi32, #tpu.memory_space<vmem>>
      %dma_start3A_128 = tpu.memref_squeeze %dma_start3A_127 : memref<1x128xi32, #tpu.memory_space<vmem>> -> memref<128xi32, #tpu.memory_space<vmem>>
      %dma_start3A_129 = arith.constant 0 : i32
      %dma_start3A_130 = arith.constant 0 : i32
      %dma_start3A_131 = tpu.memref_slice %arg13[%dma_start3A_129, %dma_start3A_130] : memref<11264x16xf32, #tpu.memory_space<vmem_shared>> -> memref<11264x16xf32, #tpu.memory_space<vmem_shared>>
      tpu.enqueue_indirect_dma source(%arg10 : memref<128x16xf32, #tpu.memory_space<vmem>>) target(%dma_start3A_131 : memref<11264x16xf32, #tpu.memory_space<vmem_shared>>) offsets(%dma_start3A_128 : memref<128xi32, #tpu.memory_space<vmem>>) semaphore(%arg20 : memref<!tpu.dma_semaphore, #tpu.memory_space<semaphore_mem>>) {add = true}
      %dma_wait3A_132 = arith.constant 0 : i32
      %dma_wait3A_133 = arith.constant 0 : i32
      %dma_wait3A_134 = tpu.memref_slice %arg7[%dma_wait3A_132, %dma_wait3A_133] : memref<8x128xi32, #tpu.memory_space<vmem>> -> memref<1x128xi32, #tpu.memory_space<vmem>>
      %dma_wait3A_135 = tpu.memref_squeeze %dma_wait3A_134 : memref<1x128xi32, #tpu.memory_space<vmem>> -> memref<128xi32, #tpu.memory_space<vmem>>
      %dma_wait3A_136 = arith.constant 0 : i32
      %dma_wait3A_137 = arith.constant 0 : i32
      %dma_wait3A_138 = tpu.memref_slice %arg13[%dma_wait3A_136, %dma_wait3A_137] : memref<11264x16xf32, #tpu.memory_space<vmem_shared>> -> memref<11264x16xf32, #tpu.memory_space<vmem_shared>>
      tpu.wait_indirect_dma semaphore(%arg19 : memref<!tpu.dma_semaphore, #tpu.memory_space<semaphore_mem>>) src(%arg9 : memref<128x16xf32, #tpu.memory_space<vmem>>) dst(%dma_wait3A_138 : memref<11264x16xf32, #tpu.memory_space<vmem_shared>>)
      %lt3A_139 = arith.constant 1 : i32
      %lt3A_140 = arith.cmpi slt, %scan3A_61, %lt3A_139 : i32
      %convert_element_type3A_141 = arith.extui %lt3A_140 : i1 to i32
      %cond3A_142 = arith.constant 0 : i32
      %cond3A_143 = arith.cmpi ne, %convert_element_type3A_141, %cond3A_142 : i32
      scf.if %cond3A_143 {
        %add3A_173 = arith.constant 3 : i32
        %add3A_174 = arith.addi %add3A_119, %add3A_173 : i32
        %dma_start3A_175 = arith.constant 0 : i32
        %dma_start3A_176 = tpu.memref_slice %arg6[%add3A_174, %dma_start3A_175] : memref<8x128xi32, #tpu.memory_space<vmem>> -> memref<1x128xi32, #tpu.memory_space<vmem>>
        %dma_start3A_177 = tpu.memref_squeeze %dma_start3A_176 : memref<1x128xi32, #tpu.memory_space<vmem>> -> memref<128xi32, #tpu.memory_space<vmem>>
        %dma_start3A_178 = arith.constant 0 : i32
        %dma_start3A_179 = arith.constant 0 : i32
        %dma_start3A_180 = tpu.memref_slice %arg2[%dma_start3A_178, %dma_start3A_179] : memref<11264x16xf32, #tpu.memory_space<hbm>> -> memref<11264x16xf32, #tpu.memory_space<hbm>>
        tpu.enqueue_indirect_dma source(%dma_start3A_180 : memref<11264x16xf32, #tpu.memory_space<hbm>>) target(%arg9 : memref<128x16xf32, #tpu.memory_space<vmem>>) offsets(%dma_start3A_177 : memref<128xi32, #tpu.memory_space<vmem>>) semaphore(%arg15 : memref<!tpu.dma_semaphore, #tpu.memory_space<semaphore_mem>>)
      } else {
      }
      %mul3A_144 = arith.constant 4 : i32
      %mul3A_145 = arith.muli %mul3A_144, %scan3A_61 : i32
      %add3A_146 = arith.constant 3 : i32
      %add3A_147 = arith.addi %mul3A_145, %add3A_146 : i32
      %dma_wait3A_148 = arith.constant 0 : i32
      %dma_wait3A_149 = tpu.memref_slice %arg6[%add3A_147, %dma_wait3A_148] : memref<8x128xi32, #tpu.memory_space<vmem>> -> memref<1x128xi32, #tpu.memory_space<vmem>>
      %dma_wait3A_150 = tpu.memref_squeeze %dma_wait3A_149 : memref<1x128xi32, #tpu.memory_space<vmem>> -> memref<128xi32, #tpu.memory_space<vmem>>
      %dma_wait3A_151 = arith.constant 0 : i32
      %dma_wait3A_152 = arith.constant 0 : i32
      %dma_wait3A_153 = tpu.memref_slice %arg2[%dma_wait3A_151, %dma_wait3A_152] : memref<11264x16xf32, #tpu.memory_space<hbm>> -> memref<11264x16xf32, #tpu.memory_space<hbm>>
      tpu.wait_indirect_dma semaphore(%arg17 : memref<!tpu.dma_semaphore, #tpu.memory_space<semaphore_mem>>) src(%dma_wait3A_153 : memref<11264x16xf32, #tpu.memory_space<hbm>>) dst(%arg11 : memref<128x16xf32, #tpu.memory_space<vmem>>)
      %dma_start3A_154 = arith.constant 0 : i32
      %dma_start3A_155 = tpu.memref_slice %arg7[%add3A_147, %dma_start3A_154] : memref<8x128xi32, #tpu.memory_space<vmem>> -> memref<1x128xi32, #tpu.memory_space<vmem>>
      %dma_start3A_156 = tpu.memref_squeeze %dma_start3A_155 : memref<1x128xi32, #tpu.memory_space<vmem>> -> memref<128xi32, #tpu.memory_space<vmem>>
      %dma_start3A_157 = arith.constant 0 : i32
      %dma_start3A_158 = arith.constant 0 : i32
      %dma_start3A_159 = tpu.memref_slice %arg13[%dma_start3A_157, %dma_start3A_158] : memref<11264x16xf32, #tpu.memory_space<vmem_shared>> -> memref<11264x16xf32, #tpu.memory_space<vmem_shared>>
      tpu.enqueue_indirect_dma source(%arg11 : memref<128x16xf32, #tpu.memory_space<vmem>>) target(%dma_start3A_159 : memref<11264x16xf32, #tpu.memory_space<vmem_shared>>) offsets(%dma_start3A_156 : memref<128xi32, #tpu.memory_space<vmem>>) semaphore(%arg21 : memref<!tpu.dma_semaphore, #tpu.memory_space<semaphore_mem>>) {add = true}
      %dma_wait3A_160 = arith.constant 0 : i32
      %dma_wait3A_161 = arith.constant 0 : i32
      %dma_wait3A_162 = tpu.memref_slice %arg7[%dma_wait3A_160, %dma_wait3A_161] : memref<8x128xi32, #tpu.memory_space<vmem>> -> memref<1x128xi32, #tpu.memory_space<vmem>>
      %dma_wait3A_163 = tpu.memref_squeeze %dma_wait3A_162 : memref<1x128xi32, #tpu.memory_space<vmem>> -> memref<128xi32, #tpu.memory_space<vmem>>
      %dma_wait3A_164 = arith.constant 0 : i32
      %dma_wait3A_165 = arith.constant 0 : i32
      %dma_wait3A_166 = tpu.memref_slice %arg13[%dma_wait3A_164, %dma_wait3A_165] : memref<11264x16xf32, #tpu.memory_space<vmem_shared>> -> memref<11264x16xf32, #tpu.memory_space<vmem_shared>>
      tpu.wait_indirect_dma semaphore(%arg20 : memref<!tpu.dma_semaphore, #tpu.memory_space<semaphore_mem>>) src(%arg10 : memref<128x16xf32, #tpu.memory_space<vmem>>) dst(%dma_wait3A_166 : memref<11264x16xf32, #tpu.memory_space<vmem_shared>>)
      %lt3A_167 = arith.constant 1 : i32
      %lt3A_168 = arith.cmpi slt, %scan3A_61, %lt3A_167 : i32
      %convert_element_type3A_169 = arith.extui %lt3A_168 : i1 to i32
      %cond3A_170 = arith.constant 0 : i32
      %cond3A_171 = arith.cmpi ne, %convert_element_type3A_169, %cond3A_170 : i32
      scf.if %cond3A_171 {
        %add3A_173 = arith.constant 3 : i32
        %add3A_174 = arith.addi %add3A_147, %add3A_173 : i32
        %dma_start3A_175 = arith.constant 0 : i32
        %dma_start3A_176 = tpu.memref_slice %arg6[%add3A_174, %dma_start3A_175] : memref<8x128xi32, #tpu.memory_space<vmem>> -> memref<1x128xi32, #tpu.memory_space<vmem>>
        %dma_start3A_177 = tpu.memref_squeeze %dma_start3A_176 : memref<1x128xi32, #tpu.memory_space<vmem>> -> memref<128xi32, #tpu.memory_space<vmem>>
        %dma_start3A_178 = arith.constant 0 : i32
        %dma_start3A_179 = arith.constant 0 : i32
        %dma_start3A_180 = tpu.memref_slice %arg2[%dma_start3A_178, %dma_start3A_179] : memref<11264x16xf32, #tpu.memory_space<hbm>> -> memref<11264x16xf32, #tpu.memory_space<hbm>>
        tpu.enqueue_indirect_dma source(%dma_start3A_180 : memref<11264x16xf32, #tpu.memory_space<hbm>>) target(%arg10 : memref<128x16xf32, #tpu.memory_space<vmem>>) offsets(%dma_start3A_177 : memref<128xi32, #tpu.memory_space<vmem>>) semaphore(%arg16 : memref<!tpu.dma_semaphore, #tpu.memory_space<semaphore_mem>>)
      } else {
      }
      %scan3A_172 = arith.constant 0 : i32
      scf.yield %scan3A_172 : i32
    }
    %scan3A_49 = arith.constant 2 : i32
    %dma_wait3A = arith.constant 0 : i32
    %dma_wait3A_50 = arith.constant 0 : i32
    %dma_wait3A_51 = tpu.memref_slice %arg7[%dma_wait3A, %dma_wait3A_50] : memref<8x128xi32, #tpu.memory_space<vmem>> -> memref<1x128xi32, #tpu.memory_space<vmem>>
    %dma_wait3A_52 = tpu.memref_squeeze %dma_wait3A_51 : memref<1x128xi32, #tpu.memory_space<vmem>> -> memref<128xi32, #tpu.memory_space<vmem>>
    %dma_wait3A_53 = arith.constant 0 : i32
    %dma_wait3A_54 = arith.constant 0 : i32
    %dma_wait3A_55 = tpu.memref_slice %arg13[%dma_wait3A_53, %dma_wait3A_54] : memref<11264x16xf32, #tpu.memory_space<vmem_shared>> -> memref<11264x16xf32, #tpu.memory_space<vmem_shared>>
    tpu.wait_indirect_dma semaphore(%arg21 : memref<!tpu.dma_semaphore, #tpu.memory_space<semaphore_mem>>) src(%arg11 : memref<128x16xf32, #tpu.memory_space<vmem>>) dst(%dma_wait3A_55 : memref<11264x16xf32, #tpu.memory_space<vmem_shared>>)
    %barrier3A_56 = arith.constant 0 : index
    tpu.barrier barrier_id(%barrier3A_56)
    %mul3A_57 = arith.constant 704 : i32
    %mul3A_58 = arith.muli %arg1, %mul3A_57 : i32
    %mul3A_59 = arith.constant 704 : i32
    %mul3A_60 = arith.muli %arg1, %mul3A_59 : i32
    "tpu.region"() ({
      %run_scoped3A = tpu.sem_alloc : memref<!tpu.dma_semaphore, #tpu.memory_space<semaphore_mem>>
      %dma_start3A_61 = arith.constant 0 : i32
      %dma_start3A_62 = tpu.memref_slice %arg5[%arg0, %mul3A_60, %dma_start3A_61] : memref<2x11264x16xf32, #tpu.memory_space<hbm>> -> memref<1x704x16xf32, #tpu.memory_space<hbm>>
      %dma_start3A_63 = tpu.memref_squeeze %dma_start3A_62 : memref<1x704x16xf32, #tpu.memory_space<hbm>> -> memref<704x16xf32, #tpu.memory_space<hbm>>
      %dma_start3A_64 = arith.constant 0 : i32
      %dma_start3A_65 = tpu.memref_slice %arg13[%mul3A_58, %dma_start3A_64] : memref<11264x16xf32, #tpu.memory_space<vmem_shared>> -> memref<704x16xf32, #tpu.memory_space<vmem_shared>>
      tpu.enqueue_dma source(%dma_start3A_65 : memref<704x16xf32, #tpu.memory_space<vmem_shared>>) target(%dma_start3A_63 : memref<704x16xf32, #tpu.memory_space<hbm>>) target_semaphore(%run_scoped3A : memref<!tpu.dma_semaphore, #tpu.memory_space<semaphore_mem>>)
      %dma_wait3A_66 = arith.constant 0 : i32
      %dma_wait3A_67 = tpu.memref_slice %arg5[%arg0, %mul3A_60, %dma_wait3A_66] : memref<2x11264x16xf32, #tpu.memory_space<hbm>> -> memref<1x704x16xf32, #tpu.memory_space<hbm>>
      %dma_wait3A_68 = tpu.memref_squeeze %dma_wait3A_67 : memref<1x704x16xf32, #tpu.memory_space<hbm>> -> memref<704x16xf32, #tpu.memory_space<hbm>>
      %dma_wait3A_69 = arith.constant 0 : i32
      %dma_wait3A_70 = tpu.memref_slice %arg13[%mul3A_58, %dma_wait3A_69] : memref<11264x16xf32, #tpu.memory_space<vmem_shared>> -> memref<704x16xf32, #tpu.memory_space<vmem_shared>>
      tpu.wait_dma2 semaphore(%run_scoped3A : memref<!tpu.dma_semaphore, #tpu.memory_space<semaphore_mem>>) src(%dma_wait3A_70 : memref<704x16xf32, #tpu.memory_space<vmem_shared>>) dst(%dma_wait3A_68 : memref<704x16xf32, #tpu.memory_space<hbm>>)
      tpu.yield
    }) : () -> ()
    return
  }
}

#map = affine_map<(d0, d1) -> (0, 0)>
#map1 = affine_map<(d0, d1) -> (0, 0, 0)>
module attributes {stable_mosaic.version = 14 : i64} {
  func.func @agg(%arg0: i32, %arg1: i32, %arg2: memref<10240x16xf32, #tpu.memory_space<hbm>>, %arg3: memref<2560x128xi32, #tpu.memory_space<hbm>>, %arg4: memref<2560x128xi32, #tpu.memory_space<hbm>>, %arg5: memref<2x10240x16xf32, #tpu.memory_space<hbm>>, %arg6: memref<80x128xi32, #tpu.memory_space<vmem>>, %arg7: memref<80x128xi32, #tpu.memory_space<vmem>>, %arg8: memref<128x16xf32, #tpu.memory_space<vmem>>, %arg9: memref<128x16xf32, #tpu.memory_space<vmem>>, %arg10: memref<128x16xf32, #tpu.memory_space<vmem>>, %arg11: memref<128x16xf32, #tpu.memory_space<vmem>>, %arg12: memref<64x16xf32, #tpu.memory_space<vmem>>, %arg13: memref<10240x16xf32, #tpu.memory_space<vmem_shared>>, %arg14: memref<!tpu.dma_semaphore, #tpu.memory_space<semaphore_mem>>, %arg15: memref<!tpu.dma_semaphore, #tpu.memory_space<semaphore_mem>>, %arg16: memref<!tpu.dma_semaphore, #tpu.memory_space<semaphore_mem>>, %arg17: memref<!tpu.dma_semaphore, #tpu.memory_space<semaphore_mem>>, %arg18: memref<!tpu.dma_semaphore, #tpu.memory_space<semaphore_mem>>, %arg19: memref<!tpu.dma_semaphore, #tpu.memory_space<semaphore_mem>>, %arg20: memref<!tpu.dma_semaphore, #tpu.memory_space<semaphore_mem>>, %arg21: memref<!tpu.dma_semaphore, #tpu.memory_space<semaphore_mem>>, %arg22: memref<!tpu.dma_semaphore, #tpu.memory_space<semaphore_mem>>) attributes {dimension_semantics = [#tpu.dimension_semantics<core_parallel>, #tpu.dimension_semantics<subcore_parallel>], iteration_bounds = array<i64: 2, 16>, scalar_prefetch = 0 : i64, scratch_operands = 17 : i64, tpu.core_type = #tpu.core_type<sc_vector_subcore>, window_params = [{transform_indices = #map}, {transform_indices = #map}, {transform_indices = #map}, {transform_indices = #map1}]} {
    %scan3A = arith.constant 0 : i32
    %scan3A_0 = arith.constant 0 : i32
    %scan3A_1 = arith.constant 64 : i32
    %scan3A_2 = arith.addi %scan3A_0, %scan3A_1 : i32
    %scan3A_3 = arith.constant 1 : i32
    %scan3A_4 = scf.for %scan3A_61 = %scan3A_0 to %scan3A_2 step %scan3A_3 iter_args(%scan3A_62 = %scan3A) -> (i32)  : i32 {
      %broadcast_in_dim3A = arith.constant 0.000000e+00 : f32
      %broadcast_in_dim3A_63 = vector.broadcast %broadcast_in_dim3A : f32 to vector<16xf32>
      %swap3A = arith.index_cast %scan3A_61 : i32 to index
      %swap3A_64 = arith.constant 0 : index
      %swap3A_65 = tpu.vector_load %arg12[%swap3A, %swap3A_64] {strides = array<i32>} : memref<64x16xf32, #tpu.memory_space<vmem>>, vector<1x16xf32>,
      %swap3A_66 = vector.shape_cast %swap3A_65 : vector<1x16xf32> to vector<16xf32>
      %swap3A_67 = vector.shape_cast %broadcast_in_dim3A_63 : vector<16xf32> to vector<1x16xf32>
      tpu.vector_store %arg12[%swap3A, %swap3A_64], %swap3A_67 {strides = array<i32>} : memref<64x16xf32, #tpu.memory_space<vmem>>, vector<1x16xf32>,
      %scan3A_68 = arith.constant 0 : i32
      scf.yield %scan3A_68 : i32
    }
    %scan3A_5 = arith.constant 64 : i32
    %scan3A_6 = arith.constant 0 : i32
    %scan3A_7 = arith.constant 0 : i32
    %scan3A_8 = arith.constant 10 : i32
    %scan3A_9 = arith.addi %scan3A_7, %scan3A_8 : i32
    %scan3A_10 = arith.constant 1 : i32
    %scan3A_11 = scf.for %scan3A_61 = %scan3A_7 to %scan3A_9 step %scan3A_10 iter_args(%scan3A_62 = %scan3A_6) -> (i32)  : i32 {
      %mul3A_63 = arith.constant 640 : i32
      %mul3A_64 = arith.muli %arg1, %mul3A_63 : i32
      %mul3A_65 = arith.constant 64 : i32
      %mul3A_66 = arith.muli %scan3A_61, %mul3A_65 : i32
      %add3A_67 = arith.addi %mul3A_64, %mul3A_66 : i32
      %dma_start3A_68 = arith.constant 0 : i32
      %dma_start3A_69 = tpu.memref_slice %arg13[%add3A_67, %dma_start3A_68] : memref<10240x16xf32, #tpu.memory_space<vmem_shared>> -> memref<64x16xf32, #tpu.memory_space<vmem_shared>>
      %dma_start3A_70 = arith.constant 0 : i32
      %dma_start3A_71 = tpu.memref_slice %arg13[%add3A_67, %dma_start3A_70] : memref<10240x16xf32, #tpu.memory_space<vmem_shared>> -> memref<64x16xf32, #tpu.memory_space<vmem_shared>>
      tpu.enqueue_dma source(%arg12 : memref<64x16xf32, #tpu.memory_space<vmem>>) target(%dma_start3A_71 : memref<64x16xf32, #tpu.memory_space<vmem_shared>>) target_semaphore(%arg22 : memref<!tpu.dma_semaphore, #tpu.memory_space<semaphore_mem>>)
      %scan3A_72 = arith.constant 0 : i32
      scf.yield %scan3A_72 : i32
    }
    %scan3A_12 = arith.constant 10 : i32
    %scan3A_13 = arith.constant 0 : i32
    %scan3A_14 = arith.constant 0 : i32
    %scan3A_15 = arith.constant 10 : i32
    %scan3A_16 = arith.addi %scan3A_14, %scan3A_15 : i32
    %scan3A_17 = arith.constant 1 : i32
    %scan3A_18 = scf.for %scan3A_61 = %scan3A_14 to %scan3A_16 step %scan3A_17 iter_args(%scan3A_62 = %scan3A_13) -> (i32)  : i32 {
      %mul3A_63 = arith.constant 640 : i32
      %mul3A_64 = arith.muli %arg1, %mul3A_63 : i32
      %dma_wait3A_65 = arith.constant 0 : i32
      %dma_wait3A_66 = tpu.memref_slice %arg13[%mul3A_64, %dma_wait3A_65] : memref<10240x16xf32, #tpu.memory_space<vmem_shared>> -> memref<64x16xf32, #tpu.memory_space<vmem_shared>>
      %dma_wait3A_67 = arith.constant 0 : i32
      %dma_wait3A_68 = tpu.memref_slice %arg13[%mul3A_64, %dma_wait3A_67] : memref<10240x16xf32, #tpu.memory_space<vmem_shared>> -> memref<64x16xf32, #tpu.memory_space<vmem_shared>>
      tpu.wait_dma2 semaphore(%arg22 : memref<!tpu.dma_semaphore, #tpu.memory_space<semaphore_mem>>) src(%arg12 : memref<64x16xf32, #tpu.memory_space<vmem>>) dst(%dma_wait3A_68 : memref<64x16xf32, #tpu.memory_space<vmem_shared>>)
      %scan3A_69 = arith.constant 0 : i32
      scf.yield %scan3A_69 : i32
    }
    %scan3A_19 = arith.constant 10 : i32
    %barrier3A = arith.constant 0 : index
    tpu.barrier barrier_id(%barrier3A)
    %mul3A = arith.constant 16 : i32
    %mul3A_20 = arith.muli %arg0, %mul3A : i32
    %add3A = arith.addi %mul3A_20, %arg1 : i32
    %mul3A_21 = arith.constant 80 : i32
    %mul3A_22 = arith.muli %add3A, %mul3A_21 : i32
    "tpu.region"() ({
      %run_scoped3A = tpu.sem_alloc : memref<!tpu.dma_semaphore, #tpu.memory_space<semaphore_mem>>
      %dma_start3A_61 = arith.constant 0 : i32
      %dma_start3A_62 = tpu.memref_slice %arg3[%mul3A_22, %dma_start3A_61] : memref<2560x128xi32, #tpu.memory_space<hbm>> -> memref<80x128xi32, #tpu.memory_space<hbm>>
      %dma_start3A_63 = arith.constant 0 : i32
      %dma_start3A_64 = tpu.memref_slice %arg3[%mul3A_22, %dma_start3A_63] : memref<2560x128xi32, #tpu.memory_space<hbm>> -> memref<80x128xi32, #tpu.memory_space<hbm>>
      tpu.enqueue_dma source(%dma_start3A_64 : memref<80x128xi32, #tpu.memory_space<hbm>>) target(%arg6 : memref<80x128xi32, #tpu.memory_space<vmem>>) target_semaphore(%run_scoped3A : memref<!tpu.dma_semaphore, #tpu.memory_space<semaphore_mem>>)
      %dma_wait3A_65 = arith.constant 0 : i32
      %dma_wait3A_66 = tpu.memref_slice %arg3[%mul3A_22, %dma_wait3A_65] : memref<2560x128xi32, #tpu.memory_space<hbm>> -> memref<80x128xi32, #tpu.memory_space<hbm>>
      %dma_wait3A_67 = arith.constant 0 : i32
      %dma_wait3A_68 = tpu.memref_slice %arg3[%mul3A_22, %dma_wait3A_67] : memref<2560x128xi32, #tpu.memory_space<hbm>> -> memref<80x128xi32, #tpu.memory_space<hbm>>
      tpu.wait_dma2 semaphore(%run_scoped3A : memref<!tpu.dma_semaphore, #tpu.memory_space<semaphore_mem>>) src(%dma_wait3A_68 : memref<80x128xi32, #tpu.memory_space<hbm>>) dst(%arg6 : memref<80x128xi32, #tpu.memory_space<vmem>>)
      tpu.yield
    }) : () -> ()
    "tpu.region"() ({
      %run_scoped3A = tpu.sem_alloc : memref<!tpu.dma_semaphore, #tpu.memory_space<semaphore_mem>>
      %dma_start3A_61 = arith.constant 0 : i32
      %dma_start3A_62 = tpu.memref_slice %arg4[%mul3A_22, %dma_start3A_61] : memref<2560x128xi32, #tpu.memory_space<hbm>> -> memref<80x128xi32, #tpu.memory_space<hbm>>
      %dma_start3A_63 = arith.constant 0 : i32
      %dma_start3A_64 = tpu.memref_slice %arg4[%mul3A_22, %dma_start3A_63] : memref<2560x128xi32, #tpu.memory_space<hbm>> -> memref<80x128xi32, #tpu.memory_space<hbm>>
      tpu.enqueue_dma source(%dma_start3A_64 : memref<80x128xi32, #tpu.memory_space<hbm>>) target(%arg7 : memref<80x128xi32, #tpu.memory_space<vmem>>) target_semaphore(%run_scoped3A : memref<!tpu.dma_semaphore, #tpu.memory_space<semaphore_mem>>)
      %dma_wait3A_65 = arith.constant 0 : i32
      %dma_wait3A_66 = tpu.memref_slice %arg4[%mul3A_22, %dma_wait3A_65] : memref<2560x128xi32, #tpu.memory_space<hbm>> -> memref<80x128xi32, #tpu.memory_space<hbm>>
      %dma_wait3A_67 = arith.constant 0 : i32
      %dma_wait3A_68 = tpu.memref_slice %arg4[%mul3A_22, %dma_wait3A_67] : memref<2560x128xi32, #tpu.memory_space<hbm>> -> memref<80x128xi32, #tpu.memory_space<hbm>>
      tpu.wait_dma2 semaphore(%run_scoped3A : memref<!tpu.dma_semaphore, #tpu.memory_space<semaphore_mem>>) src(%dma_wait3A_68 : memref<80x128xi32, #tpu.memory_space<hbm>>) dst(%arg7 : memref<80x128xi32, #tpu.memory_space<vmem>>)
      tpu.yield
    }) : () -> ()
    %dma_start3A = arith.constant 0 : i32
    %dma_start3A_23 = arith.constant 0 : i32
    %dma_start3A_24 = tpu.memref_slice %arg6[%dma_start3A, %dma_start3A_23] : memref<80x128xi32, #tpu.memory_space<vmem>> -> memref<1x128xi32, #tpu.memory_space<vmem>>
    %dma_start3A_25 = tpu.memref_squeeze %dma_start3A_24 : memref<1x128xi32, #tpu.memory_space<vmem>> -> memref<128xi32, #tpu.memory_space<vmem>>
    %dma_start3A_26 = arith.constant 0 : i32
    %dma_start3A_27 = arith.constant 0 : i32
    %dma_start3A_28 = tpu.memref_slice %arg2[%dma_start3A_26, %dma_start3A_27] : memref<10240x16xf32, #tpu.memory_space<hbm>> -> memref<10240x16xf32, #tpu.memory_space<hbm>>
    tpu.enqueue_indirect_dma source(%dma_start3A_28 : memref<10240x16xf32, #tpu.memory_space<hbm>>) target(%arg8 : memref<128x16xf32, #tpu.memory_space<vmem>>) offsets(%dma_start3A_25 : memref<128xi32, #tpu.memory_space<vmem>>) semaphore(%arg14 : memref<!tpu.dma_semaphore, #tpu.memory_space<semaphore_mem>>)
    %dma_start3A_29 = arith.constant 1 : i32
    %dma_start3A_30 = arith.constant 0 : i32
    %dma_start3A_31 = tpu.memref_slice %arg6[%dma_start3A_29, %dma_start3A_30] : memref<80x128xi32, #tpu.memory_space<vmem>> -> memref<1x128xi32, #tpu.memory_space<vmem>>
    %dma_start3A_32 = tpu.memref_squeeze %dma_start3A_31 : memref<1x128xi32, #tpu.memory_space<vmem>> -> memref<128xi32, #tpu.memory_space<vmem>>
    %dma_start3A_33 = arith.constant 0 : i32
    %dma_start3A_34 = arith.constant 0 : i32
    %dma_start3A_35 = tpu.memref_slice %arg2[%dma_start3A_33, %dma_start3A_34] : memref<10240x16xf32, #tpu.memory_space<hbm>> -> memref<10240x16xf32, #tpu.memory_space<hbm>>
    tpu.enqueue_indirect_dma source(%dma_start3A_35 : memref<10240x16xf32, #tpu.memory_space<hbm>>) target(%arg9 : memref<128x16xf32, #tpu.memory_space<vmem>>) offsets(%dma_start3A_32 : memref<128xi32, #tpu.memory_space<vmem>>) semaphore(%arg15 : memref<!tpu.dma_semaphore, #tpu.memory_space<semaphore_mem>>)
    %dma_start3A_36 = arith.constant 2 : i32
    %dma_start3A_37 = arith.constant 0 : i32
    %dma_start3A_38 = tpu.memref_slice %arg6[%dma_start3A_36, %dma_start3A_37] : memref<80x128xi32, #tpu.memory_space<vmem>> -> memref<1x128xi32, #tpu.memory_space<vmem>>
    %dma_start3A_39 = tpu.memref_squeeze %dma_start3A_38 : memref<1x128xi32, #tpu.memory_space<vmem>> -> memref<128xi32, #tpu.memory_space<vmem>>
    %dma_start3A_40 = arith.constant 0 : i32
    %dma_start3A_41 = arith.constant 0 : i32
    %dma_start3A_42 = tpu.memref_slice %arg2[%dma_start3A_40, %dma_start3A_41] : memref<10240x16xf32, #tpu.memory_space<hbm>> -> memref<10240x16xf32, #tpu.memory_space<hbm>>
    tpu.enqueue_indirect_dma source(%dma_start3A_42 : memref<10240x16xf32, #tpu.memory_space<hbm>>) target(%arg10 : memref<128x16xf32, #tpu.memory_space<vmem>>) offsets(%dma_start3A_39 : memref<128xi32, #tpu.memory_space<vmem>>) semaphore(%arg16 : memref<!tpu.dma_semaphore, #tpu.memory_space<semaphore_mem>>)
    %scan3A_43 = arith.constant 0 : i32
    %scan3A_44 = arith.constant 0 : i32
    %scan3A_45 = arith.constant 20 : i32
    %scan3A_46 = arith.addi %scan3A_44, %scan3A_45 : i32
    %scan3A_47 = arith.constant 1 : i32
    %scan3A_48 = scf.for %scan3A_61 = %scan3A_44 to %scan3A_46 step %scan3A_47 iter_args(%scan3A_62 = %scan3A_43) -> (i32)  : i32 {
      %mul3A_63 = arith.constant 4 : i32
      %mul3A_64 = arith.muli %mul3A_63, %scan3A_61 : i32
      %add3A_65 = arith.constant 0 : i32
      %add3A_66 = arith.addi %mul3A_64, %add3A_65 : i32
      %dma_wait3A_67 = arith.constant 0 : i32
      %dma_wait3A_68 = tpu.memref_slice %arg6[%add3A_66, %dma_wait3A_67] : memref<80x128xi32, #tpu.memory_space<vmem>> -> memref<1x128xi32, #tpu.memory_space<vmem>>
      %dma_wait3A_69 = tpu.memref_squeeze %dma_wait3A_68 : memref<1x128xi32, #tpu.memory_space<vmem>> -> memref<128xi32, #tpu.memory_space<vmem>>
      %dma_wait3A_70 = arith.constant 0 : i32
      %dma_wait3A_71 = arith.constant 0 : i32
      %dma_wait3A_72 = tpu.memref_slice %arg2[%dma_wait3A_70, %dma_wait3A_71] : memref<10240x16xf32, #tpu.memory_space<hbm>> -> memref<10240x16xf32, #tpu.memory_space<hbm>>
      tpu.wait_indirect_dma semaphore(%arg14 : memref<!tpu.dma_semaphore, #tpu.memory_space<semaphore_mem>>) src(%dma_wait3A_72 : memref<10240x16xf32, #tpu.memory_space<hbm>>) dst(%arg8 : memref<128x16xf32, #tpu.memory_space<vmem>>)
      %dma_start3A_73 = arith.constant 0 : i32
      %dma_start3A_74 = tpu.memref_slice %arg7[%add3A_66, %dma_start3A_73] : memref<80x128xi32, #tpu.memory_space<vmem>> -> memref<1x128xi32, #tpu.memory_space<vmem>>
      %dma_start3A_75 = tpu.memref_squeeze %dma_start3A_74 : memref<1x128xi32, #tpu.memory_space<vmem>> -> memref<128xi32, #tpu.memory_space<vmem>>
      %dma_start3A_76 = arith.constant 0 : i32
      %dma_start3A_77 = arith.constant 0 : i32
      %dma_start3A_78 = tpu.memref_slice %arg13[%dma_start3A_76, %dma_start3A_77] : memref<10240x16xf32, #tpu.memory_space<vmem_shared>> -> memref<10240x16xf32, #tpu.memory_space<vmem_shared>>
      tpu.enqueue_indirect_dma source(%arg8 : memref<128x16xf32, #tpu.memory_space<vmem>>) target(%dma_start3A_78 : memref<10240x16xf32, #tpu.memory_space<vmem_shared>>) offsets(%dma_start3A_75 : memref<128xi32, #tpu.memory_space<vmem>>) semaphore(%arg18 : memref<!tpu.dma_semaphore, #tpu.memory_space<semaphore_mem>>) {add = true}
      %gt3A = arith.constant 0 : i32
      %gt3A_79 = arith.cmpi sgt, %scan3A_61, %gt3A : i32
      %convert_element_type3A = arith.extui %gt3A_79 : i1 to i32
      %cond3A = arith.constant 0 : i32
      %cond3A_80 = arith.cmpi ne, %convert_element_type3A, %cond3A : i32
      scf.if %cond3A_80 {
        %dma_wait3A_173 = arith.constant 0 : i32
        %dma_wait3A_174 = arith.constant 0 : i32
        %dma_wait3A_175 = tpu.memref_slice %arg7[%dma_wait3A_173, %dma_wait3A_174] : memref<80x128xi32, #tpu.memory_space<vmem>> -> memref<1x128xi32, #tpu.memory_space<vmem>>
        %dma_wait3A_176 = tpu.memref_squeeze %dma_wait3A_175 : memref<1x128xi32, #tpu.memory_space<vmem>> -> memref<128xi32, #tpu.memory_space<vmem>>
        %dma_wait3A_177 = arith.constant 0 : i32
        %dma_wait3A_178 = arith.constant 0 : i32
        %dma_wait3A_179 = tpu.memref_slice %arg13[%dma_wait3A_177, %dma_wait3A_178] : memref<10240x16xf32, #tpu.memory_space<vmem_shared>> -> memref<10240x16xf32, #tpu.memory_space<vmem_shared>>
        tpu.wait_indirect_dma semaphore(%arg21 : memref<!tpu.dma_semaphore, #tpu.memory_space<semaphore_mem>>) src(%arg11 : memref<128x16xf32, #tpu.memory_space<vmem>>) dst(%dma_wait3A_179 : memref<10240x16xf32, #tpu.memory_space<vmem_shared>>)
      } else {
      }
      %add3A_81 = arith.constant 3 : i32
      %add3A_82 = arith.addi %add3A_66, %add3A_81 : i32
      %dma_start3A_83 = arith.constant 0 : i32
      %dma_start3A_84 = tpu.memref_slice %arg6[%add3A_82, %dma_start3A_83] : memref<80x128xi32, #tpu.memory_space<vmem>> -> memref<1x128xi32, #tpu.memory_space<vmem>>
      %dma_start3A_85 = tpu.memref_squeeze %dma_start3A_84 : memref<1x128xi32, #tpu.memory_space<vmem>> -> memref<128xi32, #tpu.memory_space<vmem>>
      %dma_start3A_86 = arith.constant 0 : i32
      %dma_start3A_87 = arith.constant 0 : i32
      %dma_start3A_88 = tpu.memref_slice %arg2[%dma_start3A_86, %dma_start3A_87] : memref<10240x16xf32, #tpu.memory_space<hbm>> -> memref<10240x16xf32, #tpu.memory_space<hbm>>
      tpu.enqueue_indirect_dma source(%dma_start3A_88 : memref<10240x16xf32, #tpu.memory_space<hbm>>) target(%arg11 : memref<128x16xf32, #tpu.memory_space<vmem>>) offsets(%dma_start3A_85 : memref<128xi32, #tpu.memory_space<vmem>>) semaphore(%arg17 : memref<!tpu.dma_semaphore, #tpu.memory_space<semaphore_mem>>)
      %mul3A_89 = arith.constant 4 : i32
      %mul3A_90 = arith.muli %mul3A_89, %scan3A_61 : i32
      %add3A_91 = arith.constant 1 : i32
      %add3A_92 = arith.addi %mul3A_90, %add3A_91 : i32
      %dma_wait3A_93 = arith.constant 0 : i32
      %dma_wait3A_94 = tpu.memref_slice %arg6[%add3A_92, %dma_wait3A_93] : memref<80x128xi32, #tpu.memory_space<vmem>> -> memref<1x128xi32, #tpu.memory_space<vmem>>
      %dma_wait3A_95 = tpu.memref_squeeze %dma_wait3A_94 : memref<1x128xi32, #tpu.memory_space<vmem>> -> memref<128xi32, #tpu.memory_space<vmem>>
      %dma_wait3A_96 = arith.constant 0 : i32
      %dma_wait3A_97 = arith.constant 0 : i32
      %dma_wait3A_98 = tpu.memref_slice %arg2[%dma_wait3A_96, %dma_wait3A_97] : memref<10240x16xf32, #tpu.memory_space<hbm>> -> memref<10240x16xf32, #tpu.memory_space<hbm>>
      tpu.wait_indirect_dma semaphore(%arg15 : memref<!tpu.dma_semaphore, #tpu.memory_space<semaphore_mem>>) src(%dma_wait3A_98 : memref<10240x16xf32, #tpu.memory_space<hbm>>) dst(%arg9 : memref<128x16xf32, #tpu.memory_space<vmem>>)
      %dma_start3A_99 = arith.constant 0 : i32
      %dma_start3A_100 = tpu.memref_slice %arg7[%add3A_92, %dma_start3A_99] : memref<80x128xi32, #tpu.memory_space<vmem>> -> memref<1x128xi32, #tpu.memory_space<vmem>>
      %dma_start3A_101 = tpu.memref_squeeze %dma_start3A_100 : memref<1x128xi32, #tpu.memory_space<vmem>> -> memref<128xi32, #tpu.memory_space<vmem>>
      %dma_start3A_102 = arith.constant 0 : i32
      %dma_start3A_103 = arith.constant 0 : i32
      %dma_start3A_104 = tpu.memref_slice %arg13[%dma_start3A_102, %dma_start3A_103] : memref<10240x16xf32, #tpu.memory_space<vmem_shared>> -> memref<10240x16xf32, #tpu.memory_space<vmem_shared>>
      tpu.enqueue_indirect_dma source(%arg9 : memref<128x16xf32, #tpu.memory_space<vmem>>) target(%dma_start3A_104 : memref<10240x16xf32, #tpu.memory_space<vmem_shared>>) offsets(%dma_start3A_101 : memref<128xi32, #tpu.memory_space<vmem>>) semaphore(%arg19 : memref<!tpu.dma_semaphore, #tpu.memory_space<semaphore_mem>>) {add = true}
      %dma_wait3A_105 = arith.constant 0 : i32
      %dma_wait3A_106 = arith.constant 0 : i32
      %dma_wait3A_107 = tpu.memref_slice %arg7[%dma_wait3A_105, %dma_wait3A_106] : memref<80x128xi32, #tpu.memory_space<vmem>> -> memref<1x128xi32, #tpu.memory_space<vmem>>
      %dma_wait3A_108 = tpu.memref_squeeze %dma_wait3A_107 : memref<1x128xi32, #tpu.memory_space<vmem>> -> memref<128xi32, #tpu.memory_space<vmem>>
      %dma_wait3A_109 = arith.constant 0 : i32
      %dma_wait3A_110 = arith.constant 0 : i32
      %dma_wait3A_111 = tpu.memref_slice %arg13[%dma_wait3A_109, %dma_wait3A_110] : memref<10240x16xf32, #tpu.memory_space<vmem_shared>> -> memref<10240x16xf32, #tpu.memory_space<vmem_shared>>
      tpu.wait_indirect_dma semaphore(%arg18 : memref<!tpu.dma_semaphore, #tpu.memory_space<semaphore_mem>>) src(%arg8 : memref<128x16xf32, #tpu.memory_space<vmem>>) dst(%dma_wait3A_111 : memref<10240x16xf32, #tpu.memory_space<vmem_shared>>)
      %lt3A = arith.constant 19 : i32
      %lt3A_112 = arith.cmpi slt, %scan3A_61, %lt3A : i32
      %convert_element_type3A_113 = arith.extui %lt3A_112 : i1 to i32
      %cond3A_114 = arith.constant 0 : i32
      %cond3A_115 = arith.cmpi ne, %convert_element_type3A_113, %cond3A_114 : i32
      scf.if %cond3A_115 {
        %add3A_173 = arith.constant 3 : i32
        %add3A_174 = arith.addi %add3A_92, %add3A_173 : i32
        %dma_start3A_175 = arith.constant 0 : i32
        %dma_start3A_176 = tpu.memref_slice %arg6[%add3A_174, %dma_start3A_175] : memref<80x128xi32, #tpu.memory_space<vmem>> -> memref<1x128xi32, #tpu.memory_space<vmem>>
        %dma_start3A_177 = tpu.memref_squeeze %dma_start3A_176 : memref<1x128xi32, #tpu.memory_space<vmem>> -> memref<128xi32, #tpu.memory_space<vmem>>
        %dma_start3A_178 = arith.constant 0 : i32
        %dma_start3A_179 = arith.constant 0 : i32
        %dma_start3A_180 = tpu.memref_slice %arg2[%dma_start3A_178, %dma_start3A_179] : memref<10240x16xf32, #tpu.memory_space<hbm>> -> memref<10240x16xf32, #tpu.memory_space<hbm>>
        tpu.enqueue_indirect_dma source(%dma_start3A_180 : memref<10240x16xf32, #tpu.memory_space<hbm>>) target(%arg8 : memref<128x16xf32, #tpu.memory_space<vmem>>) offsets(%dma_start3A_177 : memref<128xi32, #tpu.memory_space<vmem>>) semaphore(%arg14 : memref<!tpu.dma_semaphore, #tpu.memory_space<semaphore_mem>>)
      } else {
      }
      %mul3A_116 = arith.constant 4 : i32
      %mul3A_117 = arith.muli %mul3A_116, %scan3A_61 : i32
      %add3A_118 = arith.constant 2 : i32
      %add3A_119 = arith.addi %mul3A_117, %add3A_118 : i32
      %dma_wait3A_120 = arith.constant 0 : i32
      %dma_wait3A_121 = tpu.memref_slice %arg6[%add3A_119, %dma_wait3A_120] : memref<80x128xi32, #tpu.memory_space<vmem>> -> memref<1x128xi32, #tpu.memory_space<vmem>>
      %dma_wait3A_122 = tpu.memref_squeeze %dma_wait3A_121 : memref<1x128xi32, #tpu.memory_space<vmem>> -> memref<128xi32, #tpu.memory_space<vmem>>
      %dma_wait3A_123 = arith.constant 0 : i32
      %dma_wait3A_124 = arith.constant 0 : i32
      %dma_wait3A_125 = tpu.memref_slice %arg2[%dma_wait3A_123, %dma_wait3A_124] : memref<10240x16xf32, #tpu.memory_space<hbm>> -> memref<10240x16xf32, #tpu.memory_space<hbm>>
      tpu.wait_indirect_dma semaphore(%arg16 : memref<!tpu.dma_semaphore, #tpu.memory_space<semaphore_mem>>) src(%dma_wait3A_125 : memref<10240x16xf32, #tpu.memory_space<hbm>>) dst(%arg10 : memref<128x16xf32, #tpu.memory_space<vmem>>)
      %dma_start3A_126 = arith.constant 0 : i32
      %dma_start3A_127 = tpu.memref_slice %arg7[%add3A_119, %dma_start3A_126] : memref<80x128xi32, #tpu.memory_space<vmem>> -> memref<1x128xi32, #tpu.memory_space<vmem>>
      %dma_start3A_128 = tpu.memref_squeeze %dma_start3A_127 : memref<1x128xi32, #tpu.memory_space<vmem>> -> memref<128xi32, #tpu.memory_space<vmem>>
      %dma_start3A_129 = arith.constant 0 : i32
      %dma_start3A_130 = arith.constant 0 : i32
      %dma_start3A_131 = tpu.memref_slice %arg13[%dma_start3A_129, %dma_start3A_130] : memref<10240x16xf32, #tpu.memory_space<vmem_shared>> -> memref<10240x16xf32, #tpu.memory_space<vmem_shared>>
      tpu.enqueue_indirect_dma source(%arg10 : memref<128x16xf32, #tpu.memory_space<vmem>>) target(%dma_start3A_131 : memref<10240x16xf32, #tpu.memory_space<vmem_shared>>) offsets(%dma_start3A_128 : memref<128xi32, #tpu.memory_space<vmem>>) semaphore(%arg20 : memref<!tpu.dma_semaphore, #tpu.memory_space<semaphore_mem>>) {add = true}
      %dma_wait3A_132 = arith.constant 0 : i32
      %dma_wait3A_133 = arith.constant 0 : i32
      %dma_wait3A_134 = tpu.memref_slice %arg7[%dma_wait3A_132, %dma_wait3A_133] : memref<80x128xi32, #tpu.memory_space<vmem>> -> memref<1x128xi32, #tpu.memory_space<vmem>>
      %dma_wait3A_135 = tpu.memref_squeeze %dma_wait3A_134 : memref<1x128xi32, #tpu.memory_space<vmem>> -> memref<128xi32, #tpu.memory_space<vmem>>
      %dma_wait3A_136 = arith.constant 0 : i32
      %dma_wait3A_137 = arith.constant 0 : i32
      %dma_wait3A_138 = tpu.memref_slice %arg13[%dma_wait3A_136, %dma_wait3A_137] : memref<10240x16xf32, #tpu.memory_space<vmem_shared>> -> memref<10240x16xf32, #tpu.memory_space<vmem_shared>>
      tpu.wait_indirect_dma semaphore(%arg19 : memref<!tpu.dma_semaphore, #tpu.memory_space<semaphore_mem>>) src(%arg9 : memref<128x16xf32, #tpu.memory_space<vmem>>) dst(%dma_wait3A_138 : memref<10240x16xf32, #tpu.memory_space<vmem_shared>>)
      %lt3A_139 = arith.constant 19 : i32
      %lt3A_140 = arith.cmpi slt, %scan3A_61, %lt3A_139 : i32
      %convert_element_type3A_141 = arith.extui %lt3A_140 : i1 to i32
      %cond3A_142 = arith.constant 0 : i32
      %cond3A_143 = arith.cmpi ne, %convert_element_type3A_141, %cond3A_142 : i32
      scf.if %cond3A_143 {
        %add3A_173 = arith.constant 3 : i32
        %add3A_174 = arith.addi %add3A_119, %add3A_173 : i32
        %dma_start3A_175 = arith.constant 0 : i32
        %dma_start3A_176 = tpu.memref_slice %arg6[%add3A_174, %dma_start3A_175] : memref<80x128xi32, #tpu.memory_space<vmem>> -> memref<1x128xi32, #tpu.memory_space<vmem>>
        %dma_start3A_177 = tpu.memref_squeeze %dma_start3A_176 : memref<1x128xi32, #tpu.memory_space<vmem>> -> memref<128xi32, #tpu.memory_space<vmem>>
        %dma_start3A_178 = arith.constant 0 : i32
        %dma_start3A_179 = arith.constant 0 : i32
        %dma_start3A_180 = tpu.memref_slice %arg2[%dma_start3A_178, %dma_start3A_179] : memref<10240x16xf32, #tpu.memory_space<hbm>> -> memref<10240x16xf32, #tpu.memory_space<hbm>>
        tpu.enqueue_indirect_dma source(%dma_start3A_180 : memref<10240x16xf32, #tpu.memory_space<hbm>>) target(%arg9 : memref<128x16xf32, #tpu.memory_space<vmem>>) offsets(%dma_start3A_177 : memref<128xi32, #tpu.memory_space<vmem>>) semaphore(%arg15 : memref<!tpu.dma_semaphore, #tpu.memory_space<semaphore_mem>>)
      } else {
      }
      %mul3A_144 = arith.constant 4 : i32
      %mul3A_145 = arith.muli %mul3A_144, %scan3A_61 : i32
      %add3A_146 = arith.constant 3 : i32
      %add3A_147 = arith.addi %mul3A_145, %add3A_146 : i32
      %dma_wait3A_148 = arith.constant 0 : i32
      %dma_wait3A_149 = tpu.memref_slice %arg6[%add3A_147, %dma_wait3A_148] : memref<80x128xi32, #tpu.memory_space<vmem>> -> memref<1x128xi32, #tpu.memory_space<vmem>>
      %dma_wait3A_150 = tpu.memref_squeeze %dma_wait3A_149 : memref<1x128xi32, #tpu.memory_space<vmem>> -> memref<128xi32, #tpu.memory_space<vmem>>
      %dma_wait3A_151 = arith.constant 0 : i32
      %dma_wait3A_152 = arith.constant 0 : i32
      %dma_wait3A_153 = tpu.memref_slice %arg2[%dma_wait3A_151, %dma_wait3A_152] : memref<10240x16xf32, #tpu.memory_space<hbm>> -> memref<10240x16xf32, #tpu.memory_space<hbm>>
      tpu.wait_indirect_dma semaphore(%arg17 : memref<!tpu.dma_semaphore, #tpu.memory_space<semaphore_mem>>) src(%dma_wait3A_153 : memref<10240x16xf32, #tpu.memory_space<hbm>>) dst(%arg11 : memref<128x16xf32, #tpu.memory_space<vmem>>)
      %dma_start3A_154 = arith.constant 0 : i32
      %dma_start3A_155 = tpu.memref_slice %arg7[%add3A_147, %dma_start3A_154] : memref<80x128xi32, #tpu.memory_space<vmem>> -> memref<1x128xi32, #tpu.memory_space<vmem>>
      %dma_start3A_156 = tpu.memref_squeeze %dma_start3A_155 : memref<1x128xi32, #tpu.memory_space<vmem>> -> memref<128xi32, #tpu.memory_space<vmem>>
      %dma_start3A_157 = arith.constant 0 : i32
      %dma_start3A_158 = arith.constant 0 : i32
      %dma_start3A_159 = tpu.memref_slice %arg13[%dma_start3A_157, %dma_start3A_158] : memref<10240x16xf32, #tpu.memory_space<vmem_shared>> -> memref<10240x16xf32, #tpu.memory_space<vmem_shared>>
      tpu.enqueue_indirect_dma source(%arg11 : memref<128x16xf32, #tpu.memory_space<vmem>>) target(%dma_start3A_159 : memref<10240x16xf32, #tpu.memory_space<vmem_shared>>) offsets(%dma_start3A_156 : memref<128xi32, #tpu.memory_space<vmem>>) semaphore(%arg21 : memref<!tpu.dma_semaphore, #tpu.memory_space<semaphore_mem>>) {add = true}
      %dma_wait3A_160 = arith.constant 0 : i32
      %dma_wait3A_161 = arith.constant 0 : i32
      %dma_wait3A_162 = tpu.memref_slice %arg7[%dma_wait3A_160, %dma_wait3A_161] : memref<80x128xi32, #tpu.memory_space<vmem>> -> memref<1x128xi32, #tpu.memory_space<vmem>>
      %dma_wait3A_163 = tpu.memref_squeeze %dma_wait3A_162 : memref<1x128xi32, #tpu.memory_space<vmem>> -> memref<128xi32, #tpu.memory_space<vmem>>
      %dma_wait3A_164 = arith.constant 0 : i32
      %dma_wait3A_165 = arith.constant 0 : i32
      %dma_wait3A_166 = tpu.memref_slice %arg13[%dma_wait3A_164, %dma_wait3A_165] : memref<10240x16xf32, #tpu.memory_space<vmem_shared>> -> memref<10240x16xf32, #tpu.memory_space<vmem_shared>>
      tpu.wait_indirect_dma semaphore(%arg20 : memref<!tpu.dma_semaphore, #tpu.memory_space<semaphore_mem>>) src(%arg10 : memref<128x16xf32, #tpu.memory_space<vmem>>) dst(%dma_wait3A_166 : memref<10240x16xf32, #tpu.memory_space<vmem_shared>>)
      %lt3A_167 = arith.constant 19 : i32
      %lt3A_168 = arith.cmpi slt, %scan3A_61, %lt3A_167 : i32
      %convert_element_type3A_169 = arith.extui %lt3A_168 : i1 to i32
      %cond3A_170 = arith.constant 0 : i32
      %cond3A_171 = arith.cmpi ne, %convert_element_type3A_169, %cond3A_170 : i32
      scf.if %cond3A_171 {
        %add3A_173 = arith.constant 3 : i32
        %add3A_174 = arith.addi %add3A_147, %add3A_173 : i32
        %dma_start3A_175 = arith.constant 0 : i32
        %dma_start3A_176 = tpu.memref_slice %arg6[%add3A_174, %dma_start3A_175] : memref<80x128xi32, #tpu.memory_space<vmem>> -> memref<1x128xi32, #tpu.memory_space<vmem>>
        %dma_start3A_177 = tpu.memref_squeeze %dma_start3A_176 : memref<1x128xi32, #tpu.memory_space<vmem>> -> memref<128xi32, #tpu.memory_space<vmem>>
        %dma_start3A_178 = arith.constant 0 : i32
        %dma_start3A_179 = arith.constant 0 : i32
        %dma_start3A_180 = tpu.memref_slice %arg2[%dma_start3A_178, %dma_start3A_179] : memref<10240x16xf32, #tpu.memory_space<hbm>> -> memref<10240x16xf32, #tpu.memory_space<hbm>>
        tpu.enqueue_indirect_dma source(%dma_start3A_180 : memref<10240x16xf32, #tpu.memory_space<hbm>>) target(%arg10 : memref<128x16xf32, #tpu.memory_space<vmem>>) offsets(%dma_start3A_177 : memref<128xi32, #tpu.memory_space<vmem>>) semaphore(%arg16 : memref<!tpu.dma_semaphore, #tpu.memory_space<semaphore_mem>>)
      } else {
      }
      %scan3A_172 = arith.constant 0 : i32
      scf.yield %scan3A_172 : i32
    }
    %scan3A_49 = arith.constant 20 : i32
    %dma_wait3A = arith.constant 0 : i32
    %dma_wait3A_50 = arith.constant 0 : i32
    %dma_wait3A_51 = tpu.memref_slice %arg7[%dma_wait3A, %dma_wait3A_50] : memref<80x128xi32, #tpu.memory_space<vmem>> -> memref<1x128xi32, #tpu.memory_space<vmem>>
    %dma_wait3A_52 = tpu.memref_squeeze %dma_wait3A_51 : memref<1x128xi32, #tpu.memory_space<vmem>> -> memref<128xi32, #tpu.memory_space<vmem>>
    %dma_wait3A_53 = arith.constant 0 : i32
    %dma_wait3A_54 = arith.constant 0 : i32
    %dma_wait3A_55 = tpu.memref_slice %arg13[%dma_wait3A_53, %dma_wait3A_54] : memref<10240x16xf32, #tpu.memory_space<vmem_shared>> -> memref<10240x16xf32, #tpu.memory_space<vmem_shared>>
    tpu.wait_indirect_dma semaphore(%arg21 : memref<!tpu.dma_semaphore, #tpu.memory_space<semaphore_mem>>) src(%arg11 : memref<128x16xf32, #tpu.memory_space<vmem>>) dst(%dma_wait3A_55 : memref<10240x16xf32, #tpu.memory_space<vmem_shared>>)
    %barrier3A_56 = arith.constant 0 : index
    tpu.barrier barrier_id(%barrier3A_56)
    %mul3A_57 = arith.constant 640 : i32
    %mul3A_58 = arith.muli %arg1, %mul3A_57 : i32
    %mul3A_59 = arith.constant 640 : i32
    %mul3A_60 = arith.muli %arg1, %mul3A_59 : i32
    "tpu.region"() ({
      %run_scoped3A = tpu.sem_alloc : memref<!tpu.dma_semaphore, #tpu.memory_space<semaphore_mem>>
      %dma_start3A_61 = arith.constant 0 : i32
      %dma_start3A_62 = tpu.memref_slice %arg5[%arg0, %mul3A_60, %dma_start3A_61] : memref<2x10240x16xf32, #tpu.memory_space<hbm>> -> memref<1x640x16xf32, #tpu.memory_space<hbm>>
      %dma_start3A_63 = tpu.memref_squeeze %dma_start3A_62 : memref<1x640x16xf32, #tpu.memory_space<hbm>> -> memref<640x16xf32, #tpu.memory_space<hbm>>
      %dma_start3A_64 = arith.constant 0 : i32
      %dma_start3A_65 = tpu.memref_slice %arg13[%mul3A_58, %dma_start3A_64] : memref<10240x16xf32, #tpu.memory_space<vmem_shared>> -> memref<640x16xf32, #tpu.memory_space<vmem_shared>>
      tpu.enqueue_dma source(%dma_start3A_65 : memref<640x16xf32, #tpu.memory_space<vmem_shared>>) target(%dma_start3A_63 : memref<640x16xf32, #tpu.memory_space<hbm>>) target_semaphore(%run_scoped3A : memref<!tpu.dma_semaphore, #tpu.memory_space<semaphore_mem>>)
      %dma_wait3A_66 = arith.constant 0 : i32
      %dma_wait3A_67 = tpu.memref_slice %arg5[%arg0, %mul3A_60, %dma_wait3A_66] : memref<2x10240x16xf32, #tpu.memory_space<hbm>> -> memref<1x640x16xf32, #tpu.memory_space<hbm>>
      %dma_wait3A_68 = tpu.memref_squeeze %dma_wait3A_67 : memref<1x640x16xf32, #tpu.memory_space<hbm>> -> memref<640x16xf32, #tpu.memory_space<hbm>>
      %dma_wait3A_69 = arith.constant 0 : i32
      %dma_wait3A_70 = tpu.memref_slice %arg13[%mul3A_58, %dma_wait3A_69] : memref<10240x16xf32, #tpu.memory_space<vmem_shared>> -> memref<640x16xf32, #tpu.memory_space<vmem_shared>>
      tpu.wait_dma2 semaphore(%run_scoped3A : memref<!tpu.dma_semaphore, #tpu.memory_space<semaphore_mem>>) src(%dma_wait3A_70 : memref<640x16xf32, #tpu.memory_space<vmem_shared>>) dst(%dma_wait3A_68 : memref<640x16xf32, #tpu.memory_space<hbm>>)
      tpu.yield
    }) : () -> ()
    return
  }
}

#map = affine_map<(d0, d1) -> (0, 0)>
#map1 = affine_map<(d0, d1) -> (0, 0, 0)>
module attributes {stable_mosaic.version = 14 : i64} {
  func.func @agg(%arg0: i32, %arg1: i32, %arg2: memref<10240x32xf32, #tpu.memory_space<hbm>>, %arg3: memref<2560x128xi32, #tpu.memory_space<hbm>>, %arg4: memref<2560x128xi32, #tpu.memory_space<hbm>>, %arg5: memref<2x10240x32xf32, #tpu.memory_space<hbm>>, %arg6: memref<80x128xi32, #tpu.memory_space<vmem>>, %arg7: memref<80x128xi32, #tpu.memory_space<vmem>>, %arg8: memref<128x32xf32, #tpu.memory_space<vmem>>, %arg9: memref<128x32xf32, #tpu.memory_space<vmem>>, %arg10: memref<128x32xf32, #tpu.memory_space<vmem>>, %arg11: memref<128x32xf32, #tpu.memory_space<vmem>>, %arg12: memref<64x32xf32, #tpu.memory_space<vmem>>, %arg13: memref<10240x32xf32, #tpu.memory_space<vmem_shared>>, %arg14: memref<!tpu.dma_semaphore, #tpu.memory_space<semaphore_mem>>, %arg15: memref<!tpu.dma_semaphore, #tpu.memory_space<semaphore_mem>>, %arg16: memref<!tpu.dma_semaphore, #tpu.memory_space<semaphore_mem>>, %arg17: memref<!tpu.dma_semaphore, #tpu.memory_space<semaphore_mem>>, %arg18: memref<!tpu.dma_semaphore, #tpu.memory_space<semaphore_mem>>, %arg19: memref<!tpu.dma_semaphore, #tpu.memory_space<semaphore_mem>>, %arg20: memref<!tpu.dma_semaphore, #tpu.memory_space<semaphore_mem>>, %arg21: memref<!tpu.dma_semaphore, #tpu.memory_space<semaphore_mem>>, %arg22: memref<!tpu.dma_semaphore, #tpu.memory_space<semaphore_mem>>) attributes {dimension_semantics = [#tpu.dimension_semantics<core_parallel>, #tpu.dimension_semantics<subcore_parallel>], iteration_bounds = array<i64: 2, 16>, scalar_prefetch = 0 : i64, scratch_operands = 17 : i64, tpu.core_type = #tpu.core_type<sc_vector_subcore>, window_params = [{transform_indices = #map}, {transform_indices = #map}, {transform_indices = #map}, {transform_indices = #map1}]} {
    %scan3A = arith.constant 0 : i32
    %scan3A_0 = arith.constant 0 : i32
    %scan3A_1 = arith.constant 64 : i32
    %scan3A_2 = arith.addi %scan3A_0, %scan3A_1 : i32
    %scan3A_3 = arith.constant 1 : i32
    %scan3A_4 = scf.for %scan3A_61 = %scan3A_0 to %scan3A_2 step %scan3A_3 iter_args(%scan3A_62 = %scan3A) -> (i32)  : i32 {
      %broadcast_in_dim3A = arith.constant 0.000000e+00 : f32
      %broadcast_in_dim3A_63 = vector.broadcast %broadcast_in_dim3A : f32 to vector<16xf32>
      %swap3A = arith.index_cast %scan3A_61 : i32 to index
      %swap3A_64 = arith.constant 0 : index
      %swap3A_65 = tpu.vector_load %arg12[%swap3A, %swap3A_64] {strides = array<i32>} : memref<64x32xf32, #tpu.memory_space<vmem>>, vector<1x16xf32>,
      %swap3A_66 = vector.shape_cast %swap3A_65 : vector<1x16xf32> to vector<16xf32>
      %swap3A_67 = vector.shape_cast %broadcast_in_dim3A_63 : vector<16xf32> to vector<1x16xf32>
      tpu.vector_store %arg12[%swap3A, %swap3A_64], %swap3A_67 {strides = array<i32>} : memref<64x32xf32, #tpu.memory_space<vmem>>, vector<1x16xf32>,
      %broadcast_in_dim3A_68 = arith.constant 0.000000e+00 : f32
      %broadcast_in_dim3A_69 = vector.broadcast %broadcast_in_dim3A_68 : f32 to vector<16xf32>
      %swap3A_70 = arith.index_cast %scan3A_61 : i32 to index
      %swap3A_71 = arith.constant 16 : index
      %swap3A_72 = tpu.vector_load %arg12[%swap3A_70, %swap3A_71] {strides = array<i32>} : memref<64x32xf32, #tpu.memory_space<vmem>>, vector<1x16xf32>,
      %swap3A_73 = vector.shape_cast %swap3A_72 : vector<1x16xf32> to vector<16xf32>
      %swap3A_74 = vector.shape_cast %broadcast_in_dim3A_69 : vector<16xf32> to vector<1x16xf32>
      tpu.vector_store %arg12[%swap3A_70, %swap3A_71], %swap3A_74 {strides = array<i32>} : memref<64x32xf32, #tpu.memory_space<vmem>>, vector<1x16xf32>,
      %scan3A_75 = arith.constant 0 : i32
      scf.yield %scan3A_75 : i32
    }
    %scan3A_5 = arith.constant 64 : i32
    %scan3A_6 = arith.constant 0 : i32
    %scan3A_7 = arith.constant 0 : i32
    %scan3A_8 = arith.constant 10 : i32
    %scan3A_9 = arith.addi %scan3A_7, %scan3A_8 : i32
    %scan3A_10 = arith.constant 1 : i32
    %scan3A_11 = scf.for %scan3A_61 = %scan3A_7 to %scan3A_9 step %scan3A_10 iter_args(%scan3A_62 = %scan3A_6) -> (i32)  : i32 {
      %mul3A_63 = arith.constant 640 : i32
      %mul3A_64 = arith.muli %arg1, %mul3A_63 : i32
      %mul3A_65 = arith.constant 64 : i32
      %mul3A_66 = arith.muli %scan3A_61, %mul3A_65 : i32
      %add3A_67 = arith.addi %mul3A_64, %mul3A_66 : i32
      %dma_start3A_68 = arith.constant 0 : i32
      %dma_start3A_69 = tpu.memref_slice %arg13[%add3A_67, %dma_start3A_68] : memref<10240x32xf32, #tpu.memory_space<vmem_shared>> -> memref<64x32xf32, #tpu.memory_space<vmem_shared>>
      %dma_start3A_70 = arith.constant 0 : i32
      %dma_start3A_71 = tpu.memref_slice %arg13[%add3A_67, %dma_start3A_70] : memref<10240x32xf32, #tpu.memory_space<vmem_shared>> -> memref<64x32xf32, #tpu.memory_space<vmem_shared>>
      tpu.enqueue_dma source(%arg12 : memref<64x32xf32, #tpu.memory_space<vmem>>) target(%dma_start3A_71 : memref<64x32xf32, #tpu.memory_space<vmem_shared>>) target_semaphore(%arg22 : memref<!tpu.dma_semaphore, #tpu.memory_space<semaphore_mem>>)
      %scan3A_72 = arith.constant 0 : i32
      scf.yield %scan3A_72 : i32
    }
    %scan3A_12 = arith.constant 10 : i32
    %scan3A_13 = arith.constant 0 : i32
    %scan3A_14 = arith.constant 0 : i32
    %scan3A_15 = arith.constant 10 : i32
    %scan3A_16 = arith.addi %scan3A_14, %scan3A_15 : i32
    %scan3A_17 = arith.constant 1 : i32
    %scan3A_18 = scf.for %scan3A_61 = %scan3A_14 to %scan3A_16 step %scan3A_17 iter_args(%scan3A_62 = %scan3A_13) -> (i32)  : i32 {
      %mul3A_63 = arith.constant 640 : i32
      %mul3A_64 = arith.muli %arg1, %mul3A_63 : i32
      %dma_wait3A_65 = arith.constant 0 : i32
      %dma_wait3A_66 = tpu.memref_slice %arg13[%mul3A_64, %dma_wait3A_65] : memref<10240x32xf32, #tpu.memory_space<vmem_shared>> -> memref<64x32xf32, #tpu.memory_space<vmem_shared>>
      %dma_wait3A_67 = arith.constant 0 : i32
      %dma_wait3A_68 = tpu.memref_slice %arg13[%mul3A_64, %dma_wait3A_67] : memref<10240x32xf32, #tpu.memory_space<vmem_shared>> -> memref<64x32xf32, #tpu.memory_space<vmem_shared>>
      tpu.wait_dma2 semaphore(%arg22 : memref<!tpu.dma_semaphore, #tpu.memory_space<semaphore_mem>>) src(%arg12 : memref<64x32xf32, #tpu.memory_space<vmem>>) dst(%dma_wait3A_68 : memref<64x32xf32, #tpu.memory_space<vmem_shared>>)
      %scan3A_69 = arith.constant 0 : i32
      scf.yield %scan3A_69 : i32
    }
    %scan3A_19 = arith.constant 10 : i32
    %barrier3A = arith.constant 0 : index
    tpu.barrier barrier_id(%barrier3A)
    %mul3A = arith.constant 16 : i32
    %mul3A_20 = arith.muli %arg0, %mul3A : i32
    %add3A = arith.addi %mul3A_20, %arg1 : i32
    %mul3A_21 = arith.constant 80 : i32
    %mul3A_22 = arith.muli %add3A, %mul3A_21 : i32
    "tpu.region"() ({
      %run_scoped3A = tpu.sem_alloc : memref<!tpu.dma_semaphore, #tpu.memory_space<semaphore_mem>>
      %dma_start3A_61 = arith.constant 0 : i32
      %dma_start3A_62 = tpu.memref_slice %arg3[%mul3A_22, %dma_start3A_61] : memref<2560x128xi32, #tpu.memory_space<hbm>> -> memref<80x128xi32, #tpu.memory_space<hbm>>
      %dma_start3A_63 = arith.constant 0 : i32
      %dma_start3A_64 = tpu.memref_slice %arg3[%mul3A_22, %dma_start3A_63] : memref<2560x128xi32, #tpu.memory_space<hbm>> -> memref<80x128xi32, #tpu.memory_space<hbm>>
      tpu.enqueue_dma source(%dma_start3A_64 : memref<80x128xi32, #tpu.memory_space<hbm>>) target(%arg6 : memref<80x128xi32, #tpu.memory_space<vmem>>) target_semaphore(%run_scoped3A : memref<!tpu.dma_semaphore, #tpu.memory_space<semaphore_mem>>)
      %dma_wait3A_65 = arith.constant 0 : i32
      %dma_wait3A_66 = tpu.memref_slice %arg3[%mul3A_22, %dma_wait3A_65] : memref<2560x128xi32, #tpu.memory_space<hbm>> -> memref<80x128xi32, #tpu.memory_space<hbm>>
      %dma_wait3A_67 = arith.constant 0 : i32
      %dma_wait3A_68 = tpu.memref_slice %arg3[%mul3A_22, %dma_wait3A_67] : memref<2560x128xi32, #tpu.memory_space<hbm>> -> memref<80x128xi32, #tpu.memory_space<hbm>>
      tpu.wait_dma2 semaphore(%run_scoped3A : memref<!tpu.dma_semaphore, #tpu.memory_space<semaphore_mem>>) src(%dma_wait3A_68 : memref<80x128xi32, #tpu.memory_space<hbm>>) dst(%arg6 : memref<80x128xi32, #tpu.memory_space<vmem>>)
      tpu.yield
    }) : () -> ()
    "tpu.region"() ({
      %run_scoped3A = tpu.sem_alloc : memref<!tpu.dma_semaphore, #tpu.memory_space<semaphore_mem>>
      %dma_start3A_61 = arith.constant 0 : i32
      %dma_start3A_62 = tpu.memref_slice %arg4[%mul3A_22, %dma_start3A_61] : memref<2560x128xi32, #tpu.memory_space<hbm>> -> memref<80x128xi32, #tpu.memory_space<hbm>>
      %dma_start3A_63 = arith.constant 0 : i32
      %dma_start3A_64 = tpu.memref_slice %arg4[%mul3A_22, %dma_start3A_63] : memref<2560x128xi32, #tpu.memory_space<hbm>> -> memref<80x128xi32, #tpu.memory_space<hbm>>
      tpu.enqueue_dma source(%dma_start3A_64 : memref<80x128xi32, #tpu.memory_space<hbm>>) target(%arg7 : memref<80x128xi32, #tpu.memory_space<vmem>>) target_semaphore(%run_scoped3A : memref<!tpu.dma_semaphore, #tpu.memory_space<semaphore_mem>>)
      %dma_wait3A_65 = arith.constant 0 : i32
      %dma_wait3A_66 = tpu.memref_slice %arg4[%mul3A_22, %dma_wait3A_65] : memref<2560x128xi32, #tpu.memory_space<hbm>> -> memref<80x128xi32, #tpu.memory_space<hbm>>
      %dma_wait3A_67 = arith.constant 0 : i32
      %dma_wait3A_68 = tpu.memref_slice %arg4[%mul3A_22, %dma_wait3A_67] : memref<2560x128xi32, #tpu.memory_space<hbm>> -> memref<80x128xi32, #tpu.memory_space<hbm>>
      tpu.wait_dma2 semaphore(%run_scoped3A : memref<!tpu.dma_semaphore, #tpu.memory_space<semaphore_mem>>) src(%dma_wait3A_68 : memref<80x128xi32, #tpu.memory_space<hbm>>) dst(%arg7 : memref<80x128xi32, #tpu.memory_space<vmem>>)
      tpu.yield
    }) : () -> ()
    %dma_start3A = arith.constant 0 : i32
    %dma_start3A_23 = arith.constant 0 : i32
    %dma_start3A_24 = tpu.memref_slice %arg6[%dma_start3A, %dma_start3A_23] : memref<80x128xi32, #tpu.memory_space<vmem>> -> memref<1x128xi32, #tpu.memory_space<vmem>>
    %dma_start3A_25 = tpu.memref_squeeze %dma_start3A_24 : memref<1x128xi32, #tpu.memory_space<vmem>> -> memref<128xi32, #tpu.memory_space<vmem>>
    %dma_start3A_26 = arith.constant 0 : i32
    %dma_start3A_27 = arith.constant 0 : i32
    %dma_start3A_28 = tpu.memref_slice %arg2[%dma_start3A_26, %dma_start3A_27] : memref<10240x32xf32, #tpu.memory_space<hbm>> -> memref<10240x32xf32, #tpu.memory_space<hbm>>
    tpu.enqueue_indirect_dma source(%dma_start3A_28 : memref<10240x32xf32, #tpu.memory_space<hbm>>) target(%arg8 : memref<128x32xf32, #tpu.memory_space<vmem>>) offsets(%dma_start3A_25 : memref<128xi32, #tpu.memory_space<vmem>>) semaphore(%arg14 : memref<!tpu.dma_semaphore, #tpu.memory_space<semaphore_mem>>)
    %dma_start3A_29 = arith.constant 1 : i32
    %dma_start3A_30 = arith.constant 0 : i32
    %dma_start3A_31 = tpu.memref_slice %arg6[%dma_start3A_29, %dma_start3A_30] : memref<80x128xi32, #tpu.memory_space<vmem>> -> memref<1x128xi32, #tpu.memory_space<vmem>>
    %dma_start3A_32 = tpu.memref_squeeze %dma_start3A_31 : memref<1x128xi32, #tpu.memory_space<vmem>> -> memref<128xi32, #tpu.memory_space<vmem>>
    %dma_start3A_33 = arith.constant 0 : i32
    %dma_start3A_34 = arith.constant 0 : i32
    %dma_start3A_35 = tpu.memref_slice %arg2[%dma_start3A_33, %dma_start3A_34] : memref<10240x32xf32, #tpu.memory_space<hbm>> -> memref<10240x32xf32, #tpu.memory_space<hbm>>
    tpu.enqueue_indirect_dma source(%dma_start3A_35 : memref<10240x32xf32, #tpu.memory_space<hbm>>) target(%arg9 : memref<128x32xf32, #tpu.memory_space<vmem>>) offsets(%dma_start3A_32 : memref<128xi32, #tpu.memory_space<vmem>>) semaphore(%arg15 : memref<!tpu.dma_semaphore, #tpu.memory_space<semaphore_mem>>)
    %dma_start3A_36 = arith.constant 2 : i32
    %dma_start3A_37 = arith.constant 0 : i32
    %dma_start3A_38 = tpu.memref_slice %arg6[%dma_start3A_36, %dma_start3A_37] : memref<80x128xi32, #tpu.memory_space<vmem>> -> memref<1x128xi32, #tpu.memory_space<vmem>>
    %dma_start3A_39 = tpu.memref_squeeze %dma_start3A_38 : memref<1x128xi32, #tpu.memory_space<vmem>> -> memref<128xi32, #tpu.memory_space<vmem>>
    %dma_start3A_40 = arith.constant 0 : i32
    %dma_start3A_41 = arith.constant 0 : i32
    %dma_start3A_42 = tpu.memref_slice %arg2[%dma_start3A_40, %dma_start3A_41] : memref<10240x32xf32, #tpu.memory_space<hbm>> -> memref<10240x32xf32, #tpu.memory_space<hbm>>
    tpu.enqueue_indirect_dma source(%dma_start3A_42 : memref<10240x32xf32, #tpu.memory_space<hbm>>) target(%arg10 : memref<128x32xf32, #tpu.memory_space<vmem>>) offsets(%dma_start3A_39 : memref<128xi32, #tpu.memory_space<vmem>>) semaphore(%arg16 : memref<!tpu.dma_semaphore, #tpu.memory_space<semaphore_mem>>)
    %scan3A_43 = arith.constant 0 : i32
    %scan3A_44 = arith.constant 0 : i32
    %scan3A_45 = arith.constant 20 : i32
    %scan3A_46 = arith.addi %scan3A_44, %scan3A_45 : i32
    %scan3A_47 = arith.constant 1 : i32
    %scan3A_48 = scf.for %scan3A_61 = %scan3A_44 to %scan3A_46 step %scan3A_47 iter_args(%scan3A_62 = %scan3A_43) -> (i32)  : i32 {
      %mul3A_63 = arith.constant 4 : i32
      %mul3A_64 = arith.muli %mul3A_63, %scan3A_61 : i32
      %add3A_65 = arith.constant 0 : i32
      %add3A_66 = arith.addi %mul3A_64, %add3A_65 : i32
      %dma_wait3A_67 = arith.constant 0 : i32
      %dma_wait3A_68 = tpu.memref_slice %arg6[%add3A_66, %dma_wait3A_67] : memref<80x128xi32, #tpu.memory_space<vmem>> -> memref<1x128xi32, #tpu.memory_space<vmem>>
      %dma_wait3A_69 = tpu.memref_squeeze %dma_wait3A_68 : memref<1x128xi32, #tpu.memory_space<vmem>> -> memref<128xi32, #tpu.memory_space<vmem>>
      %dma_wait3A_70 = arith.constant 0 : i32
      %dma_wait3A_71 = arith.constant 0 : i32
      %dma_wait3A_72 = tpu.memref_slice %arg2[%dma_wait3A_70, %dma_wait3A_71] : memref<10240x32xf32, #tpu.memory_space<hbm>> -> memref<10240x32xf32, #tpu.memory_space<hbm>>
      tpu.wait_indirect_dma semaphore(%arg14 : memref<!tpu.dma_semaphore, #tpu.memory_space<semaphore_mem>>) src(%dma_wait3A_72 : memref<10240x32xf32, #tpu.memory_space<hbm>>) dst(%arg8 : memref<128x32xf32, #tpu.memory_space<vmem>>)
      %dma_start3A_73 = arith.constant 0 : i32
      %dma_start3A_74 = tpu.memref_slice %arg7[%add3A_66, %dma_start3A_73] : memref<80x128xi32, #tpu.memory_space<vmem>> -> memref<1x128xi32, #tpu.memory_space<vmem>>
      %dma_start3A_75 = tpu.memref_squeeze %dma_start3A_74 : memref<1x128xi32, #tpu.memory_space<vmem>> -> memref<128xi32, #tpu.memory_space<vmem>>
      %dma_start3A_76 = arith.constant 0 : i32
      %dma_start3A_77 = arith.constant 0 : i32
      %dma_start3A_78 = tpu.memref_slice %arg13[%dma_start3A_76, %dma_start3A_77] : memref<10240x32xf32, #tpu.memory_space<vmem_shared>> -> memref<10240x32xf32, #tpu.memory_space<vmem_shared>>
      tpu.enqueue_indirect_dma source(%arg8 : memref<128x32xf32, #tpu.memory_space<vmem>>) target(%dma_start3A_78 : memref<10240x32xf32, #tpu.memory_space<vmem_shared>>) offsets(%dma_start3A_75 : memref<128xi32, #tpu.memory_space<vmem>>) semaphore(%arg18 : memref<!tpu.dma_semaphore, #tpu.memory_space<semaphore_mem>>) {add = true}
      %gt3A = arith.constant 0 : i32
      %gt3A_79 = arith.cmpi sgt, %scan3A_61, %gt3A : i32
      %convert_element_type3A = arith.extui %gt3A_79 : i1 to i32
      %cond3A = arith.constant 0 : i32
      %cond3A_80 = arith.cmpi ne, %convert_element_type3A, %cond3A : i32
      scf.if %cond3A_80 {
        %dma_wait3A_173 = arith.constant 0 : i32
        %dma_wait3A_174 = arith.constant 0 : i32
        %dma_wait3A_175 = tpu.memref_slice %arg7[%dma_wait3A_173, %dma_wait3A_174] : memref<80x128xi32, #tpu.memory_space<vmem>> -> memref<1x128xi32, #tpu.memory_space<vmem>>
        %dma_wait3A_176 = tpu.memref_squeeze %dma_wait3A_175 : memref<1x128xi32, #tpu.memory_space<vmem>> -> memref<128xi32, #tpu.memory_space<vmem>>
        %dma_wait3A_177 = arith.constant 0 : i32
        %dma_wait3A_178 = arith.constant 0 : i32
        %dma_wait3A_179 = tpu.memref_slice %arg13[%dma_wait3A_177, %dma_wait3A_178] : memref<10240x32xf32, #tpu.memory_space<vmem_shared>> -> memref<10240x32xf32, #tpu.memory_space<vmem_shared>>
        tpu.wait_indirect_dma semaphore(%arg21 : memref<!tpu.dma_semaphore, #tpu.memory_space<semaphore_mem>>) src(%arg11 : memref<128x32xf32, #tpu.memory_space<vmem>>) dst(%dma_wait3A_179 : memref<10240x32xf32, #tpu.memory_space<vmem_shared>>)
      } else {
      }
      %add3A_81 = arith.constant 3 : i32
      %add3A_82 = arith.addi %add3A_66, %add3A_81 : i32
      %dma_start3A_83 = arith.constant 0 : i32
      %dma_start3A_84 = tpu.memref_slice %arg6[%add3A_82, %dma_start3A_83] : memref<80x128xi32, #tpu.memory_space<vmem>> -> memref<1x128xi32, #tpu.memory_space<vmem>>
      %dma_start3A_85 = tpu.memref_squeeze %dma_start3A_84 : memref<1x128xi32, #tpu.memory_space<vmem>> -> memref<128xi32, #tpu.memory_space<vmem>>
      %dma_start3A_86 = arith.constant 0 : i32
      %dma_start3A_87 = arith.constant 0 : i32
      %dma_start3A_88 = tpu.memref_slice %arg2[%dma_start3A_86, %dma_start3A_87] : memref<10240x32xf32, #tpu.memory_space<hbm>> -> memref<10240x32xf32, #tpu.memory_space<hbm>>
      tpu.enqueue_indirect_dma source(%dma_start3A_88 : memref<10240x32xf32, #tpu.memory_space<hbm>>) target(%arg11 : memref<128x32xf32, #tpu.memory_space<vmem>>) offsets(%dma_start3A_85 : memref<128xi32, #tpu.memory_space<vmem>>) semaphore(%arg17 : memref<!tpu.dma_semaphore, #tpu.memory_space<semaphore_mem>>)
      %mul3A_89 = arith.constant 4 : i32
      %mul3A_90 = arith.muli %mul3A_89, %scan3A_61 : i32
      %add3A_91 = arith.constant 1 : i32
      %add3A_92 = arith.addi %mul3A_90, %add3A_91 : i32
      %dma_wait3A_93 = arith.constant 0 : i32
      %dma_wait3A_94 = tpu.memref_slice %arg6[%add3A_92, %dma_wait3A_93] : memref<80x128xi32, #tpu.memory_space<vmem>> -> memref<1x128xi32, #tpu.memory_space<vmem>>
      %dma_wait3A_95 = tpu.memref_squeeze %dma_wait3A_94 : memref<1x128xi32, #tpu.memory_space<vmem>> -> memref<128xi32, #tpu.memory_space<vmem>>
      %dma_wait3A_96 = arith.constant 0 : i32
      %dma_wait3A_97 = arith.constant 0 : i32
      %dma_wait3A_98 = tpu.memref_slice %arg2[%dma_wait3A_96, %dma_wait3A_97] : memref<10240x32xf32, #tpu.memory_space<hbm>> -> memref<10240x32xf32, #tpu.memory_space<hbm>>
      tpu.wait_indirect_dma semaphore(%arg15 : memref<!tpu.dma_semaphore, #tpu.memory_space<semaphore_mem>>) src(%dma_wait3A_98 : memref<10240x32xf32, #tpu.memory_space<hbm>>) dst(%arg9 : memref<128x32xf32, #tpu.memory_space<vmem>>)
      %dma_start3A_99 = arith.constant 0 : i32
      %dma_start3A_100 = tpu.memref_slice %arg7[%add3A_92, %dma_start3A_99] : memref<80x128xi32, #tpu.memory_space<vmem>> -> memref<1x128xi32, #tpu.memory_space<vmem>>
      %dma_start3A_101 = tpu.memref_squeeze %dma_start3A_100 : memref<1x128xi32, #tpu.memory_space<vmem>> -> memref<128xi32, #tpu.memory_space<vmem>>
      %dma_start3A_102 = arith.constant 0 : i32
      %dma_start3A_103 = arith.constant 0 : i32
      %dma_start3A_104 = tpu.memref_slice %arg13[%dma_start3A_102, %dma_start3A_103] : memref<10240x32xf32, #tpu.memory_space<vmem_shared>> -> memref<10240x32xf32, #tpu.memory_space<vmem_shared>>
      tpu.enqueue_indirect_dma source(%arg9 : memref<128x32xf32, #tpu.memory_space<vmem>>) target(%dma_start3A_104 : memref<10240x32xf32, #tpu.memory_space<vmem_shared>>) offsets(%dma_start3A_101 : memref<128xi32, #tpu.memory_space<vmem>>) semaphore(%arg19 : memref<!tpu.dma_semaphore, #tpu.memory_space<semaphore_mem>>) {add = true}
      %dma_wait3A_105 = arith.constant 0 : i32
      %dma_wait3A_106 = arith.constant 0 : i32
      %dma_wait3A_107 = tpu.memref_slice %arg7[%dma_wait3A_105, %dma_wait3A_106] : memref<80x128xi32, #tpu.memory_space<vmem>> -> memref<1x128xi32, #tpu.memory_space<vmem>>
      %dma_wait3A_108 = tpu.memref_squeeze %dma_wait3A_107 : memref<1x128xi32, #tpu.memory_space<vmem>> -> memref<128xi32, #tpu.memory_space<vmem>>
      %dma_wait3A_109 = arith.constant 0 : i32
      %dma_wait3A_110 = arith.constant 0 : i32
      %dma_wait3A_111 = tpu.memref_slice %arg13[%dma_wait3A_109, %dma_wait3A_110] : memref<10240x32xf32, #tpu.memory_space<vmem_shared>> -> memref<10240x32xf32, #tpu.memory_space<vmem_shared>>
      tpu.wait_indirect_dma semaphore(%arg18 : memref<!tpu.dma_semaphore, #tpu.memory_space<semaphore_mem>>) src(%arg8 : memref<128x32xf32, #tpu.memory_space<vmem>>) dst(%dma_wait3A_111 : memref<10240x32xf32, #tpu.memory_space<vmem_shared>>)
      %lt3A = arith.constant 19 : i32
      %lt3A_112 = arith.cmpi slt, %scan3A_61, %lt3A : i32
      %convert_element_type3A_113 = arith.extui %lt3A_112 : i1 to i32
      %cond3A_114 = arith.constant 0 : i32
      %cond3A_115 = arith.cmpi ne, %convert_element_type3A_113, %cond3A_114 : i32
      scf.if %cond3A_115 {
        %add3A_173 = arith.constant 3 : i32
        %add3A_174 = arith.addi %add3A_92, %add3A_173 : i32
        %dma_start3A_175 = arith.constant 0 : i32
        %dma_start3A_176 = tpu.memref_slice %arg6[%add3A_174, %dma_start3A_175] : memref<80x128xi32, #tpu.memory_space<vmem>> -> memref<1x128xi32, #tpu.memory_space<vmem>>
        %dma_start3A_177 = tpu.memref_squeeze %dma_start3A_176 : memref<1x128xi32, #tpu.memory_space<vmem>> -> memref<128xi32, #tpu.memory_space<vmem>>
        %dma_start3A_178 = arith.constant 0 : i32
        %dma_start3A_179 = arith.constant 0 : i32
        %dma_start3A_180 = tpu.memref_slice %arg2[%dma_start3A_178, %dma_start3A_179] : memref<10240x32xf32, #tpu.memory_space<hbm>> -> memref<10240x32xf32, #tpu.memory_space<hbm>>
        tpu.enqueue_indirect_dma source(%dma_start3A_180 : memref<10240x32xf32, #tpu.memory_space<hbm>>) target(%arg8 : memref<128x32xf32, #tpu.memory_space<vmem>>) offsets(%dma_start3A_177 : memref<128xi32, #tpu.memory_space<vmem>>) semaphore(%arg14 : memref<!tpu.dma_semaphore, #tpu.memory_space<semaphore_mem>>)
      } else {
      }
      %mul3A_116 = arith.constant 4 : i32
      %mul3A_117 = arith.muli %mul3A_116, %scan3A_61 : i32
      %add3A_118 = arith.constant 2 : i32
      %add3A_119 = arith.addi %mul3A_117, %add3A_118 : i32
      %dma_wait3A_120 = arith.constant 0 : i32
      %dma_wait3A_121 = tpu.memref_slice %arg6[%add3A_119, %dma_wait3A_120] : memref<80x128xi32, #tpu.memory_space<vmem>> -> memref<1x128xi32, #tpu.memory_space<vmem>>
      %dma_wait3A_122 = tpu.memref_squeeze %dma_wait3A_121 : memref<1x128xi32, #tpu.memory_space<vmem>> -> memref<128xi32, #tpu.memory_space<vmem>>
      %dma_wait3A_123 = arith.constant 0 : i32
      %dma_wait3A_124 = arith.constant 0 : i32
      %dma_wait3A_125 = tpu.memref_slice %arg2[%dma_wait3A_123, %dma_wait3A_124] : memref<10240x32xf32, #tpu.memory_space<hbm>> -> memref<10240x32xf32, #tpu.memory_space<hbm>>
      tpu.wait_indirect_dma semaphore(%arg16 : memref<!tpu.dma_semaphore, #tpu.memory_space<semaphore_mem>>) src(%dma_wait3A_125 : memref<10240x32xf32, #tpu.memory_space<hbm>>) dst(%arg10 : memref<128x32xf32, #tpu.memory_space<vmem>>)
      %dma_start3A_126 = arith.constant 0 : i32
      %dma_start3A_127 = tpu.memref_slice %arg7[%add3A_119, %dma_start3A_126] : memref<80x128xi32, #tpu.memory_space<vmem>> -> memref<1x128xi32, #tpu.memory_space<vmem>>
      %dma_start3A_128 = tpu.memref_squeeze %dma_start3A_127 : memref<1x128xi32, #tpu.memory_space<vmem>> -> memref<128xi32, #tpu.memory_space<vmem>>
      %dma_start3A_129 = arith.constant 0 : i32
      %dma_start3A_130 = arith.constant 0 : i32
      %dma_start3A_131 = tpu.memref_slice %arg13[%dma_start3A_129, %dma_start3A_130] : memref<10240x32xf32, #tpu.memory_space<vmem_shared>> -> memref<10240x32xf32, #tpu.memory_space<vmem_shared>>
      tpu.enqueue_indirect_dma source(%arg10 : memref<128x32xf32, #tpu.memory_space<vmem>>) target(%dma_start3A_131 : memref<10240x32xf32, #tpu.memory_space<vmem_shared>>) offsets(%dma_start3A_128 : memref<128xi32, #tpu.memory_space<vmem>>) semaphore(%arg20 : memref<!tpu.dma_semaphore, #tpu.memory_space<semaphore_mem>>) {add = true}
      %dma_wait3A_132 = arith.constant 0 : i32
      %dma_wait3A_133 = arith.constant 0 : i32
      %dma_wait3A_134 = tpu.memref_slice %arg7[%dma_wait3A_132, %dma_wait3A_133] : memref<80x128xi32, #tpu.memory_space<vmem>> -> memref<1x128xi32, #tpu.memory_space<vmem>>
      %dma_wait3A_135 = tpu.memref_squeeze %dma_wait3A_134 : memref<1x128xi32, #tpu.memory_space<vmem>> -> memref<128xi32, #tpu.memory_space<vmem>>
      %dma_wait3A_136 = arith.constant 0 : i32
      %dma_wait3A_137 = arith.constant 0 : i32
      %dma_wait3A_138 = tpu.memref_slice %arg13[%dma_wait3A_136, %dma_wait3A_137] : memref<10240x32xf32, #tpu.memory_space<vmem_shared>> -> memref<10240x32xf32, #tpu.memory_space<vmem_shared>>
      tpu.wait_indirect_dma semaphore(%arg19 : memref<!tpu.dma_semaphore, #tpu.memory_space<semaphore_mem>>) src(%arg9 : memref<128x32xf32, #tpu.memory_space<vmem>>) dst(%dma_wait3A_138 : memref<10240x32xf32, #tpu.memory_space<vmem_shared>>)
      %lt3A_139 = arith.constant 19 : i32
      %lt3A_140 = arith.cmpi slt, %scan3A_61, %lt3A_139 : i32
      %convert_element_type3A_141 = arith.extui %lt3A_140 : i1 to i32
      %cond3A_142 = arith.constant 0 : i32
      %cond3A_143 = arith.cmpi ne, %convert_element_type3A_141, %cond3A_142 : i32
      scf.if %cond3A_143 {
        %add3A_173 = arith.constant 3 : i32
        %add3A_174 = arith.addi %add3A_119, %add3A_173 : i32
        %dma_start3A_175 = arith.constant 0 : i32
        %dma_start3A_176 = tpu.memref_slice %arg6[%add3A_174, %dma_start3A_175] : memref<80x128xi32, #tpu.memory_space<vmem>> -> memref<1x128xi32, #tpu.memory_space<vmem>>
        %dma_start3A_177 = tpu.memref_squeeze %dma_start3A_176 : memref<1x128xi32, #tpu.memory_space<vmem>> -> memref<128xi32, #tpu.memory_space<vmem>>
        %dma_start3A_178 = arith.constant 0 : i32
        %dma_start3A_179 = arith.constant 0 : i32
        %dma_start3A_180 = tpu.memref_slice %arg2[%dma_start3A_178, %dma_start3A_179] : memref<10240x32xf32, #tpu.memory_space<hbm>> -> memref<10240x32xf32, #tpu.memory_space<hbm>>
        tpu.enqueue_indirect_dma source(%dma_start3A_180 : memref<10240x32xf32, #tpu.memory_space<hbm>>) target(%arg9 : memref<128x32xf32, #tpu.memory_space<vmem>>) offsets(%dma_start3A_177 : memref<128xi32, #tpu.memory_space<vmem>>) semaphore(%arg15 : memref<!tpu.dma_semaphore, #tpu.memory_space<semaphore_mem>>)
      } else {
      }
      %mul3A_144 = arith.constant 4 : i32
      %mul3A_145 = arith.muli %mul3A_144, %scan3A_61 : i32
      %add3A_146 = arith.constant 3 : i32
      %add3A_147 = arith.addi %mul3A_145, %add3A_146 : i32
      %dma_wait3A_148 = arith.constant 0 : i32
      %dma_wait3A_149 = tpu.memref_slice %arg6[%add3A_147, %dma_wait3A_148] : memref<80x128xi32, #tpu.memory_space<vmem>> -> memref<1x128xi32, #tpu.memory_space<vmem>>
      %dma_wait3A_150 = tpu.memref_squeeze %dma_wait3A_149 : memref<1x128xi32, #tpu.memory_space<vmem>> -> memref<128xi32, #tpu.memory_space<vmem>>
      %dma_wait3A_151 = arith.constant 0 : i32
      %dma_wait3A_152 = arith.constant 0 : i32
      %dma_wait3A_153 = tpu.memref_slice %arg2[%dma_wait3A_151, %dma_wait3A_152] : memref<10240x32xf32, #tpu.memory_space<hbm>> -> memref<10240x32xf32, #tpu.memory_space<hbm>>
      tpu.wait_indirect_dma semaphore(%arg17 : memref<!tpu.dma_semaphore, #tpu.memory_space<semaphore_mem>>) src(%dma_wait3A_153 : memref<10240x32xf32, #tpu.memory_space<hbm>>) dst(%arg11 : memref<128x32xf32, #tpu.memory_space<vmem>>)
      %dma_start3A_154 = arith.constant 0 : i32
      %dma_start3A_155 = tpu.memref_slice %arg7[%add3A_147, %dma_start3A_154] : memref<80x128xi32, #tpu.memory_space<vmem>> -> memref<1x128xi32, #tpu.memory_space<vmem>>
      %dma_start3A_156 = tpu.memref_squeeze %dma_start3A_155 : memref<1x128xi32, #tpu.memory_space<vmem>> -> memref<128xi32, #tpu.memory_space<vmem>>
      %dma_start3A_157 = arith.constant 0 : i32
      %dma_start3A_158 = arith.constant 0 : i32
      %dma_start3A_159 = tpu.memref_slice %arg13[%dma_start3A_157, %dma_start3A_158] : memref<10240x32xf32, #tpu.memory_space<vmem_shared>> -> memref<10240x32xf32, #tpu.memory_space<vmem_shared>>
      tpu.enqueue_indirect_dma source(%arg11 : memref<128x32xf32, #tpu.memory_space<vmem>>) target(%dma_start3A_159 : memref<10240x32xf32, #tpu.memory_space<vmem_shared>>) offsets(%dma_start3A_156 : memref<128xi32, #tpu.memory_space<vmem>>) semaphore(%arg21 : memref<!tpu.dma_semaphore, #tpu.memory_space<semaphore_mem>>) {add = true}
      %dma_wait3A_160 = arith.constant 0 : i32
      %dma_wait3A_161 = arith.constant 0 : i32
      %dma_wait3A_162 = tpu.memref_slice %arg7[%dma_wait3A_160, %dma_wait3A_161] : memref<80x128xi32, #tpu.memory_space<vmem>> -> memref<1x128xi32, #tpu.memory_space<vmem>>
      %dma_wait3A_163 = tpu.memref_squeeze %dma_wait3A_162 : memref<1x128xi32, #tpu.memory_space<vmem>> -> memref<128xi32, #tpu.memory_space<vmem>>
      %dma_wait3A_164 = arith.constant 0 : i32
      %dma_wait3A_165 = arith.constant 0 : i32
      %dma_wait3A_166 = tpu.memref_slice %arg13[%dma_wait3A_164, %dma_wait3A_165] : memref<10240x32xf32, #tpu.memory_space<vmem_shared>> -> memref<10240x32xf32, #tpu.memory_space<vmem_shared>>
      tpu.wait_indirect_dma semaphore(%arg20 : memref<!tpu.dma_semaphore, #tpu.memory_space<semaphore_mem>>) src(%arg10 : memref<128x32xf32, #tpu.memory_space<vmem>>) dst(%dma_wait3A_166 : memref<10240x32xf32, #tpu.memory_space<vmem_shared>>)
      %lt3A_167 = arith.constant 19 : i32
      %lt3A_168 = arith.cmpi slt, %scan3A_61, %lt3A_167 : i32
      %convert_element_type3A_169 = arith.extui %lt3A_168 : i1 to i32
      %cond3A_170 = arith.constant 0 : i32
      %cond3A_171 = arith.cmpi ne, %convert_element_type3A_169, %cond3A_170 : i32
      scf.if %cond3A_171 {
        %add3A_173 = arith.constant 3 : i32
        %add3A_174 = arith.addi %add3A_147, %add3A_173 : i32
        %dma_start3A_175 = arith.constant 0 : i32
        %dma_start3A_176 = tpu.memref_slice %arg6[%add3A_174, %dma_start3A_175] : memref<80x128xi32, #tpu.memory_space<vmem>> -> memref<1x128xi32, #tpu.memory_space<vmem>>
        %dma_start3A_177 = tpu.memref_squeeze %dma_start3A_176 : memref<1x128xi32, #tpu.memory_space<vmem>> -> memref<128xi32, #tpu.memory_space<vmem>>
        %dma_start3A_178 = arith.constant 0 : i32
        %dma_start3A_179 = arith.constant 0 : i32
        %dma_start3A_180 = tpu.memref_slice %arg2[%dma_start3A_178, %dma_start3A_179] : memref<10240x32xf32, #tpu.memory_space<hbm>> -> memref<10240x32xf32, #tpu.memory_space<hbm>>
        tpu.enqueue_indirect_dma source(%dma_start3A_180 : memref<10240x32xf32, #tpu.memory_space<hbm>>) target(%arg10 : memref<128x32xf32, #tpu.memory_space<vmem>>) offsets(%dma_start3A_177 : memref<128xi32, #tpu.memory_space<vmem>>) semaphore(%arg16 : memref<!tpu.dma_semaphore, #tpu.memory_space<semaphore_mem>>)
      } else {
      }
      %scan3A_172 = arith.constant 0 : i32
      scf.yield %scan3A_172 : i32
    }
    %scan3A_49 = arith.constant 20 : i32
    %dma_wait3A = arith.constant 0 : i32
    %dma_wait3A_50 = arith.constant 0 : i32
    %dma_wait3A_51 = tpu.memref_slice %arg7[%dma_wait3A, %dma_wait3A_50] : memref<80x128xi32, #tpu.memory_space<vmem>> -> memref<1x128xi32, #tpu.memory_space<vmem>>
    %dma_wait3A_52 = tpu.memref_squeeze %dma_wait3A_51 : memref<1x128xi32, #tpu.memory_space<vmem>> -> memref<128xi32, #tpu.memory_space<vmem>>
    %dma_wait3A_53 = arith.constant 0 : i32
    %dma_wait3A_54 = arith.constant 0 : i32
    %dma_wait3A_55 = tpu.memref_slice %arg13[%dma_wait3A_53, %dma_wait3A_54] : memref<10240x32xf32, #tpu.memory_space<vmem_shared>> -> memref<10240x32xf32, #tpu.memory_space<vmem_shared>>
    tpu.wait_indirect_dma semaphore(%arg21 : memref<!tpu.dma_semaphore, #tpu.memory_space<semaphore_mem>>) src(%arg11 : memref<128x32xf32, #tpu.memory_space<vmem>>) dst(%dma_wait3A_55 : memref<10240x32xf32, #tpu.memory_space<vmem_shared>>)
    %barrier3A_56 = arith.constant 0 : index
    tpu.barrier barrier_id(%barrier3A_56)
    %mul3A_57 = arith.constant 640 : i32
    %mul3A_58 = arith.muli %arg1, %mul3A_57 : i32
    %mul3A_59 = arith.constant 640 : i32
    %mul3A_60 = arith.muli %arg1, %mul3A_59 : i32
    "tpu.region"() ({
      %run_scoped3A = tpu.sem_alloc : memref<!tpu.dma_semaphore, #tpu.memory_space<semaphore_mem>>
      %dma_start3A_61 = arith.constant 0 : i32
      %dma_start3A_62 = tpu.memref_slice %arg5[%arg0, %mul3A_60, %dma_start3A_61] : memref<2x10240x32xf32, #tpu.memory_space<hbm>> -> memref<1x640x32xf32, #tpu.memory_space<hbm>>
      %dma_start3A_63 = tpu.memref_squeeze %dma_start3A_62 : memref<1x640x32xf32, #tpu.memory_space<hbm>> -> memref<640x32xf32, #tpu.memory_space<hbm>>
      %dma_start3A_64 = arith.constant 0 : i32
      %dma_start3A_65 = tpu.memref_slice %arg13[%mul3A_58, %dma_start3A_64] : memref<10240x32xf32, #tpu.memory_space<vmem_shared>> -> memref<640x32xf32, #tpu.memory_space<vmem_shared>>
      tpu.enqueue_dma source(%dma_start3A_65 : memref<640x32xf32, #tpu.memory_space<vmem_shared>>) target(%dma_start3A_63 : memref<640x32xf32, #tpu.memory_space<hbm>>) target_semaphore(%run_scoped3A : memref<!tpu.dma_semaphore, #tpu.memory_space<semaphore_mem>>)
      %dma_wait3A_66 = arith.constant 0 : i32
      %dma_wait3A_67 = tpu.memref_slice %arg5[%arg0, %mul3A_60, %dma_wait3A_66] : memref<2x10240x32xf32, #tpu.memory_space<hbm>> -> memref<1x640x32xf32, #tpu.memory_space<hbm>>
      %dma_wait3A_68 = tpu.memref_squeeze %dma_wait3A_67 : memref<1x640x32xf32, #tpu.memory_space<hbm>> -> memref<640x32xf32, #tpu.memory_space<hbm>>
      %dma_wait3A_69 = arith.constant 0 : i32
      %dma_wait3A_70 = tpu.memref_slice %arg13[%mul3A_58, %dma_wait3A_69] : memref<10240x32xf32, #tpu.memory_space<vmem_shared>> -> memref<640x32xf32, #tpu.memory_space<vmem_shared>>
      tpu.wait_dma2 semaphore(%run_scoped3A : memref<!tpu.dma_semaphore, #tpu.memory_space<semaphore_mem>>) src(%dma_wait3A_70 : memref<640x32xf32, #tpu.memory_space<vmem_shared>>) dst(%dma_wait3A_68 : memref<640x32xf32, #tpu.memory_space<hbm>>)
      tpu.yield
    }) : () -> ()
    return
  }
}

module attributes {stable_mosaic.version = 14 : i64} {
  func.func @_tc_a(%arg0: memref<10000x128xf32, #tpu.memory_space<vmem>>, %arg1: memref<128x32xf32, #tpu.memory_space<vmem>>, %arg2: memref<2x10240xf32, #tpu.memory_space<vmem>>, %arg3: memref<10240x32xf32, #tpu.memory_space<vmem>>, %arg4: memref<10240x1xf32, #tpu.memory_space<vmem>>) attributes {dimension_semantics = [], scalar_prefetch = 0 : i64, scratch_operands = 0 : i64, tpu.core_type = #tpu.core_type<tc>} {
    %get3A = arith.constant 0 : index
    %get3A_0 = arith.constant 0 : index
    %get3A_1 = vector.load %arg2[%get3A, %get3A_0] : memref<2x10240xf32, #tpu.memory_space<vmem>>, vector<2x10240xf32>
    %broadcast_in_dim3A = arith.constant 1.000000e+00 : f32
    %broadcast_in_dim3A_2 = vector.broadcast %broadcast_in_dim3A : f32 to vector<2x1xf32>
    %dot_general3A = arith.constant dense<0.000000e+00> : vector<10240x1xf32>
    %dot_general3A_3 = tpu.matmul %get3A_1, %broadcast_in_dim3A_2, %dot_general3A {dimension_numbers = #tpu.dot_dimension_numbers<[0], [0], [1], [1], [0, 1, 1, 1], [], []>, transpose_lhs_hint = false} : vector<2x10240xf32>, vector<2x1xf32>, vector<10240x1xf32> -> vector<10240x1xf32>
    %add3A = arith.constant 1.000000e+00 : f32
    %add3A_4 = vector.broadcast %add3A : f32 to vector<10240x1xf32>
    %add3A_5 = arith.addf %dot_general3A_3, %add3A_4 : vector<10240x1xf32>
    %iota3A = tpu.iota {dimensions = array<i32: 0>} : vector<10240x1xi32>
    %lt3A = arith.constant 10000 : i32
    %lt3A_6 = vector.broadcast %lt3A : i32 to vector<10240x1xi32>
    %lt3A_7 = arith.cmpi slt, %iota3A, %lt3A_6 : vector<10240x1xi32>
    %rsqrt3A = math.rsqrt %add3A_5 : vector<10240x1xf32>
    %jit3A = arith.constant 0.000000e+00 : f32
    %broadcast_in_dim3A_8 = vector.broadcast %jit3A : f32 to vector<10240x1xf32>
    %select_n3A = arith.select %lt3A_7, %rsqrt3A, %broadcast_in_dim3A_8 : vector<10240x1xi1>, vector<10240x1xf32>
    %swap3A = arith.constant 0 : index
    %swap3A_9 = arith.constant 0 : index
    %swap3A_10 = vector.load %arg4[%swap3A, %swap3A_9] : memref<10240x1xf32, #tpu.memory_space<vmem>>, vector<10240x1xf32>
    tpu.vector_store %arg4[%swap3A, %swap3A_9], %select_n3A {strides = array<i32>} : memref<10240x1xf32, #tpu.memory_space<vmem>>, vector<10240x1xf32>,
    %get3A_11 = arith.constant 0 : index
    %get3A_12 = arith.constant 0 : index
    %get3A_13 = vector.load %arg0[%get3A_11, %get3A_12] : memref<10000x128xf32, #tpu.memory_space<vmem>>, vector<10000x128xf32>
    %get3A_14 = arith.constant 0 : index
    %get3A_15 = arith.constant 0 : index
    %get3A_16 = vector.load %arg1[%get3A_14, %get3A_15] : memref<128x32xf32, #tpu.memory_space<vmem>>, vector<128x32xf32>
    %dot_general3A_17 = arith.constant dense<0.000000e+00> : vector<10000x32xf32>
    %dot_general3A_18 = tpu.matmul %get3A_13, %get3A_16, %dot_general3A_17 {dimension_numbers = #tpu.dot_dimension_numbers<[1], [0], [0], [1], [0, 0, 1, 1], [], []>, transpose_lhs_hint = false} : vector<10000x128xf32>, vector<128x32xf32>, vector<10000x32xf32> -> vector<10000x32xf32>
    %broadcast_in_dim3A_19 = arith.constant 0.000000e+00 : f32
    %broadcast_in_dim3A_20 = vector.broadcast %broadcast_in_dim3A_19 : f32 to vector<10240x32xf32>
    %swap3A_21 = arith.constant 0 : index
    %swap3A_22 = arith.constant 0 : index
    %swap3A_23 = vector.load %arg3[%swap3A_21, %swap3A_22] : memref<10240x32xf32, #tpu.memory_space<vmem>>, vector<10240x32xf32>
    tpu.vector_store %arg3[%swap3A_21, %swap3A_22], %broadcast_in_dim3A_20 {strides = array<i32>} : memref<10240x32xf32, #tpu.memory_space<vmem>>, vector<10240x32xf32>,
    %slice3A = vector.extract_strided_slice %select_n3A {offsets = [0, 0], sizes = [10000, 1], strides = [1, 1]} : vector<10240x1xf32> to vector<10000x1xf32>
    %mul3A = vector.broadcast %slice3A : vector<10000x1xf32> to vector<10000x32xf32>
    %mul3A_24 = arith.mulf %dot_general3A_18, %mul3A : vector<10000x32xf32>
    %swap3A_25 = arith.constant 0 : index
    %swap3A_26 = arith.constant 0 : index
    %swap3A_27 = vector.load %arg3[%swap3A_25, %swap3A_26] : memref<10240x32xf32, #tpu.memory_space<vmem>>, vector<10000x32xf32>
    tpu.vector_store %arg3[%swap3A_25, %swap3A_26], %mul3A_24 {strides = array<i32>} : memref<10240x32xf32, #tpu.memory_space<vmem>>, vector<10000x32xf32>,
    return
  }
}

module attributes {stable_mosaic.version = 14 : i64} {
  func.func @_tc_b(%arg0: memref<2x10240x32xf32, #tpu.memory_space<vmem>>, %arg1: memref<10240x32xf32, #tpu.memory_space<vmem>>, %arg2: memref<10240x1xf32, #tpu.memory_space<vmem>>, %arg3: memref<1x32xf32, #tpu.memory_space<vmem>>, %arg4: memref<32x16xf32, #tpu.memory_space<vmem>>, %arg5: memref<10240x16xf32, #tpu.memory_space<vmem>>) attributes {dimension_semantics = [], scalar_prefetch = 0 : i64, scratch_operands = 0 : i64, tpu.core_type = #tpu.core_type<tc>} {
    %get3A = arith.constant 0 : index
    %get3A_0 = arith.constant 0 : index
    %get3A_1 = vector.load %arg2[%get3A, %get3A_0] : memref<10240x1xf32, #tpu.memory_space<vmem>>, vector<10240x1xf32>
    %get3A_2 = arith.constant 0 : index
    %get3A_3 = arith.constant 0 : index
    %get3A_4 = arith.constant 0 : index
    %get3A_5 = vector.load %arg0[%get3A_2, %get3A_3, %get3A_4] : memref<2x10240x32xf32, #tpu.memory_space<vmem>>, vector<1x10240x32xf32>
    %get3A_6 = vector.shape_cast %get3A_5 : vector<1x10240x32xf32> to vector<10240x32xf32>
    %get3A_7 = arith.constant 1 : index
    %get3A_8 = arith.constant 0 : index
    %get3A_9 = arith.constant 0 : index
    %get3A_10 = vector.load %arg0[%get3A_7, %get3A_8, %get3A_9] : memref<2x10240x32xf32, #tpu.memory_space<vmem>>, vector<1x10240x32xf32>
    %get3A_11 = vector.shape_cast %get3A_10 : vector<1x10240x32xf32> to vector<10240x32xf32>
    %add3A = arith.addf %get3A_6, %get3A_11 : vector<10240x32xf32>
    %get3A_12 = arith.constant 0 : index
    %get3A_13 = arith.constant 0 : index
    %get3A_14 = vector.load %arg1[%get3A_12, %get3A_13] : memref<10240x32xf32, #tpu.memory_space<vmem>>, vector<10240x32xf32>
    %add3A_15 = arith.addf %add3A, %get3A_14 : vector<10240x32xf32>
    %mul3A = vector.broadcast %get3A_1 : vector<10240x1xf32> to vector<10240x32xf32>
    %mul3A_16 = arith.mulf %mul3A, %add3A_15 : vector<10240x32xf32>
    %get3A_17 = arith.constant 0 : index
    %get3A_18 = arith.constant 0 : index
    %get3A_19 = vector.load %arg3[%get3A_17, %get3A_18] : memref<1x32xf32, #tpu.memory_space<vmem>>, vector<1x32xf32>
    %add3A_20 = vector.broadcast %get3A_19 : vector<1x32xf32> to vector<10240x32xf32>
    %add3A_21 = arith.addf %mul3A_16, %add3A_20 : vector<10240x32xf32>
    %max3A = arith.constant 0.000000e+00 : f32
    %max3A_22 = vector.broadcast %max3A : f32 to vector<10240x32xf32>
    %max3A_23 = arith.maximumf %add3A_21, %max3A_22 : vector<10240x32xf32>
    %get3A_24 = arith.constant 0 : index
    %get3A_25 = arith.constant 0 : index
    %get3A_26 = vector.load %arg4[%get3A_24, %get3A_25] : memref<32x16xf32, #tpu.memory_space<vmem>>, vector<32x16xf32>
    %dot_general3A = arith.constant dense<0.000000e+00> : vector<10240x16xf32>
    %dot_general3A_27 = tpu.matmul %max3A_23, %get3A_26, %dot_general3A {dimension_numbers = #tpu.dot_dimension_numbers<[1], [0], [0], [1], [0, 0, 1, 1], [], []>, transpose_lhs_hint = false} : vector<10240x32xf32>, vector<32x16xf32>, vector<10240x16xf32> -> vector<10240x16xf32>
    %mul3A_28 = vector.broadcast %get3A_1 : vector<10240x1xf32> to vector<10240x16xf32>
    %mul3A_29 = arith.mulf %dot_general3A_27, %mul3A_28 : vector<10240x16xf32>
    %swap3A = arith.constant 0 : index
    %swap3A_30 = arith.constant 0 : index
    %swap3A_31 = vector.load %arg5[%swap3A, %swap3A_30] : memref<10240x16xf32, #tpu.memory_space<vmem>>, vector<10240x16xf32>
    tpu.vector_store %arg5[%swap3A, %swap3A_30], %mul3A_29 {strides = array<i32>} : memref<10240x16xf32, #tpu.memory_space<vmem>>, vector<10240x16xf32>,
    return
  }
}

module attributes {stable_mosaic.version = 14 : i64} {
  func.func @_tc_c(%arg0: memref<2x10240x16xf32, #tpu.memory_space<vmem>>, %arg1: memref<10240x16xf32, #tpu.memory_space<vmem>>, %arg2: memref<10240x1xf32, #tpu.memory_space<vmem>>, %arg3: memref<1x16xf32, #tpu.memory_space<vmem>>, %arg4: memref<11264x16xf32, #tpu.memory_space<vmem>>) attributes {dimension_semantics = [], scalar_prefetch = 0 : i64, scratch_operands = 0 : i64, tpu.core_type = #tpu.core_type<tc>} {
    %get3A = arith.constant 0 : index
    %get3A_0 = arith.constant 0 : index
    %get3A_1 = vector.load %arg2[%get3A, %get3A_0] : memref<10240x1xf32, #tpu.memory_space<vmem>>, vector<10240x1xf32>
    %iota3A = tpu.iota {dimensions = array<i32: 0>} : vector<10240x1xi32>
    %lt3A = arith.constant 10000 : i32
    %lt3A_2 = vector.broadcast %lt3A : i32 to vector<10240x1xi32>
    %lt3A_3 = arith.cmpi slt, %iota3A, %lt3A_2 : vector<10240x1xi32>
    %get3A_4 = arith.constant 0 : index
    %get3A_5 = arith.constant 0 : index
    %get3A_6 = arith.constant 0 : index
    %get3A_7 = vector.load %arg0[%get3A_4, %get3A_5, %get3A_6] : memref<2x10240x16xf32, #tpu.memory_space<vmem>>, vector<1x10240x16xf32>
    %get3A_8 = vector.shape_cast %get3A_7 : vector<1x10240x16xf32> to vector<10240x16xf32>
    %get3A_9 = arith.constant 1 : index
    %get3A_10 = arith.constant 0 : index
    %get3A_11 = arith.constant 0 : index
    %get3A_12 = vector.load %arg0[%get3A_9, %get3A_10, %get3A_11] : memref<2x10240x16xf32, #tpu.memory_space<vmem>>, vector<1x10240x16xf32>
    %get3A_13 = vector.shape_cast %get3A_12 : vector<1x10240x16xf32> to vector<10240x16xf32>
    %add3A = arith.addf %get3A_8, %get3A_13 : vector<10240x16xf32>
    %get3A_14 = arith.constant 0 : index
    %get3A_15 = arith.constant 0 : index
    %get3A_16 = vector.load %arg1[%get3A_14, %get3A_15] : memref<10240x16xf32, #tpu.memory_space<vmem>>, vector<10240x16xf32>
    %add3A_17 = arith.addf %add3A, %get3A_16 : vector<10240x16xf32>
    %mul3A = vector.broadcast %get3A_1 : vector<10240x1xf32> to vector<10240x16xf32>
    %mul3A_18 = arith.mulf %mul3A, %add3A_17 : vector<10240x16xf32>
    %get3A_19 = arith.constant 0 : index
    %get3A_20 = arith.constant 0 : index
    %get3A_21 = vector.load %arg3[%get3A_19, %get3A_20] : memref<1x16xf32, #tpu.memory_space<vmem>>, vector<1x16xf32>
    %add3A_22 = vector.broadcast %get3A_21 : vector<1x16xf32> to vector<10240x16xf32>
    %add3A_23 = arith.addf %mul3A_18, %add3A_22 : vector<10240x16xf32>
    %jit3A = arith.constant 0.000000e+00 : f32
    %broadcast_in_dim3A = vector.shape_cast %lt3A_3 : vector<10240x1xi1> to vector<10240x1xi1>
    %broadcast_in_dim3A_24 = vector.broadcast %broadcast_in_dim3A : vector<10240x1xi1> to vector<10240x16xi1>
    %broadcast_in_dim3A_25 = vector.broadcast %jit3A : f32 to vector<10240x16xf32>
    %select_n3A = arith.select %broadcast_in_dim3A_24, %add3A_23, %broadcast_in_dim3A_25 : vector<10240x16xi1>, vector<10240x16xf32>
    %broadcast_in_dim3A_26 = arith.constant 0.000000e+00 : f32
    %broadcast_in_dim3A_27 = vector.broadcast %broadcast_in_dim3A_26 : f32 to vector<11264x16xf32>
    %swap3A = arith.constant 0 : index
    %swap3A_28 = arith.constant 0 : index
    %swap3A_29 = vector.load %arg4[%swap3A, %swap3A_28] : memref<11264x16xf32, #tpu.memory_space<vmem>>, vector<11264x16xf32>
    tpu.vector_store %arg4[%swap3A, %swap3A_28], %broadcast_in_dim3A_27 {strides = array<i32>} : memref<11264x16xf32, #tpu.memory_space<vmem>>, vector<11264x16xf32>,
    %swap3A_30 = arith.constant 0 : index
    %swap3A_31 = arith.constant 0 : index
    %swap3A_32 = vector.load %arg4[%swap3A_30, %swap3A_31] : memref<11264x16xf32, #tpu.memory_space<vmem>>, vector<10240x16xf32>
    tpu.vector_store %arg4[%swap3A_30, %swap3A_31], %select_n3A {strides = array<i32>} : memref<11264x16xf32, #tpu.memory_space<vmem>>, vector<10240x16xf32>,
    return
  }
}

module attributes {stable_mosaic.version = 14 : i64} {
  func.func @_tc_xd(%arg0: memref<1024x1024xf32, #tpu.memory_space<vmem>>, %arg1: memref<1024x48xf32, #tpu.memory_space<vmem>>, %arg2: memref<1024x48xf32, #tpu.memory_space<vmem>>) attributes {dimension_semantics = [], scalar_prefetch = 0 : i64, scratch_operands = 0 : i64, tpu.core_type = #tpu.core_type<tc>} {
    %get3A = arith.constant 0 : index
    %get3A_0 = arith.constant 0 : index
    %get3A_1 = vector.load %arg0[%get3A, %get3A_0] : memref<1024x1024xf32, #tpu.memory_space<vmem>>, vector<1024x1024xf32>
    %get3A_2 = arith.constant 0 : index
    %get3A_3 = arith.constant 0 : index
    %get3A_4 = vector.load %arg1[%get3A_2, %get3A_3] : memref<1024x48xf32, #tpu.memory_space<vmem>>, vector<1024x48xf32>
    %dot_general3A = arith.constant dense<0.000000e+00> : vector<1024x48xf32>
    %dot_general3A_5 = tpu.matmul %get3A_1, %get3A_4, %dot_general3A {dimension_numbers = #tpu.dot_dimension_numbers<[1], [0], [0], [1], [0, 0, 1, 1], [], []>, transpose_lhs_hint = false} : vector<1024x1024xf32>, vector<1024x48xf32>, vector<1024x48xf32> -> vector<1024x48xf32>
    %swap3A = arith.constant 0 : index
    %swap3A_6 = arith.constant 0 : index
    %swap3A_7 = vector.load %arg2[%swap3A, %swap3A_6] : memref<1024x48xf32, #tpu.memory_space<vmem>>, vector<1024x48xf32>
    tpu.vector_store %arg2[%swap3A, %swap3A_6], %dot_general3A_5 {strides = array<i32>} : memref<1024x48xf32, #tpu.memory_space<vmem>>, vector<1024x48xf32>,
    return
  }
}

module attributes {stable_mosaic.version = 14 : i64} {
  func.func @_tc_d(%arg0: memref<2x11264x16xf32, #tpu.memory_space<vmem>>, %arg1: memref<2x11264xf32, #tpu.memory_space<vmem>>, %arg2: memref<16x16xf32, #tpu.memory_space<vmem>>, %arg3: memref<1024x48xf32, #tpu.memory_space<vmem>>, %arg4: memref<64x64xf32, #tpu.memory_space<vmem>>, %arg5: memref<1x64xf32, #tpu.memory_space<vmem>>, %arg6: memref<64x1024xf32, #tpu.memory_space<vmem>>, %arg7: memref<1x1024xf32, #tpu.memory_space<vmem>>, %arg8: memref<1024x1024xf32, #tpu.memory_space<vmem>>) attributes {dimension_semantics = [], scalar_prefetch = 0 : i64, scratch_operands = 0 : i64, tpu.core_type = #tpu.core_type<tc>} {
    %get3A = arith.constant 0 : index
    %get3A_0 = arith.constant 0 : index
    %get3A_1 = arith.constant 0 : index
    %get3A_2 = vector.load %arg0[%get3A, %get3A_0, %get3A_1] : memref<2x11264x16xf32, #tpu.memory_space<vmem>>, vector<1x11264x16xf32>
    %get3A_3 = vector.shape_cast %get3A_2 : vector<1x11264x16xf32> to vector<11264x16xf32>
    %slice3A = vector.extract_strided_slice %get3A_3 {offsets = [10000, 0], sizes = [1024, 16], strides = [1, 1]} : vector<11264x16xf32> to vector<1024x16xf32>
    %get3A_4 = arith.constant 1 : index
    %get3A_5 = arith.constant 0 : index
    %get3A_6 = arith.constant 0 : index
    %get3A_7 = vector.load %arg0[%get3A_4, %get3A_5, %get3A_6] : memref<2x11264x16xf32, #tpu.memory_space<vmem>>, vector<1x11264x16xf32>
    %get3A_8 = vector.shape_cast %get3A_7 : vector<1x11264x16xf32> to vector<11264x16xf32>
    %slice3A_9 = vector.extract_strided_slice %get3A_8 {offsets = [10000, 0], sizes = [1024, 16], strides = [1, 1]} : vector<11264x16xf32> to vector<1024x16xf32>
    %add3A = arith.addf %slice3A, %slice3A_9 : vector<1024x16xf32>
    %get3A_10 = arith.constant 0 : index
    %get3A_11 = arith.constant 0 : index
    %get3A_12 = vector.load %arg1[%get3A_10, %get3A_11] : memref<2x11264xf32, #tpu.memory_space<vmem>>, vector<2x11264xf32>
    %broadcast_in_dim3A = arith.constant 1.000000e+00 : f32
    %broadcast_in_dim3A_13 = vector.broadcast %broadcast_in_dim3A : f32 to vector<2x1xf32>
    %dot_general3A = arith.constant dense<0.000000e+00> : vector<11264x1xf32>
    %dot_general3A_14 = tpu.matmul %get3A_12, %broadcast_in_dim3A_13, %dot_general3A {dimension_numbers = #tpu.dot_dimension_numbers<[0], [0], [1], [1], [0, 1, 1, 1], [], []>, transpose_lhs_hint = false} : vector<2x11264xf32>, vector<2x1xf32>, vector<11264x1xf32> -> vector<11264x1xf32>
    %slice3A_15 = vector.extract_strided_slice %dot_general3A_14 {offsets = [10000, 0], sizes = [1024, 1], strides = [1, 1]} : vector<11264x1xf32> to vector<1024x1xf32>
    %max3A = arith.constant 1.000000e+00 : f32
    %max3A_16 = vector.broadcast %max3A : f32 to vector<1024x1xf32>
    %max3A_17 = arith.maximumf %slice3A_15, %max3A_16 : vector<1024x1xf32>
    %div3A = vector.broadcast %max3A_17 : vector<1024x1xf32> to vector<1024x16xf32>
    %div3A_18 = arith.divf %add3A, %div3A : vector<1024x16xf32>
    %get3A_19 = arith.constant 0 : index
    %get3A_20 = arith.constant 0 : index
    %get3A_21 = vector.load %arg2[%get3A_19, %get3A_20] : memref<16x16xf32, #tpu.memory_space<vmem>>, vector<16x16xf32>
    %dot_general3A_22 = arith.constant dense<0.000000e+00> : vector<1024x16xf32>
    %dot_general3A_23 = tpu.matmul %div3A_18, %get3A_21, %dot_general3A_22 {dimension_numbers = #tpu.dot_dimension_numbers<[1], [0], [0], [1], [0, 0, 1, 1], [], []>, transpose_lhs_hint = false} : vector<1024x16xf32>, vector<16x16xf32>, vector<1024x16xf32> -> vector<1024x16xf32>
    %get3A_24 = arith.constant 0 : index
    %get3A_25 = arith.constant 0 : index
    %get3A_26 = vector.load %arg3[%get3A_24, %get3A_25] : memref<1024x48xf32, #tpu.memory_space<vmem>>, vector<1024x48xf32>
    %max3A_27 = arith.constant 0.000000e+00 : f32
    %max3A_28 = vector.broadcast %max3A_27 : f32 to vector<1024x48xf32>
    %max3A_29 = arith.maximumf %get3A_26, %max3A_28 : vector<1024x48xf32>
    %get3A_30 = arith.constant 0 : index
    %get3A_31 = arith.constant 0 : index
    %get3A_32 = vector.load %arg4[%get3A_30, %get3A_31] : memref<64x64xf32, #tpu.memory_space<vmem>>, vector<48x64xf32>
    %dot_general3A_33 = arith.constant dense<0.000000e+00> : vector<1024x64xf32>
    %dot_general3A_34 = tpu.matmul %max3A_29, %get3A_32, %dot_general3A_33 {dimension_numbers = #tpu.dot_dimension_numbers<[1], [0], [0], [1], [0, 0, 1, 1], [], []>, transpose_lhs_hint = false} : vector<1024x48xf32>, vector<48x64xf32>, vector<1024x64xf32> -> vector<1024x64xf32>
    %max3A_35 = arith.constant 0.000000e+00 : f32
    %max3A_36 = vector.broadcast %max3A_35 : f32 to vector<1024x16xf32>
    %max3A_37 = arith.maximumf %dot_general3A_23, %max3A_36 : vector<1024x16xf32>
    %get3A_38 = arith.constant 48 : index
    %get3A_39 = arith.constant 0 : index
    %get3A_40 = vector.load %arg4[%get3A_38, %get3A_39] : memref<64x64xf32, #tpu.memory_space<vmem>>, vector<16x64xf32>
    %dot_general3A_41 = arith.constant dense<0.000000e+00> : vector<1024x64xf32>
    %dot_general3A_42 = tpu.matmul %max3A_37, %get3A_40, %dot_general3A_41 {dimension_numbers = #tpu.dot_dimension_numbers<[1], [0], [0], [1], [0, 0, 1, 1], [], []>, transpose_lhs_hint = false} : vector<1024x16xf32>, vector<16x64xf32>, vector<1024x64xf32> -> vector<1024x64xf32>
    %add3A_43 = arith.addf %dot_general3A_34, %dot_general3A_42 : vector<1024x64xf32>
    %get3A_44 = arith.constant 0 : index
    %get3A_45 = arith.constant 0 : index
    %get3A_46 = vector.load %arg5[%get3A_44, %get3A_45] : memref<1x64xf32, #tpu.memory_space<vmem>>, vector<1x64xf32>
    %add3A_47 = vector.broadcast %get3A_46 : vector<1x64xf32> to vector<1024x64xf32>
    %add3A_48 = arith.addf %add3A_43, %add3A_47 : vector<1024x64xf32>
    %max3A_49 = arith.constant 0.000000e+00 : f32
    %max3A_50 = vector.broadcast %max3A_49 : f32 to vector<1024x64xf32>
    %max3A_51 = arith.maximumf %add3A_48, %max3A_50 : vector<1024x64xf32>
    %get3A_52 = arith.constant 0 : index
    %get3A_53 = arith.constant 0 : index
    %get3A_54 = vector.load %arg6[%get3A_52, %get3A_53] : memref<64x1024xf32, #tpu.memory_space<vmem>>, vector<64x1024xf32>
    %dot_general3A_55 = arith.constant dense<0.000000e+00> : vector<1024x1024xf32>
    %dot_general3A_56 = tpu.matmul %max3A_51, %get3A_54, %dot_general3A_55 {dimension_numbers = #tpu.dot_dimension_numbers<[1], [0], [0], [1], [0, 0, 1, 1], [], []>, transpose_lhs_hint = false} : vector<1024x64xf32>, vector<64x1024xf32>, vector<1024x1024xf32> -> vector<1024x1024xf32>
    %get3A_57 = arith.constant 0 : index
    %get3A_58 = arith.constant 0 : index
    %get3A_59 = vector.load %arg7[%get3A_57, %get3A_58] : memref<1x1024xf32, #tpu.memory_space<vmem>>, vector<1x1024xf32>
    %add3A_60 = vector.broadcast %get3A_59 : vector<1x1024xf32> to vector<1024x1024xf32>
    %add3A_61 = arith.addf %dot_general3A_56, %add3A_60 : vector<1024x1024xf32>
    %logistic3A = arith.negf %add3A_61 : vector<1024x1024xf32>
    %logistic3A_62 = math.exp %logistic3A : vector<1024x1024xf32>
    %logistic3A_63 = arith.constant 1.000000e+00 : f32
    %logistic3A_64 = vector.broadcast %logistic3A_63 : f32 to vector<1024x1024xf32>
    %logistic3A_65 = arith.addf %logistic3A_64, %logistic3A_62 : vector<1024x1024xf32>
    %logistic3A_66 = arith.divf %logistic3A_64, %logistic3A_65 : vector<1024x1024xf32>
    %swap3A = arith.constant 0 : index
    %swap3A_67 = arith.constant 0 : index
    %swap3A_68 = vector.load %arg8[%swap3A, %swap3A_67] : memref<1024x1024xf32, #tpu.memory_space<vmem>>, vector<1024x1024xf32>
    tpu.vector_store %arg8[%swap3A, %swap3A_67], %logistic3A_66 {strides = array<i32>} : memref<1024x1024xf32, #tpu.memory_space<vmem>>, vector<1024x1024xf32>,
    return
  }
}

</mosaic_0001>

<sc_bundles>
// kernel: kernel.11.cloned.1.call-start
scs
__scs_entry_jumppad:
0x0: {  	(pc) =	sbr.rel $0x88, $3  }
0x1: {  	(tag) =	ssettag $0x0;
	lr =	simm.s32 $0x1  }
0x2: {  	[smem:$0x3F93] =	sst lr;
	_ =	strace $0xD0000000  }
0x3: {  	_ = 	snop  }
0x4: {  	_ = 	snop  }
0x5: {  	_ = 	snop  }
0x6: {  	_ = 	snop  }
0x7: {  	_ = 	snop  }
__scs_overlays_trampoline_lowered:
0x8: {  	[smem:$0x3FA2] =	sst s0  }
0x9: {  	[smem:$0x3FA3] =	sst s1  }
0xa: {  	[smem:$0x3FA4] =	sst s2  }
0xb: {  	[smem:$0x3FA5] =	sst s3  }
0xc: {  	[smem:$0x3FA6] =	sst s4  }
0xd: {  	[smem:$0x3FA7] =	sst s5  }
0xe: {  	[smem:$0x3FA8] =	sst s6  }
0xf: {  	[smem:$0x3FA9] =	sst s7  }
0x10: {  	[smem:$0x3FAA] =	sst s8  }
0x11: {  	[smem:$0x3FAB] =	sst s9;
	s0 =	simm.s32 @!p0 $0x0  }
0x12: {  	s1 =	sld [smem:$0x3F91];
	s0 =	simm.s32 @p0 $0x1  }
0x13: {  	[smem:$0x3FAC] =	sst s0;
	s0 =	simm.s32 @!p1 $0x0  }
0x14: {  	s2 =	sld [smem:$0x3F90];
	s0 =	simm.s32 @p1 $0x1  }
0x15: {  	[smem:$0x3FAD] =	sst s0;
	s0 =	simm.s32 @!p2 $0x0  }
0x16: {  	s3 =	sld [smem:$0x3FDB];
	s0 =	simm.s32 @p2 $0x1  }
0x17: {  	s4 =	simm.s32 $0x1BF5;
	[smem:$0x3FAF] =	sst s0  }
0x18: {  	s0 =	sld [smem:$0x3F92];
	_ =	swait.ge [sflag:s4], $0x0  }
0x19: {  	s7 =	sld [smem:$0x3F93]  }
0x1a: {  	s8 =	sadd.s32 $0xFFFFE003, lr  }
0x1b: {  	s9 =	sadd.s32 $0xFFFFFEF7, lr;
	s5 =	simm.s32 $0xFFFFFFFF;
	p2 =	slt.u32 s8, $0xFFFFF086  }
0x1c: {  	p1 =	slt.u32 s9, $0xF7A;
	s5 =	simm.s32 @!p2 $0x0  }
0x1d: {  	s5 =	simm.s32 @p1 $0x1;
	p0 =	seq.s32 s7, s2  }
0x1e: {  	s7 =	smul.u32 @!p0 $0xF7A, s2;
	p2 =	seq.s32 @!p0 s5, $0x0  }
0x1f: {  	s9 =	smul.u32 $0xF7A, s1;
	s8 =	simm.s32 @!p0 $0x1BF5;
	p2 =	por !p2, p0  }
0x20: {  	[sflag:s8] =	ssyncset.s32 @!p0 $0xFFFFF086;
	s6 =	sadd.s32 @!p0 s3, s7;
	s7 =	simm.s32 @!p0 $0x108  }
0x21: {  	s3 =	sadd.s32 s3, s9;
	s6 =	sadd.s32 @!p0 $0x88, s6;
	s7 =	simm.s32 @p2 $0x1082  }
0x22: {  	[simem:s7], [sflag:s8] =	dma.local @!p0 [hbm:s6], $0xF7A  }
0x23: {  	s9 =	sor.u32 $0xD0000000, s2;
	s6 =	simm.s32 $0x108;
	_ =	swait.ge @!p0 [sflag:s8], $0x0  }
0x24: {  	s3 =	sadd.s32 $0x88, s3;
	s6 =	simm.s32 @!p1 $0x1082;
	[sflag:s4] =	ssyncset.s32 $0xFFFFF086  }
0x25: {  	[simem:s6], [sflag:s4] =	dma.local [hbm:s3], $0xF7A  }
0x26: {  	[smem:$0x3F93] =	sst s1;
	(tag) =	ssettag s2;
	_ =	strace s9  }
0x27: {  	s1 =	sld [smem:$0x3FA3]  }
0x28: {  	s2 =	sld [smem:$0x3FA4]  }
0x29: {  	s4 =	sld [smem:$0x3FA6]  }
0x2a: {  	p0 =	seq.s32 s5, $0x0;
	s5 =	sld [smem:$0x3FA7]  }
0x2b: {  	s6 =	sld [smem:$0x3FA8]  }
0x2c: {  	s7 =	sld [smem:$0x3FA9]  }
0x2d: {  	s3 =	simm.s32 $0x108;
	s8 =	sld [smem:$0x3FAA]  }
0x2e: {  	s3 =	simm.s32 @!p0 $0x1082;
	s9 =	sld [smem:$0x3FAB]  }
0x2f: {  	lr =	sadd.s32 s0, s3;
	s0 =	sld [smem:$0x3FA2]  }
0x30: {  	s3 =	sld [smem:$0x3FA5]  }
0x31: {  	[smem:$0x3FAE] =	sst s10  }
0x32: {  	s10 =	sld [smem:$0x3FAC];
	_ =	sdelay $0x3  }
0x33: {  	p0 =	seq.s32 s10, $0x1;
	s10 =	sld [smem:$0x3FAE];
	_ =	sdelay $0x3  }
0x34: {  	[smem:$0x3FAE] =	sst s10  }
0x35: {  	s10 =	sld [smem:$0x3FAD];
	_ =	sdelay $0x3  }
0x36: {  	p1 =	seq.s32 s10, $0x1;
	s10 =	sld [smem:$0x3FAE];
	_ =	sdelay $0x3  }
0x37: {  	[smem:$0x3FAE] =	sst s10  }
0x38: {  	s10 =	sld [smem:$0x3FAF]  }
0x39: {  	_ = 	snop;
	(pc) =	sbr.ind lr, $3  }
0x3a: {  	_ = 	snop  }
0x3b: {  	_ = 	snop  }
0x3c: {  	p2 =	seq.s32 s10, $0x1;
	s10 =	sld [smem:$0x3FAE]  }
0x3d: {  	_ =	shalt  }
0x3e: {  	_ =	shalt  }
0x3f: {  	_ =	shalt  }
0x40: {  	_ =	shalt  }
0x41: {  	_ =	shalt  }
0x42: {  	_ =	shalt  }
0x43: {  	_ =	shalt  }
0x44: {  	_ =	shalt  }
0x45: {  	_ =	shalt  }
0x46: {  	_ =	shalt  }
0x47: {  	_ =	shalt  }
0x48: {  	_ =	shalt  }
0x49: {  	_ =	shalt  }
0x4a: {  	_ =	shalt  }
0x4b: {  	_ =	shalt  }
0x4c: {  	_ =	shalt  }
0x4d: {  	_ =	shalt  }
0x4e: {  	_ =	shalt  }
0x4f: {  	_ =	shalt  }
0x50: {  	_ =	shalt  }
0x51: {  	_ =	shalt  }
0x52: {  	_ =	shalt  }
0x53: {  	_ =	shalt  }
0x54: {  	_ =	shalt  }
0x55: {  	_ =	shalt  }
0x56: {  	_ =	shalt  }
0x57: {  	_ =	shalt  }
0x58: {  	_ =	shalt  }
0x59: {  	_ =	shalt  }
0x5a: {  	_ =	shalt  }
0x5b: {  	_ =	shalt  }
0x5c: {  	_ =	shalt  }
0x5d: {  	_ =	shalt  }
0x5e: {  	_ =	shalt  }
0x5f: {  	_ =	shalt  }
0x60: {  	_ =	shalt  }
0x61: {  	_ =	shalt  }
0x62: {  	_ =	shalt  }
0x63: {  	_ =	shalt  }
0x64: {  	_ =	shalt  }
0x65: {  	_ =	shalt  }
0x66: {  	_ =	shalt  }
0x67: {  	_ =	shalt  }
0x68: {  	_ =	shalt  }
0x69: {  	_ =	shalt  }
0x6a: {  	_ =	shalt  }
0x6b: {  	_ =	shalt  }
0x6c: {  	_ =	shalt  }
0x6d: {  	_ =	shalt  }
0x6e: {  	_ =	shalt  }
0x6f: {  	_ =	shalt  }
0x70: {  	_ =	shalt  }
0x71: {  	_ =	shalt  }
0x72: {  	_ =	shalt  }
0x73: {  	_ =	shalt  }
0x74: {  	_ =	shalt  }
0x75: {  	_ =	shalt  }
0x76: {  	_ =	shalt  }
0x77: {  	_ =	shalt  }
0x78: {  	_ =	shalt  }
0x79: {  	_ =	shalt  }
0x7a: {  	_ =	shalt  }
0x7b: {  	_ =	shalt  }
0x7c: {  	_ =	shalt  }
0x7d: {  	_ =	shalt  }
0x7e: {  	_ =	shalt  }
0x7f: {  	_ =	shalt  }
0x80: {  	_ =	shalt  }
0x81: {  	_ =	shalt  }
0x82: {  	_ =	shalt  }
0x83: {  	_ =	shalt  }
0x84: {  	_ =	shalt  }
0x85: {  	_ =	shalt  }
0x86: {  	_ =	shalt  }
0x87: {  	_ =	shalt  }
.Lfunc_end0:
.L_simem_size_0:
called_computation_lowered:
.L_overlay_start_0:
0x88: {  	s2 =	sld [smem:$0x3FD9]  }
0x89: {  	s3 =	sld [smem:$0x3FFE];
	_ =	sdelay $0x1  }
0x8a: {  	s1 =	srdreg.scid  }
0x8b: {  	s0 =	sand.u32 $0x1, s1  }
0x8c: {  	s17 =	sshll.u32 s0, $0xA;
	s2 =	sadd.s32 s3, s2  }
0x8d: {  	s2 =	sadd.s32 s2, s17  }
0x8e: {  	[smem:$0x3FBA] =	sst s2  }
0x8f: {  	_ = 	snop  }
0x90: {  	s2 =	sld [smem:$0x3FD0];
	(tm) =	ssettm $0x1  }
0x91: {  	s18 =	sld [smem:$0x3FFB];
	_ =	sdelay $0x3  }
0x92: {  	_ =	strace s18  }
0x93: {  	s3 =	sld [smem:$0x3FFC];
	_ =	sdelay $0x3  }
0x94: {  	_ =	strace s3  }
0x95: {  	s3 =	sld [smem:$0x3FFD];
	_ =	sdelay $0x3  }
0x96: {  	_ =	strace s3  }
0x97: {  	_ =	strace $0x8FFFFFFF  }
0x98: {  	s19 =	sld [smem:$0x3FDB];
	_ =	sdelay $0x1  }
0x99: {  	s4 =	simm.s32 $_scs_section_size  }
0x9a: {  	s5 =	simm.s32 $_size__tile_overlayer_lowered;
	s6 =	simm.s32 $_tile_overlayer_lowered  }
0x9b: {  	s22 =	simm.s32 $0x1BFF;
	s21 =	sshll.u32 s6, $0x1;
	s3 =	sadd.s32 s4, s19  }
0x9c: {  	s7 =	simm.s32 $0x0;
	s20 =	sshll.u32 s5, $0x1;
	s5 =	sadd.s32 s21, s3  }
0x9d: {  	[timem:s7], [sflag:s22] =	dma.local [hbm:s5], s20  }
0x9e: {  	_ =	swait.ge [sflag:s22], s20  }
0x9f: {  	s4 =	ssub.s32 $0x0, s20;
	[sflag:s22] =	ssyncset.done $0x0  }
0xa0: {  	[sflag:s22] =	ssyncadd.s32 s4;
	_ =	sdelay $0x1  }
0xa1: {  	s23 =	simm.s32 $0x1B8B  }
0xa2: {  	_ =	swait.ge [sflag:s23], $0x1  }
0xa3: {  	[sflag:s23] =	ssyncset.done $0x0  }
0xa4: {  	s25 =	simm.s32 $0x1B8E;
	s24 =	sld [smem:$0x3FFE];
	[sflag:s23] =	ssyncadd.s32 $0xFFFFFFFF  }
0xa5: {  	s26 =	simm.s32 $execute0_lowered;
	[smem:$0x3FD2] =	sst s25  }
0xa6: {  	s5 =	sshll.u32 s26, $0x1;
	_ =	strace $0x80000046;
	[dreg:$0x1] =	wrdreg $0xFFFFFFFF  }
0xa7: {  	s28 =	simm.s32 $_size_execute0_lowered;
	s3 =	sadd.s32 s3, s5;
	[dreg:$0x0] =	wrdreg $0x0  }
0xa8: {  	s5 =	sshll.u32 s28, $0x1;
	[dreg:$0x2] =	wrdreg s3  }
0xa9: {  	[dreg:$0x3] =	wrdreg s5  }
0xaa: {  	[dreg:$0x4] =	wrdreg $0xC0  }
0xab: {  	_ =	task [dreg:s7], $0x5FFFF  }
0xac: {  	[dreg:$0x1] =	wrdreg $0xFFFFFFFF  }
0xad: {  	[dreg:$0x0] =	wrdreg $0x60  }
0xae: {  	[dreg:$0x2] =	wrdreg s24  }
0xaf: {  	[dreg:$0x3] =	wrdreg s2  }
0xb0: {  	[dreg:$0x4] =	wrdreg $0x2F400  }
0xb1: {  	[dreg:$0x5] =	wrdreg $0x31C00  }
0xb2: {  	[dreg:$0x6] =	wrdreg $0x9  }
0xb3: {  	_ =	task.clear_ibuf [dreg:s7], $0x7FFFF;
	_ =	strace $0x90000046  }
0xb4: {  	s29 =	simm.s32 $0x9;
	_ =	strace $0x80000048  }
0xb5: {  	_ =	swait.ge [sflag:s29], $0x1  }
0xb6: {  	[sflag:s29] =	ssyncadd.s32 $0xFFFFFFFF  }
0xb7: {  	_ =	strace $0x90000048  }
0xb8: {  	_ =	sfence  }
0xb9: {  	s30 =	sld [smem:$0x0];
	_ =	sdelay $0x2  }
0xba: {  	s31 =	sshll.u32 s1, $0xD;
	s1 =	sshrl.u32 s1, $0x2  }
0xbb: {  	s3 =	sand.u32 $0x4000, s31;
	s1 =	sadd.s32 s1, s30  }
0xbc: {  	s0 =	sor.u32 s3, s0;
	s1 =	sshll.u32 s1, $0x11  }
0xbd: {  	s0 =	sor.u32 s1, s0  }
0xbe: {  	s0 =	sadd.s32 $0x8F2B, s0  }
0xbf: {  	[sflag:s0] =	ssyncadd.remote.s32 $0x1  }
0xc0: {  	_ =	sfence.sel $0xFFFF  }
0xc1: {  	[dreg:$0x0] =	wrdreg $0xFFFFFFFF;
	(pc) =	sbr.abs _section_cstart, $3  }
0xc2: {  	[dreg:$0x1] =	wrdreg $0xFFFFFFFF  }
0xc3: {  	_ =	task.clear_ibuf [dreg:s7], $0x2FFFF;
	_ =	strace $0x9FFFFFFF  }
0xc4: {  	(tm) =	ssettm $0x7FFFFFFF  }
0xc5: {  	_ =	shalt  }
tec
execute0_lowered:
.L_overlay_start_1:
0x0: {  	(tag) =	ssettag $0x1  }
0x1: {  	s5 =	rddreg [dreg:$0x0]  }
0x2: {  	s9 =	rddreg [dreg:$0x1]  }
0x3: {  	s2 =	rddreg [dreg:$0x2]  }
0x4: {  	s0 =	srdreg.scid;
	s3 =	rddreg [dreg:$0x3]  }
0x5: {  	s4 =	simm.s32 $0x0;
	s15 =	simm.s32 $0x80;
	s16 =	simm.s32 $0x2C00  }
0x6: {  	s17 =	simm.s32 $0x1;
	s18 =	simm.s32 $0x2880;
	s19 =	simm.s32 $0x2900  }
0x7: {  	s20 =	simm.s32 $0x2980;
	s6 =	sand.u32 $0x1, s0;
	s0 =	stileid.u32  }
0x8: {  	s21 =	simm.s32 $0x2A00;
	s22 =	simm.s32 $0x2A80;
	s10 =	smul.u32 $0x2C0, s0  }
0x9: {  	s23 =	simm.s32 $0x2B00;
	s24 =	simm.s32 $0x2B80;
	s11 =	smul.u32 $0x2C00, s6  }
0xa: {  	s25 =	simm.s32 $0x0;
	[smem:$0x7FF] =	sst s4;
	s12 =	smul.u32 $0x280, s0  }
0xb: {  	s1 =	sshll.u32 s6, $0x4;
	s13 =	ssub.s32 $0x2, s6;
	s6 =	smul.u32 $0x2800, s6  }
0xc: {  	s7 =	sor.u32 s0, s1;
	s1 =	rddreg [dreg:$0x4];
	_ =	strace $0x80000047  }
0xd: {  	s30 =	sshrl.u32 s13, $0x1;
	s8 =	smul.u32 $0x500, s7;
	s11 =	sadd.s32 s10, s11  }
0xe: {  	s7 =	sshll.u32 s7, $0x7;
	s13 =	ssub.s32 s13, s30;
	s11 =	sshrl.u32 s11, $0x3  }
0xf: {  	s14 =	sadd.s32 s7, s5;
	s8 =	sadd.s32 s8, s5;
	s11 =	sadd.s32 s11, s5  }
0x10: {  	s5 =	sadd.s32 s12, s2;
	s12 =	sadd.s32 s12, s6;
	s6 =	sadd.s32 s10, s3  }
0x11: {  	s7 =	sadd.s32 $0xDC00, s8;
	s31 =	sshrl.u32 s12, $0x3;
	s8 =	sadd.s32 $0x18C00, s14  }
0x12: {  	s10 =	sadd.s32 $0x19C00, s11;
	s11 =	smax.u32 s13, $0x1;
	s12 =	simm.s32 $0x2C80  }
0x13: {  	v0 =	vimm.f32 $0.0e+00;
	v1 =	vimm.f32 $1.000000000e+00;
	s13 =	simm.s32 $0x2;
	s14 =	simm.s32 $0x2800;
	s9 =	sadd.s32 s9, s31  }
.LBB2_1:
0x14: {  	[tilespmem:$0x2C80] =	vst v0  }
0x15: {  	[tilespmem:$0x2C90] =	vst v0  }
0x16: {  	[tilespmem:$0x2CA0] =	vst v0  }
0x17: {  	[tilespmem:$0x2CB0] =	vst v0  }
0x18: {  	[tilespmem:$0x2CC0] =	vst v0  }
0x19: {  	[tilespmem:$0x2CD0] =	vst v0  }
0x1a: {  	[tilespmem:$0x2CE0] =	vst v0  }
0x1b: {  	[tilespmem:$0x2CF0] =	vst v0  }
0x1c: {  	[tilespmem:$0x2D00] =	vst v0  }
0x1d: {  	[tilespmem:$0x2D10] =	vst v0  }
0x1e: {  	[tilespmem:$0x2D20] =	vst v0  }
0x1f: {  	[tilespmem:$0x2D30] =	vst v0  }
0x20: {  	[tilespmem:$0x2D40] =	vst v0  }
0x21: {  	[tilespmem:$0x2D50] =	vst v0  }
0x22: {  	[tilespmem:$0x2D60] =	vst v0  }
0x23: {  	[tilespmem:$0x2D70] =	vst v0  }
0x24: {  	[tilespmem:$0x2D80] =	vst v0  }
0x25: {  	[tilespmem:$0x2D90] =	vst v0  }
0x26: {  	[tilespmem:$0x2DA0] =	vst v0  }
0x27: {  	[tilespmem:$0x2DB0] =	vst v0  }
0x28: {  	[tilespmem:$0x2DC0] =	vst v0  }
0x29: {  	[tilespmem:$0x2DD0] =	vst v0  }
0x2a: {  	[tilespmem:$0x2DE0] =	vst v0  }
0x2b: {  	[tilespmem:$0x2DF0] =	vst v0  }
0x2c: {  	[tilespmem:$0x2E00] =	vst v0  }
0x2d: {  	[tilespmem:$0x2E10] =	vst v0  }
0x2e: {  	[tilespmem:$0x2E20] =	vst v0  }
0x2f: {  	[tilespmem:$0x2E30] =	vst v0  }
0x30: {  	[tilespmem:$0x2E40] =	vst v0  }
0x31: {  	[tilespmem:$0x2E50] =	vst v0  }
0x32: {  	[tilespmem:$0x2E60] =	vst v0  }
0x33: {  	[tilespmem:$0x2E70] =	vst v0  }
0x34: {  	[tilespmem:$0x2E80] =	vst v0  }
0x35: {  	[tilespmem:$0x2E90] =	vst v0  }
0x36: {  	[tilespmem:$0x2EA0] =	vst v0  }
0x37: {  	[tilespmem:$0x2EB0] =	vst v0  }
0x38: {  	[tilespmem:$0x2EC0] =	vst v0  }
0x39: {  	[tilespmem:$0x2ED0] =	vst v0  }
0x3a: {  	[tilespmem:$0x2EE0] =	vst v0  }
0x3b: {  	[tilespmem:$0x2EF0] =	vst v0  }
0x3c: {  	[tilespmem:$0x2F00] =	vst v0  }
0x3d: {  	[tilespmem:$0x2F10] =	vst v0  }
0x3e: {  	[tilespmem:$0x2F20] =	vst v0  }
0x3f: {  	[tilespmem:$0x2F30] =	vst v0  }
0x40: {  	[tilespmem:$0x2C00] =	vst v1  }
0x41: {  	[tilespmem:$0x2C10] =	vst v1  }
0x42: {  	[tilespmem:$0x2C20] =	vst v1  }
0x43: {  	[tilespmem:$0x2C30] =	vst v1  }
0x44: {  	[tilespmem:$0x2C40] =	vst v1  }
0x45: {  	[tilespmem:$0x2C50] =	vst v1  }
0x46: {  	[tilespmem:$0x2C60] =	vst v1  }
0x47: {  	[tilespmem:$0x2C70] =	vst v1  }
0x48: {  	[spmem:s5] =	stream.linear.scatter [tilespmem:s12], [sflag:$0x2], $0x280, $0x38;
	[tilespmem:$0x3480] =	vst v63  }
0x49: {  	_ =	swait.ge [sflag:s13], $0x280  }
0x4a: {  	[sflag:s13] =	ssyncset.done $0x0  }
0x4b: {  	[sflag:s13] =	ssyncadd.s32 $0xFFFFFD80  }
0x4c: {  	[spmem:s6] =	stream.linear.scatter [tilespmem:s12], [sflag:$0x2], $0x2C0, $0x38;
	[tilespmem:$0x3480] =	vst v63  }
0x4d: {  	_ =	swait.ge [sflag:s13], $0x2C0  }
0x4e: {  	[sflag:s13] =	ssyncset.done $0x0  }
0x4f: {  	[sflag:s13] =	ssyncadd.s32 $0xFFFFFD40  }
0x50: {  	[bflag:$0x0] =	sbarrier.arrive $0xFFFF  }
0x51: {  	[tilespmem:s4], [sflag:$0x2] =	stream.linear.gather [hbm4b:s7+s4], $0x2800, $0x38;
	[tilespmem:$0x3480] =	vst v63  }
0x52: {  	_ =	swait.ge [sflag:s13], $0x2800  }
0x53: {  	[sflag:s13] =	ssyncset.done $0x0  }
0x54: {  	[sflag:s13] =	ssyncadd.s32 $0xFFFFD800  }
0x55: {  	[tilespmem:s14], [sflag:$0x2] =	stream.linear.gather [hbm4b:s8+s4], $0x400, $0x38;
	[tilespmem:$0x3480] =	vst v63  }
0x56: {  	_ =	swait.ge [sflag:s13], $0x400  }
0x57: {  	[sflag:s13] =	ssyncset.done $0x0  }
0x58: {  	s26 =	simm.s32 $0x0;
	[sflag:s13] =	ssyncadd.s32 $0xFFFFFC00  }
0x59: {  	[spmem:s2] =	stream.indirect.scatter.add.f32 [tilespmem:s16], [sflag:$0x1], $0x1, s26, s15, $0xb8;
	[tilespmem:$0x3480] =	vst v63  }
0x5a: {  	s29 =	simm.s32 $0x80  }
0x5b: {  	[spmem:s2] =	stream.indirect.scatter.add.f32 [tilespmem:s16], [sflag:$0x1], $0x1, s29, s15, $0xb8;
	[tilespmem:$0x3480] =	vst v63  }
0x5c: {  	s30 =	simm.s32 $0x100  }
0x5d: {  	[spmem:s2] =	stream.indirect.scatter.add.f32 [tilespmem:s16], [sflag:$0x1], $0x1, s30, s15, $0xb8;
	[tilespmem:$0x3480] =	vst v63  }
0x5e: {  	s31 =	simm.s32 $0x180  }
0x5f: {  	[spmem:s2] =	stream.indirect.scatter.add.f32 [tilespmem:s16], [sflag:$0x1], $0x1, s31, s15, $0xb8;
	[tilespmem:$0x3480] =	vst v63  }
0x60: {  	_ =	swait.ge [sflag:s17], $0x80  }
0x61: {  	[sflag:s17] =	ssyncset.done $0x0  }
0x62: {  	[sflag:s17] =	ssyncadd.s32 $0xFFFFFF80  }
0x63: {  	_ =	swait.ge [sflag:s17], $0x80  }
0x64: {  	[sflag:s17] =	ssyncset.done $0x0  }
0x65: {  	[sflag:s17] =	ssyncadd.s32 $0xFFFFFF80  }
0x66: {  	_ =	swait.ge [sflag:s17], $0x80  }
0x67: {  	[sflag:s17] =	ssyncset.done $0x0  }
0x68: {  	[sflag:s17] =	ssyncadd.s32 $0xFFFFFF80  }
0x69: {  	_ =	swait.ge [sflag:s17], $0x80  }
0x6a: {  	s28 =	simm.s32 $0x1000;
	s26 =	simm.s32 $0x800;
	[sflag:s17] =	ssyncset.done $0x0  }
.LBB2_2:
0x6b: {  	s29 =	sshra.s32 s26, $0x2  }
0x6c: {  	[sflag:s17] =	ssyncadd.s32 $0xFFFFFF80;
	s26 =	smov.u32 s28;
	s30 =	sadd.s32 $0x800, s28  }
0x6d: {  	[spmem:s2] =	stream.indirect.scatter.add.f32 [tilespmem:s16], [sflag:$0x1], $0x1, s29, s15, $0xb8;
	[tilespmem:$0x3480] =	vst v63  }
0x6e: {  	p0 =	sne.s32 s28, $0x9800;
	s28 =	sadd.s32 $0x80, s29  }
0x6f: {  	[spmem:s2] =	stream.indirect.scatter.add.f32 [tilespmem:s16], [sflag:$0x1], $0x1, s28, s15, $0xb8;
	[tilespmem:$0x3480] =	vst v63  }
0x70: {  	s28 =	sadd.s32 $0x100, s29  }
0x71: {  	[spmem:s2] =	stream.indirect.scatter.add.f32 [tilespmem:s16], [sflag:$0x1], $0x1, s28, s15, $0xb8;
	[tilespmem:$0x3480] =	vst v63  }
0x72: {  	s28 =	sadd.s32 $0x180, s29  }
0x73: {  	[spmem:s2] =	stream.indirect.scatter.add.f32 [tilespmem:s16], [sflag:$0x1], $0x1, s28, s15, $0xb8;
	[tilespmem:$0x3480] =	vst v63  }
0x74: {  	_ =	swait.ge [sflag:s17], $0x80  }
0x75: {  	[sflag:s17] =	ssyncset.done $0x0  }
0x76: {  	[sflag:s17] =	ssyncadd.s32 $0xFFFFFF80  }
0x77: {  	_ =	swait.ge [sflag:s17], $0x80  }
0x78: {  	[sflag:s17] =	ssyncset.done $0x0  }
0x79: {  	[sflag:s17] =	ssyncadd.s32 $0xFFFFFF80  }
.Ltmp0:
0x7a: {  	_ =	swait.ge [sflag:s17], $0x80;
	(pc) =	sbr.rel @p0 .LBB2_2-.Ltmp0, $4  }
0x7b: {  	[sflag:s17] =	ssyncset.done $0x0  }
0x7c: {  	[sflag:s17] =	ssyncadd.s32 $0xFFFFFF80  }
0x7d: {  	_ =	swait.ge [sflag:s17], $0x80  }
0x7e: {  	s28 =	smov.u32 s30;
	[sflag:s17] =	ssyncset.done $0x0  }
0x7f: {  	s26 =	sshra.s32 s26, $0x2;
	[sflag:s17] =	ssyncadd.s32 $0xFFFFFF80  }
0x80: {  	[spmem:s2] =	stream.indirect.scatter.add.f32 [tilespmem:s16], [sflag:$0x1], $0x1, s26, s15, $0xb8;
	[tilespmem:$0x3480] =	vst v63  }
0x81: {  	s28 =	sadd.s32 $0x80, s26  }
0x82: {  	[spmem:s2] =	stream.indirect.scatter.add.f32 [tilespmem:s16], [sflag:$0x1], $0x1, s28, s15, $0xb8;
	[tilespmem:$0x3480] =	vst v63  }
0x83: {  	s31 =	sadd.s32 $0x100, s26  }
0x84: {  	[spmem:s2] =	stream.indirect.scatter.add.f32 [tilespmem:s16], [sflag:$0x1], $0x1, s31, s15, $0xb8;
	[tilespmem:$0x3480] =	vst v63  }
0x85: {  	s26 =	sadd.s32 $0x180, s26  }
0x86: {  	[spmem:s2] =	stream.indirect.scatter.add.f32 [tilespmem:s16], [sflag:$0x1], $0x1, s26, s15, $0xb8;
	[tilespmem:$0x3480] =	vst v63  }
0x87: {  	_ =	swait.ge [sflag:s17], $0x80  }
0x88: {  	[sflag:s17] =	ssyncset.done $0x0  }
0x89: {  	[sflag:s17] =	ssyncadd.s32 $0xFFFFFF80  }
0x8a: {  	_ =	swait.ge [sflag:s17], $0x80  }
0x8b: {  	[sflag:s17] =	ssyncset.done $0x0  }
0x8c: {  	[sflag:s17] =	ssyncadd.s32 $0xFFFFFF80  }
0x8d: {  	_ =	swait.ge [sflag:s17], $0x80  }
0x8e: {  	[sflag:s17] =	ssyncset.done $0x0  }
0x8f: {  	[sflag:s17] =	ssyncadd.s32 $0xFFFFFF80  }
0x90: {  	_ =	swait.ge [sflag:s17], $0x80  }
0x91: {  	[sflag:s17] =	ssyncset.done $0x0  }
0x92: {  	[sflag:s17] =	ssyncadd.s32 $0xFFFFFF80  }
0x93: {  	[spmem:s3] =	stream.indirect.scatter.add.f32 [tilespmem:s16], [sflag:$0x1], $0x1, s14, s15, $0xb8;
	[tilespmem:$0x3480] =	vst v63  }
0x94: {  	_ = 	snop  }
0x95: {  	[spmem:s3] =	stream.indirect.scatter.add.f32 [tilespmem:s16], [sflag:$0x1], $0x1, s18, s15, $0xb8;
	[tilespmem:$0x3480] =	vst v63  }
0x96: {  	_ = 	snop  }
0x97: {  	[spmem:s3] =	stream.indirect.scatter.add.f32 [tilespmem:s16], [sflag:$0x1], $0x1, s19, s15, $0xb8;
	[tilespmem:$0x3480] =	vst v63  }
0x98: {  	_ = 	snop  }
0x99: {  	[spmem:s3] =	stream.indirect.scatter.add.f32 [tilespmem:s16], [sflag:$0x1], $0x1, s20, s15, $0xb8;
	[tilespmem:$0x3480] =	vst v63  }
0x9a: {  	_ = 	snop  }
0x9b: {  	[spmem:s3] =	stream.indirect.scatter.add.f32 [tilespmem:s16], [sflag:$0x1], $0x1, s21, s15, $0xb8;
	[tilespmem:$0x3480] =	vst v63  }
0x9c: {  	_ = 	snop  }
0x9d: {  	[spmem:s3] =	stream.indirect.scatter.add.f32 [tilespmem:s16], [sflag:$0x1], $0x1, s22, s15, $0xb8;
	[tilespmem:$0x3480] =	vst v63  }
0x9e: {  	_ = 	snop  }
0x9f: {  	[spmem:s3] =	stream.indirect.scatter.add.f32 [tilespmem:s16], [sflag:$0x1], $0x1, s23, s15, $0xb8;
	[tilespmem:$0x3480] =	vst v63  }
0xa0: {  	_ = 	snop  }
0xa1: {  	[spmem:s3] =	stream.indirect.scatter.add.f32 [tilespmem:s16], [sflag:$0x1], $0x1, s24, s15, $0xb8;
	[tilespmem:$0x3480] =	vst v63  }
0xa2: {  	_ =	swait.ge [sflag:s17], $0x80  }
0xa3: {  	[sflag:s17] =	ssyncset.done $0x0  }
0xa4: {  	[sflag:s17] =	ssyncadd.s32 $0xFFFFFF80  }
0xa5: {  	_ =	swait.ge [sflag:s17], $0x80  }
0xa6: {  	[sflag:s17] =	ssyncset.done $0x0  }
0xa7: {  	[sflag:s17] =	ssyncadd.s32 $0xFFFFFF80  }
0xa8: {  	_ =	swait.ge [sflag:s17], $0x80  }
0xa9: {  	[sflag:s17] =	ssyncset.done $0x0  }
0xaa: {  	[sflag:s17] =	ssyncadd.s32 $0xFFFFFF80  }
0xab: {  	_ =	swait.ge [sflag:s17], $0x80  }
0xac: {  	[sflag:s17] =	ssyncset.done $0x0  }
0xad: {  	[sflag:s17] =	ssyncadd.s32 $0xFFFFFF80  }
0xae: {  	_ =	swait.ge [sflag:s17], $0x80  }
0xaf: {  	[sflag:s17] =	ssyncset.done $0x0  }
0xb0: {  	[sflag:s17] =	ssyncadd.s32 $0xFFFFFF80  }
0xb1: {  	_ =	swait.ge [sflag:s17], $0x80  }
0xb2: {  	[sflag:s17] =	ssyncset.done $0x0  }
0xb3: {  	[sflag:s17] =	ssyncadd.s32 $0xFFFFFF80  }
0xb4: {  	_ =	swait.ge [sflag:s17], $0x80  }
0xb5: {  	[sflag:s17] =	ssyncset.done $0x0  }
0xb6: {  	[sflag:s17] =	ssyncadd.s32 $0xFFFFFF80  }
0xb7: {  	_ =	swait.ge [sflag:s17], $0x80  }
0xb8: {  	[sflag:s17] =	ssyncset.done $0x0  }
0xb9: {  	[sflag:s17] =	ssyncadd.s32 $0xFFFFFF80  }
0xba: {  	[bflag:$0x0] =	sbarrier.arrive $0xFFFF  }
0xbb: {  	[tilespmem:s12], [sflag:$0x2] =	stream.linear.gather [spmem:s5], $0x280, $0x38;
	[tilespmem:$0x3480] =	vst v63  }
0xbc: {  	_ =	swait.ge [sflag:s13], $0x280  }
0xbd: {  	[sflag:s13] =	ssyncset.done $0x0  }
0xbe: {  	[sflag:s13] =	ssyncadd.s32 $0xFFFFFD80  }
0xbf: {  	[hbm4b:s9+s4] =	stream.linear.scatter [tilespmem:s12], [sflag:$0x2], $0x280, $0x38;
	[tilespmem:$0x3480] =	vst v63  }
0xc0: {  	_ =	swait.ge [sflag:s13], $0x280  }
0xc1: {  	[sflag:s13] =	ssyncset.done $0x0  }
0xc2: {  	[sflag:s13] =	ssyncadd.s32 $0xFFFFFD80  }
0xc3: {  	[tilespmem:s12], [sflag:$0x2] =	stream.linear.gather [spmem:s6], $0x2C0, $0x38;
	[tilespmem:$0x3480] =	vst v63  }
0xc4: {  	s25 =	sadd.s32 $0x1, s25;
	_ =	swait.ge [sflag:s13], $0x2C0  }
0xc5: {  	p0 =	sne.s32 s25, s11;
	[sflag:s13] =	ssyncset.done $0x0  }
.Ltmp1:
0xc6: {  	[sflag:s13] =	ssyncadd.s32 $0xFFFFFD40;
	(pc) =	sbr.rel @p0 .LBB2_1-.Ltmp1, $4  }
0xc7: {  	[hbm4b:s10+s4] =	stream.linear.scatter [tilespmem:s12], [sflag:$0x2], $0x2C0, $0x38;
	[tilespmem:$0x3480] =	vst v63  }
0xc8: {  	_ =	swait.ge [sflag:s13], $0x2C0  }
0xc9: {  	[sflag:s13] =	ssyncset.done $0x0  }
0xca: {  	[sflag:s13] =	ssyncadd.s32 $0xFFFFFD40  }
0xcb: {  	_ =	sfence.sel $0x180000  }
0xcc: {  	[bflag:$0x0] =	sbarrier.arrive $0xFFFF  }
0xcd: {  	p0 =	sne.s32 s0, $0x0;
	_ =	strace $0x90000047  }
0xce: {  	s0 =	sadd.s32 @!p0 $0x100000, s1;
	[bflag:$0x2] =	sbarrier.arrive $0xFFFF  }
0xcf: {  	[sflag:s0] =	ssyncadd.tile.s32 @!p0 $0x1;
	_ =	shalt  }
.Lfunc_end2:
_tile_overlayer_lowered:
.L_overlay_start_2:
0xd0: {  	(tag) =	ssettag $0x2  }
0xd1: {  	s0 =	rddreg [dreg:$0x0];
	s2 =	stileid.u32  }
0xd2: {  	s1 =	rddreg [dreg:$0x1];
	p0 =	sne.s32 s2, $0x0  }
0xd3: {  	s3 =	rddreg [dreg:$0x2];
	[bflag:$0x3] =	sbarrier.arrive $0xFFFF;
	s2 =	simm.s32 @!p0 $0x1C02  }
0xd4: {  	[timem:s3], [sflag:s2] =	dma.local @!p0 [hbm:s0], s1  }
0xd5: {  	s0 =	simm.s32 @!p0 $0x2  }
0xd6: {  	_ =	swait.ge @!p0 [sflag:s0], s1  }
0xd7: {  	s1 =	ssub.s32 @!p0 $0x0, s1;
	[sflag:s0] =	ssyncset.done @!p0 $0x0  }
0xd8: {  	[sflag:s0] =	ssyncadd.s32 @!p0 s1  }
0xd9: {  	[bflag:$0x3] =	sbarrier.arrive $0xFFFF  }
0xda: {  	_ =	shalt  }

// kernel: kernel.14.cloned.1.call-start
scs
__scs_entry_jumppad:
0x0: {  	(pc) =	sbr.rel $0x88, $3  }
0x1: {  	(tag) =	ssettag $0x0;
	lr =	simm.s32 $0x1  }
0x2: {  	[smem:$0x3F93] =	sst lr;
	_ =	strace $0xD0000000  }
0x3: {  	_ = 	snop  }
0x4: {  	_ = 	snop  }
0x5: {  	_ = 	snop  }
0x6: {  	_ = 	snop  }
0x7: {  	_ = 	snop  }
__scs_overlays_trampoline_lowered:
0x8: {  	[smem:$0x3FA2] =	sst s0  }
0x9: {  	[smem:$0x3FA3] =	sst s1  }
0xa: {  	[smem:$0x3FA4] =	sst s2  }
0xb: {  	[smem:$0x3FA5] =	sst s3  }
0xc: {  	[smem:$0x3FA6] =	sst s4  }
0xd: {  	[smem:$0x3FA7] =	sst s5  }
0xe: {  	[smem:$0x3FA8] =	sst s6  }
0xf: {  	[smem:$0x3FA9] =	sst s7  }
0x10: {  	[smem:$0x3FAA] =	sst s8  }
0x11: {  	[smem:$0x3FAB] =	sst s9;
	s0 =	simm.s32 @!p0 $0x0  }
0x12: {  	s1 =	sld [smem:$0x3F91];
	s0 =	simm.s32 @p0 $0x1  }
0x13: {  	[smem:$0x3FAC] =	sst s0;
	s0 =	simm.s32 @!p1 $0x0  }
0x14: {  	s2 =	sld [smem:$0x3F90];
	s0 =	simm.s32 @p1 $0x1  }
0x15: {  	[smem:$0x3FAD] =	sst s0;
	s0 =	simm.s32 @!p2 $0x0  }
0x16: {  	s3 =	sld [smem:$0x3FDB];
	s0 =	simm.s32 @p2 $0x1  }
0x17: {  	s4 =	simm.s32 $0x1BF5;
	[smem:$0x3FAF] =	sst s0  }
0x18: {  	s0 =	sld [smem:$0x3F92];
	_ =	swait.ge [sflag:s4], $0x0  }
0x19: {  	s7 =	sld [smem:$0x3F93]  }
0x1a: {  	s8 =	sadd.s32 $0xFFFFE003, lr  }
0x1b: {  	s9 =	sadd.s32 $0xFFFFFEF7, lr;
	s5 =	simm.s32 $0xFFFFFFFF;
	p2 =	slt.u32 s8, $0xFFFFF086  }
0x1c: {  	p1 =	slt.u32 s9, $0xF7A;
	s5 =	simm.s32 @!p2 $0x0  }
0x1d: {  	s5 =	simm.s32 @p1 $0x1;
	p0 =	seq.s32 s7, s2  }
0x1e: {  	s7 =	smul.u32 @!p0 $0xF7A, s2;
	p2 =	seq.s32 @!p0 s5, $0x0  }
0x1f: {  	s9 =	smul.u32 $0xF7A, s1;
	s8 =	simm.s32 @!p0 $0x1BF5;
	p2 =	por !p2, p0  }
0x20: {  	[sflag:s8] =	ssyncset.s32 @!p0 $0xFFFFF086;
	s6 =	sadd.s32 @!p0 s3, s7;
	s7 =	simm.s32 @!p0 $0x108  }
0x21: {  	s3 =	sadd.s32 s3, s9;
	s6 =	sadd.s32 @!p0 $0x88, s6;
	s7 =	simm.s32 @p2 $0x1082  }
0x22: {  	[simem:s7], [sflag:s8] =	dma.local @!p0 [hbm:s6], $0xF7A  }
0x23: {  	s9 =	sor.u32 $0xD0000000, s2;
	s6 =	simm.s32 $0x108;
	_ =	swait.ge @!p0 [sflag:s8], $0x0  }
0x24: {  	s3 =	sadd.s32 $0x88, s3;
	s6 =	simm.s32 @!p1 $0x1082;
	[sflag:s4] =	ssyncset.s32 $0xFFFFF086  }
0x25: {  	[simem:s6], [sflag:s4] =	dma.local [hbm:s3], $0xF7A  }
0x26: {  	[smem:$0x3F93] =	sst s1;
	(tag) =	ssettag s2;
	_ =	strace s9  }
0x27: {  	s1 =	sld [smem:$0x3FA3]  }
0x28: {  	s2 =	sld [smem:$0x3FA4]  }
0x29: {  	s4 =	sld [smem:$0x3FA6]  }
0x2a: {  	p0 =	seq.s32 s5, $0x0;
	s5 =	sld [smem:$0x3FA7]  }
0x2b: {  	s6 =	sld [smem:$0x3FA8]  }
0x2c: {  	s7 =	sld [smem:$0x3FA9]  }
0x2d: {  	s3 =	simm.s32 $0x108;
	s8 =	sld [smem:$0x3FAA]  }
0x2e: {  	s3 =	simm.s32 @!p0 $0x1082;
	s9 =	sld [smem:$0x3FAB]  }
0x2f: {  	lr =	sadd.s32 s0, s3;
	s0 =	sld [smem:$0x3FA2]  }
0x30: {  	s3 =	sld [smem:$0x3FA5]  }
0x31: {  	[smem:$0x3FAE] =	sst s10  }
0x32: {  	s10 =	sld [smem:$0x3FAC];
	_ =	sdelay $0x3  }
0x33: {  	p0 =	seq.s32 s10, $0x1;
	s10 =	sld [smem:$0x3FAE];
	_ =	sdelay $0x3  }
0x34: {  	[smem:$0x3FAE] =	sst s10  }
0x35: {  	s10 =	sld [smem:$0x3FAD];
	_ =	sdelay $0x3  }
0x36: {  	p1 =	seq.s32 s10, $0x1;
	s10 =	sld [smem:$0x3FAE];
	_ =	sdelay $0x3  }
0x37: {  	[smem:$0x3FAE] =	sst s10  }
0x38: {  	s10 =	sld [smem:$0x3FAF]  }
0x39: {  	_ = 	snop;
	(pc) =	sbr.ind lr, $3  }
0x3a: {  	_ = 	snop  }
0x3b: {  	_ = 	snop  }
0x3c: {  	p2 =	seq.s32 s10, $0x1;
	s10 =	sld [smem:$0x3FAE]  }
0x3d: {  	_ =	shalt  }
0x3e: {  	_ =	shalt  }
0x3f: {  	_ =	shalt  }
0x40: {  	_ =	shalt  }
0x41: {  	_ =	shalt  }
0x42: {  	_ =	shalt  }
0x43: {  	_ =	shalt  }
0x44: {  	_ =	shalt  }
0x45: {  	_ =	shalt  }
0x46: {  	_ =	shalt  }
0x47: {  	_ =	shalt  }
0x48: {  	_ =	shalt  }
0x49: {  	_ =	shalt  }
0x4a: {  	_ =	shalt  }
0x4b: {  	_ =	shalt  }
0x4c: {  	_ =	shalt  }
0x4d: {  	_ =	shalt  }
0x4e: {  	_ =	shalt  }
0x4f: {  	_ =	shalt  }
0x50: {  	_ =	shalt  }
0x51: {  	_ =	shalt  }
0x52: {  	_ =	shalt  }
0x53: {  	_ =	shalt  }
0x54: {  	_ =	shalt  }
0x55: {  	_ =	shalt  }
0x56: {  	_ =	shalt  }
0x57: {  	_ =	shalt  }
0x58: {  	_ =	shalt  }
0x59: {  	_ =	shalt  }
0x5a: {  	_ =	shalt  }
0x5b: {  	_ =	shalt  }
0x5c: {  	_ =	shalt  }
0x5d: {  	_ =	shalt  }
0x5e: {  	_ =	shalt  }
0x5f: {  	_ =	shalt  }
0x60: {  	_ =	shalt  }
0x61: {  	_ =	shalt  }
0x62: {  	_ =	shalt  }
0x63: {  	_ =	shalt  }
0x64: {  	_ =	shalt  }
0x65: {  	_ =	shalt  }
0x66: {  	_ =	shalt  }
0x67: {  	_ =	shalt  }
0x68: {  	_ =	shalt  }
0x69: {  	_ =	shalt  }
0x6a: {  	_ =	shalt  }
0x6b: {  	_ =	shalt  }
0x6c: {  	_ =	shalt  }
0x6d: {  	_ =	shalt  }
0x6e: {  	_ =	shalt  }
0x6f: {  	_ =	shalt  }
0x70: {  	_ =	shalt  }
0x71: {  	_ =	shalt  }
0x72: {  	_ =	shalt  }
0x73: {  	_ =	shalt  }
0x74: {  	_ =	shalt  }
0x75: {  	_ =	shalt  }
0x76: {  	_ =	shalt  }
0x77: {  	_ =	shalt  }
0x78: {  	_ =	shalt  }
0x79: {  	_ =	shalt  }
0x7a: {  	_ =	shalt  }
0x7b: {  	_ =	shalt  }
0x7c: {  	_ =	shalt  }
0x7d: {  	_ =	shalt  }
0x7e: {  	_ =	shalt  }
0x7f: {  	_ =	shalt  }
0x80: {  	_ =	shalt  }
0x81: {  	_ =	shalt  }
0x82: {  	_ =	shalt  }
0x83: {  	_ =	shalt  }
0x84: {  	_ =	shalt  }
0x85: {  	_ =	shalt  }
0x86: {  	_ =	shalt  }
0x87: {  	_ =	shalt  }
.Lfunc_end0:
.L_simem_size_0:
called_computation.1_lowered:
.L_overlay_start_0:
0x88: {  	s2 =	sld [smem:$0x3FD9]  }
0x89: {  	s3 =	sld [smem:$0x3FFE];
	_ =	sdelay $0x1  }
0x8a: {  	s1 =	srdreg.scid  }
0x8b: {  	s0 =	sand.u32 $0x1, s1  }
0x8c: {  	s17 =	sshll.u32 s0, $0xA;
	s2 =	sadd.s32 s3, s2  }
0x8d: {  	s2 =	sadd.s32 s2, s17  }
0x8e: {  	[smem:$0x3FBA] =	sst s2  }
0x8f: {  	_ = 	snop  }
0x90: {  	s2 =	sld [smem:$0x3FD0];
	(tm) =	ssettm $0x1  }
0x91: {  	s18 =	sld [smem:$0x3FFB];
	_ =	sdelay $0x3  }
0x92: {  	_ =	strace s18  }
0x93: {  	s3 =	sld [smem:$0x3FFC];
	_ =	sdelay $0x3  }
0x94: {  	_ =	strace s3  }
0x95: {  	s3 =	sld [smem:$0x3FFD];
	_ =	sdelay $0x3  }
0x96: {  	_ =	strace s3  }
0x97: {  	_ =	strace $0x8FFFFFFF  }
0x98: {  	s19 =	sld [smem:$0x3FDB];
	_ =	sdelay $0x1  }
0x99: {  	s4 =	simm.s32 $_scs_section_size  }
0x9a: {  	s5 =	simm.s32 $_size__tile_overlayer_lowered;
	s6 =	simm.s32 $_tile_overlayer_lowered  }
0x9b: {  	s22 =	simm.s32 $0x1BFF;
	s21 =	sshll.u32 s6, $0x1;
	s3 =	sadd.s32 s4, s19  }
0x9c: {  	s7 =	simm.s32 $0x0;
	s20 =	sshll.u32 s5, $0x1;
	s5 =	sadd.s32 s21, s3  }
0x9d: {  	[timem:s7], [sflag:s22] =	dma.local [hbm:s5], s20  }
0x9e: {  	_ =	swait.ge [sflag:s22], s20  }
0x9f: {  	s4 =	ssub.s32 $0x0, s20;
	[sflag:s22] =	ssyncset.done $0x0  }
0xa0: {  	[sflag:s22] =	ssyncadd.s32 s4;
	_ =	sdelay $0x1  }
0xa1: {  	s23 =	simm.s32 $0x1B8B  }
0xa2: {  	_ =	swait.ge [sflag:s23], $0x1  }
0xa3: {  	[sflag:s23] =	ssyncset.done $0x0  }
0xa4: {  	s25 =	simm.s32 $0x1B8E;
	s24 =	sld [smem:$0x3FFE];
	[sflag:s23] =	ssyncadd.s32 $0xFFFFFFFF  }
0xa5: {  	s26 =	simm.s32 $execute0_lowered;
	[smem:$0x3FD2] =	sst s25  }
0xa6: {  	s5 =	sshll.u32 s26, $0x1;
	_ =	strace $0x80000049;
	[dreg:$0x1] =	wrdreg $0xFFFFFFFF  }
0xa7: {  	s28 =	simm.s32 $_size_execute0_lowered;
	s3 =	sadd.s32 s3, s5;
	[dreg:$0x0] =	wrdreg $0x0  }
0xa8: {  	s5 =	sshll.u32 s28, $0x1;
	[dreg:$0x2] =	wrdreg s3  }
0xa9: {  	[dreg:$0x3] =	wrdreg s5  }
0xaa: {  	[dreg:$0x4] =	wrdreg $0xC0  }
0xab: {  	_ =	task [dreg:s7], $0x5FFFF  }
0xac: {  	[dreg:$0x1] =	wrdreg $0xFFFFFFFF  }
0xad: {  	[dreg:$0x0] =	wrdreg $0x60  }
0xae: {  	[dreg:$0x2] =	wrdreg s24  }
0xaf: {  	[dreg:$0x3] =	wrdreg s2  }
0xb0: {  	[dreg:$0x4] =	wrdreg $0x98000  }
0xb1: {  	[dreg:$0x5] =	wrdreg $0x9  }
0xb2: {  	_ =	task.clear_ibuf [dreg:s7], $0x6FFFF;
	_ =	strace $0x90000049  }
0xb3: {  	s29 =	simm.s32 $0x9;
	_ =	strace $0x8000004B  }
0xb4: {  	_ =	swait.ge [sflag:s29], $0x1  }
0xb5: {  	[sflag:s29] =	ssyncadd.s32 $0xFFFFFFFF  }
0xb6: {  	_ =	strace $0x9000004B  }
0xb7: {  	_ =	sfence  }
0xb8: {  	s30 =	sld [smem:$0x0];
	_ =	sdelay $0x2  }
0xb9: {  	s31 =	sshll.u32 s1, $0xD;
	s1 =	sshrl.u32 s1, $0x2  }
0xba: {  	s3 =	sand.u32 $0x4000, s31;
	s1 =	sadd.s32 s1, s30  }
0xbb: {  	s0 =	sor.u32 s3, s0;
	s1 =	sshll.u32 s1, $0x11  }
0xbc: {  	s0 =	sor.u32 s1, s0  }
0xbd: {  	s0 =	sadd.s32 $0x8F2B, s0  }
0xbe: {  	[sflag:s0] =	ssyncadd.remote.s32 $0x1  }
0xbf: {  	_ =	sfence.sel $0xFFFF  }
0xc0: {  	[dreg:$0x0] =	wrdreg $0xFFFFFFFF;
	(pc) =	sbr.abs _section_cstart, $3  }
0xc1: {  	[dreg:$0x1] =	wrdreg $0xFFFFFFFF  }
0xc2: {  	_ =	task.clear_ibuf [dreg:s7], $0x2FFFF;
	_ =	strace $0x9FFFFFFF  }
0xc3: {  	(tm) =	ssettm $0x7FFFFFFF  }
tec
execute0_lowered:
.L_overlay_start_1:
0x0: {  	(tag) =	ssettag $0x1  }
0x1: {  	s0 =	srdreg.scid;
	s1 =	rddreg [dreg:$0x0]  }
0x2: {  	s4 =	stileid.u32;
	s6 =	rddreg [dreg:$0x1]  }
0x3: {  	s19 =	simm.s32 $0x9000;
	s20 =	simm.s32 $0x9;
	s29 =	simm.s32 $0x7000  }
0x4: {  	s30 =	simm.s32 $0x1;
	s31 =	simm.s32 $0x5;
	s7 =	smul.u32 $0x14000, s4  }
0x5: {  	s28 =	simm.s32 $0x3;
	s0 =	sand.u32 $0x1, s0;
	s9 =	smul.u32 $0x5000, s4  }
0x6: {  	s2 =	sshll.u32 s0, $0x4;
	s8 =	smul.u32 $0x50000, s0;
	s0 =	ssub.s32 $0x2, s0  }
0x7: {  	s3 =	sor.u32 s4, s2;
	s2 =	rddreg [dreg:$0x2];
	s4 =	sadd.s32 $0x1A800, s1  }
0x8: {  	s10 =	sshrl.u32 s0, $0x1;
	s11 =	sshrl.u32 s7, $0x2;
	s5 =	smul.u32 $0x500, s3  }
0x9: {  	s3 =	simm.s32 $0x0;
	s0 =	ssub.s32 s0, s10;
	s12 =	sadd.s32 s9, s8  }
0xa: {  	s15 =	sadd.s32 s9, s2;
	s8 =	simm.s32 $0x7;
	[smem:$0x7FF] =	sst s3  }
0xb: {  	s7 =	sshrl.u32 s12, $0x3;
	s0 =	smax.u32 s0, $0x1;
	_ =	strace $0x8000004A  }
0xc: {  	s1 =	sadd.s32 s5, s1;
	s14 =	sadd.s32 s6, s7;
	[dreg:$0x7] =	wrdreg s0  }
0xd: {  	s9 =	simm.s32 $0x8;
	s13 =	sadd.s32 $0x3C00, s1;
	[dreg:$0x6] =	wrdreg s14  }
0xe: {  	s5 =	sadd.s32 s11, s2;
	s1 =	sadd.s32 $0xDC00, s1;
	[dreg:$0x4] =	wrdreg s13  }
0xf: {  	s0 =	simm.s32 $0x2;
	s21 =	sadd.s32 $0x800, s5;
	[dreg:$0x5] =	wrdreg s1  }
0x10: {  	s6 =	simm.s32 $0x6;
	s22 =	sadd.s32 $0x1000, s5;
	[dreg:$0x8] =	wrdreg s21  }
0x11: {  	s7 =	simm.s32 $0x4;
	s23 =	sadd.s32 $0x1800, s5;
	[dreg:$0x9] =	wrdreg s22  }
0x12: {  	s24 =	sadd.s32 $0x2000, s5;
	s25 =	sadd.s32 $0x2800, s5;
	[dreg:$0xa] =	wrdreg s23  }
.Ltmp0:
0x13: {  	s26 =	sadd.s32 $0x3000, s5;
	[dreg:$0xb] =	wrdreg s24;
	(pc) =	sbr.rel .LBB2_1-.Ltmp0, $4  }
0x14: {  	s16 =	sadd.s32 $0x3800, s5;
	s17 =	sadd.s32 $0x4000, s5;
	[dreg:$0xc] =	wrdreg s25  }
0x15: {  	s18 =	sadd.s32 $0x4800, s5;
	[dreg:$0xd] =	wrdreg s26;
	s21 =	simm.s32 $0xA  }
0x16: {  	s22 =	simm.s32 $0x2800;
	s23 =	simm.s32 $0x80;
	s24 =	simm.s32 $0x5000  }
0x17: {  	v0 =	vimm.f32 $0.0e+00;
	s25 =	sshrl.u32 s15, $0x3;
	s26 =	simm.s32 $0x6000;
	s1 =	simm.s32 $0x8000  }
.LBB2_6:
0x18: {  	_ =	swait.ge [sflag:s9], $0x1000  }
0x19: {  	[sflag:s9] =	ssyncset.done $0x0  }
0x1a: {  	s10 =	stileid.u32;
	[sflag:s9] =	ssyncadd.s32 $0xFFFFF000  }
0x1b: {  	s10 =	sshll.u32 s10, $0x6;
	[bflag:$0x0] =	sbarrier.arrive $0xFFFF  }
0x1c: {  	s10 =	sor.u32 $0x1C0A, s10;
	s11 =	rddreg [dreg:$0x6]  }
0x1d: {  	[hbm:s11], [sflag:s10] =	dma.local [spmem:s25], $0xA00  }
0x1e: {  	_ =	swait.ge [sflag:s21], $0xA00  }
0x1f: {  	s3 =	sadd.s32 $0x1, s3;
	s15 =	rddreg [dreg:$0x7]  }
0x20: {  	p0 =	sne.s32 s3, s15  }
.Ltmp1:
0x21: {  	_ = 	snop;
	(pc) =	sbr.rel @!p0 .LBB2_7-.Ltmp1, $3  }
0x22: {  	_ =	sdelay $0x1  }
0x23: {  	[sflag:s21] =	ssyncset.done $0x0  }
0x24: {  	[sflag:s21] =	ssyncadd.s32 $0xFFFFF600  }
.LBB2_1:
0x25: {  	s10 =	simm.s32 $0x80;
	s11 =	simm.s32 $0x0  }
.LBB2_2:
0x26: {  	p0 =	sne.s32 s10, $0x1F80;
	[tilespmem:s11+$0x9000] =	vst v0;
	s12 =	smov.u32 s10;
	s10 =	sadd.s32 $0x80, s10  }
.Ltmp2:
0x27: {  	[tilespmem:s11+$0x9010] =	vst v0;
	(pc) =	sbr.rel @p0 .LBB2_2-.Ltmp2, $2  }
0x28: {  	_ =	sdelay $0x2  }
0x29: {  	s11 =	sshra.s32 s12, $0x2  }
0x2a: {  	[tilespmem:s11+$0x9000] =	vst v0  }
0x2b: {  	[tilespmem:s11+$0x9010] =	vst v0  }
0x2c: {  	[spmem:s5] =	stream.linear.scatter [tilespmem:s19], [sflag:$0x9], $0x800, $0x38;
	[tilespmem:$0xE800] =	vst v63  }
0x2d: {  	s10 =	rddreg [dreg:$0x8]  }
0x2e: {  	[spmem:s10] =	stream.linear.scatter [tilespmem:s19], [sflag:$0x9], $0x800, $0x38;
	[tilespmem:$0xE800] =	vst v63  }
0x2f: {  	s14 =	rddreg [dreg:$0x9]  }
0x30: {  	[spmem:s14] =	stream.linear.scatter [tilespmem:s19], [sflag:$0x9], $0x800, $0x38;
	[tilespmem:$0xE800] =	vst v63  }
0x31: {  	s15 =	rddreg [dreg:$0xa]  }
0x32: {  	[spmem:s15] =	stream.linear.scatter [tilespmem:s19], [sflag:$0x9], $0x800, $0x38;
	[tilespmem:$0xE800] =	vst v63  }
0x33: {  	s11 =	rddreg [dreg:$0xb]  }
0x34: {  	[spmem:s11] =	stream.linear.scatter [tilespmem:s19], [sflag:$0x9], $0x800, $0x38;
	[tilespmem:$0xE800] =	vst v63  }
0x35: {  	s12 =	rddreg [dreg:$0xc]  }
0x36: {  	[spmem:s12] =	stream.linear.scatter [tilespmem:s19], [sflag:$0x9], $0x800, $0x38;
	[tilespmem:$0xE800] =	vst v63  }
0x37: {  	s13 =	rddreg [dreg:$0xd]  }
0x38: {  	[spmem:s13] =	stream.linear.scatter [tilespmem:s19], [sflag:$0x9], $0x800, $0x38;
	[tilespmem:$0xE800] =	vst v63  }
0x39: {  	_ = 	snop  }
0x3a: {  	[spmem:s16] =	stream.linear.scatter [tilespmem:s19], [sflag:$0x9], $0x800, $0x38;
	[tilespmem:$0xE800] =	vst v63  }
0x3b: {  	_ = 	snop  }
0x3c: {  	[spmem:s17] =	stream.linear.scatter [tilespmem:s19], [sflag:$0x9], $0x800, $0x38;
	[tilespmem:$0xE800] =	vst v63  }
0x3d: {  	_ = 	snop  }
0x3e: {  	[spmem:s18] =	stream.linear.scatter [tilespmem:s19], [sflag:$0x9], $0x800, $0x38;
	[tilespmem:$0xE800] =	vst v63  }
0x3f: {  	_ =	swait.ge [sflag:s20], $0x800  }
0x40: {  	[sflag:s20] =	ssyncset.done $0x0  }
0x41: {  	[sflag:s20] =	ssyncadd.s32 $0xFFFFF800  }
0x42: {  	_ =	swait.ge [sflag:s20], $0x800  }
0x43: {  	[sflag:s20] =	ssyncset.done $0x0  }
0x44: {  	[sflag:s20] =	ssyncadd.s32 $0xFFFFF800  }
0x45: {  	_ =	swait.ge [sflag:s20], $0x800  }
0x46: {  	[sflag:s20] =	ssyncset.done $0x0  }
0x47: {  	[sflag:s20] =	ssyncadd.s32 $0xFFFFF800  }
0x48: {  	_ =	swait.ge [sflag:s20], $0x800  }
0x49: {  	[sflag:s20] =	ssyncset.done $0x0  }
0x4a: {  	[sflag:s20] =	ssyncadd.s32 $0xFFFFF800  }
0x4b: {  	_ =	swait.ge [sflag:s20], $0x800  }
0x4c: {  	[sflag:s20] =	ssyncset.done $0x0  }
0x4d: {  	[sflag:s20] =	ssyncadd.s32 $0xFFFFF800  }
0x4e: {  	_ =	swait.ge [sflag:s20], $0x800  }
0x4f: {  	[sflag:s20] =	ssyncset.done $0x0  }
0x50: {  	[sflag:s20] =	ssyncadd.s32 $0xFFFFF800  }
0x51: {  	_ =	swait.ge [sflag:s20], $0x800  }
0x52: {  	[sflag:s20] =	ssyncset.done $0x0  }
0x53: {  	[sflag:s20] =	ssyncadd.s32 $0xFFFFF800  }
0x54: {  	_ =	swait.ge [sflag:s20], $0x800  }
0x55: {  	[sflag:s20] =	ssyncset.done $0x0  }
0x56: {  	[sflag:s20] =	ssyncadd.s32 $0xFFFFF800  }
0x57: {  	_ =	swait.ge [sflag:s20], $0x800  }
0x58: {  	[sflag:s20] =	ssyncset.done $0x0  }
0x59: {  	[sflag:s20] =	ssyncadd.s32 $0xFFFFF800  }
0x5a: {  	_ =	swait.ge [sflag:s20], $0x800  }
0x5b: {  	[sflag:s20] =	ssyncset.done $0x0  }
0x5c: {  	[sflag:s20] =	ssyncadd.s32 $0xFFFFF800  }
0x5d: {  	[bflag:$0x0] =	sbarrier.arrive $0xFFFF  }
0x5e: {  	s10 =	simm.s32 $0x0;
	s14 =	rddreg [dreg:$0x4]  }
0x5f: {  	[tilespmem:s10], [sflag:$0xA] =	stream.linear.gather [hbm4b:s14+s10], $0x2800, $0x38;
	[tilespmem:$0xE800] =	vst v63  }
0x60: {  	_ =	swait.ge [sflag:s21], $0x2800  }
0x61: {  	[sflag:s21] =	ssyncset.done $0x0  }
0x62: {  	s15 =	rddreg [dreg:$0x5];
	[sflag:s21] =	ssyncadd.s32 $0xFFFFD800  }
0x63: {  	[tilespmem:s22], [sflag:$0xA] =	stream.linear.gather [hbm4b:s15+s10], $0x2800, $0x38;
	[tilespmem:$0xE800] =	vst v63  }
0x64: {  	_ =	swait.ge [sflag:s21], $0x2800  }
0x65: {  	[sflag:s21] =	ssyncset.done $0x0  }
0x66: {  	[sflag:s21] =	ssyncadd.s32 $0xFFFFD800  }
0x67: {  	[tilespmem:s24], [sflag:$0x1] =	stream.indirect.gather [hbm4b:s4+s23], $0x20, s10, s23, $0xb8;
	[tilespmem:$0xE800] =	vst v63  }
0x68: {  	_ = 	snop  }
0x69: {  	[tilespmem:s26], [sflag:$0x2] =	stream.indirect.gather [hbm4b:s4+s23], $0x20, s23, s23, $0xb8;
	[tilespmem:$0xE800] =	vst v63  }
0x6a: {  	s12 =	simm.s32 $0x100  }
0x6b: {  	[tilespmem:s29], [sflag:$0x3] =	stream.indirect.gather [hbm4b:s4+s23], $0x20, s12, s23, $0xb8;
	[tilespmem:$0xE800] =	vst v63  }
0x6c: {  	_ =	swait.ge [sflag:s30], $0x1000  }
0x6d: {  	[sflag:s30] =	ssyncset.done $0x0  }
0x6e: {  	[sflag:s30] =	ssyncadd.s32 $0xFFFFF000  }
0x6f: {  	[spmem:s2] =	stream.indirect.scatter.add.f32 [tilespmem:s24], [sflag:$0x5], $0x20, s22, s23, $0xb8;
	[tilespmem:$0xE800] =	vst v63  }
0x70: {  	s13 =	simm.s32 $0x180  }
0x71: {  	[tilespmem:s1], [sflag:$0x4] =	stream.indirect.gather [hbm4b:s4+s23], $0x20, s13, s23, $0xb8;
	[tilespmem:$0xE800] =	vst v63  }
0x72: {  	_ =	swait.ge [sflag:s0], $0x1000  }
0x73: {  	[sflag:s0] =	ssyncset.done $0x0  }
0x74: {  	s14 =	simm.s32 $0x2880;
	[sflag:s0] =	ssyncadd.s32 $0xFFFFF000  }
0x75: {  	[spmem:s2] =	stream.indirect.scatter.add.f32 [tilespmem:s26], [sflag:$0x6], $0x20, s14, s23, $0xb8;
	[tilespmem:$0xE800] =	vst v63  }
0x76: {  	_ =	swait.ge [sflag:s31], $0x1000  }
0x77: {  	[sflag:s31] =	ssyncset.done $0x0  }
0x78: {  	s15 =	simm.s32 $0x200;
	[sflag:s31] =	ssyncadd.s32 $0xFFFFF000  }
0x79: {  	[tilespmem:s24], [sflag:$0x1] =	stream.indirect.gather [hbm4b:s4+s23], $0x20, s15, s23, $0xb8;
	[tilespmem:$0xE800] =	vst v63  }
0x7a: {  	_ =	swait.ge [sflag:s28], $0x1000  }
0x7b: {  	[sflag:s28] =	ssyncset.done $0x0  }
0x7c: {  	s12 =	simm.s32 $0x2900;
	[sflag:s28] =	ssyncadd.s32 $0xFFFFF000  }
0x7d: {  	[spmem:s2] =	stream.indirect.scatter.add.f32 [tilespmem:s29], [sflag:$0x7], $0x20, s12, s23, $0xb8;
	[tilespmem:$0xE800] =	vst v63  }
0x7e: {  	_ =	swait.ge [sflag:s6], $0x1000  }
0x7f: {  	[sflag:s6] =	ssyncset.done $0x0  }
0x80: {  	s13 =	simm.s32 $0x280;
	[sflag:s6] =	ssyncadd.s32 $0xFFFFF000  }
0x81: {  	[tilespmem:s26], [sflag:$0x2] =	stream.indirect.gather [hbm4b:s4+s23], $0x20, s13, s23, $0xb8;
	[tilespmem:$0xE800] =	vst v63  }
0x82: {  	_ =	swait.ge [sflag:s7], $0x1000  }
0x83: {  	[sflag:s7] =	ssyncset.done $0x0  }
0x84: {  	s14 =	simm.s32 $0x2980;
	[sflag:s7] =	ssyncadd.s32 $0xFFFFF000  }
0x85: {  	[spmem:s2] =	stream.indirect.scatter.add.f32 [tilespmem:s1], [sflag:$0x8], $0x20, s14, s23, $0xb8;
	[tilespmem:$0xE800] =	vst v63  }
0x86: {  	_ =	swait.ge [sflag:s8], $0x1000  }
0x87: {  	[sflag:s8] =	ssyncset.done $0x0  }
0x88: {  	s15 =	simm.s32 $0x300;
	[sflag:s8] =	ssyncadd.s32 $0xFFFFF000  }
0x89: {  	[tilespmem:s29], [sflag:$0x3] =	stream.indirect.gather [hbm4b:s4+s23], $0x20, s15, s23, $0xb8;
	[tilespmem:$0xE800] =	vst v63  }
.LBB2_4:
0x8a: {  	_ =	swait.ge [sflag:s30], $0x1000  }
0x8b: {  	s11 =	sshra.s32 s10, $0x2;
	[sflag:s30] =	ssyncset.done $0x0  }
0x8c: {  	s12 =	sadd.s32 $0x2A00, s11;
	[sflag:s30] =	ssyncadd.s32 $0xFFFFF000  }
0x8d: {  	[spmem:s2] =	stream.indirect.scatter.add.f32 [tilespmem:s24], [sflag:$0x5], $0x20, s12, s23, $0xb8;
	[tilespmem:$0xE800] =	vst v63  }
0x8e: {  	_ =	swait.ge [sflag:s9], $0x1000  }
0x8f: {  	[sflag:s9] =	ssyncset.done $0x0  }
0x90: {  	s13 =	sadd.s32 $0x380, s11;
	[sflag:s9] =	ssyncadd.s32 $0xFFFFF000  }
0x91: {  	[tilespmem:s1], [sflag:$0x4] =	stream.indirect.gather [hbm4b:s4+s23], $0x20, s13, s23, $0xb8;
	[tilespmem:$0xE800] =	vst v63  }
0x92: {  	_ =	swait.ge [sflag:s0], $0x1000  }
0x93: {  	[sflag:s0] =	ssyncset.done $0x0  }
0x94: {  	s14 =	sadd.s32 $0x2A80, s11;
	[sflag:s0] =	ssyncadd.s32 $0xFFFFF000  }
0x95: {  	[spmem:s2] =	stream.indirect.scatter.add.f32 [tilespmem:s26], [sflag:$0x6], $0x20, s14, s23, $0xb8;
	[tilespmem:$0xE800] =	vst v63  }
0x96: {  	_ =	swait.ge [sflag:s31], $0x1000  }
0x97: {  	p0 =	seq.s32 s10, $0x9000;
	[sflag:s31] =	ssyncset.done $0x0  }
0x98: {  	s12 =	simm.s32 @p0 $0x3;
	[sflag:s31] =	ssyncadd.s32 $0xFFFFF000  }
0x99: {  	_ =	swait.ge @p0 [sflag:s12], $0x1000  }
0x9a: {  	[sflag:s12] =	ssyncset.done @p0 $0x0  }
0x9b: {  	[sflag:s12] =	ssyncadd.s32 @p0 $0xFFFFF000;
	s12 =	sshra.s32 @p0 s10, $0x2  }
0x9c: {  	s13 =	simm.s32 @p0 $0x80;
	s14 =	simm.s32 @p0 $0x7000;
	s12 =	sadd.s32 @p0 $0x2B00, s12  }
0x9d: {  	[spmem:s2] =	stream.indirect.scatter.add.f32 @p0 [tilespmem:s14], [sflag:$0x7], $0x20, s12, s13, $0xb8;
	[tilespmem:$0xE800] =	vst v63  }
0x9e: {  	s12 =	simm.s32 @p0 $0x6  }
0x9f: {  	_ =	swait.ge @p0 [sflag:s12], $0x1000  }
0xa0: {  	[sflag:s12] =	ssyncset.done @p0 $0x0  }
0xa1: {  	[sflag:s12] =	ssyncadd.s32 @p0 $0xFFFFF000;
	s12 =	sshra.s32 @!p0 s10, $0x2  }
0xa2: {  	s15 =	simm.s32 @!p0 $0x5000;
	s14 =	simm.s32 @!p0 $0x80;
	s13 =	sadd.s32 @!p0 $0x400, s12  }
0xa3: {  	[tilespmem:s15], [sflag:$0x1] =	stream.indirect.gather @!p0 [hbm4b:s4+s14], $0x20, s13, s14, $0xb8;
	[tilespmem:$0xE800] =	vst v63  }
0xa4: {  	s13 =	simm.s32 @!p0 $0x3  }
0xa5: {  	_ =	swait.ge @!p0 [sflag:s13], $0x1000  }
0xa6: {  	[sflag:s13] =	ssyncset.done @!p0 $0x0  }
0xa7: {  	s15 =	simm.s32 @!p0 $0x7000;
	[sflag:s13] =	ssyncadd.s32 @!p0 $0xFFFFF000;
	s13 =	sadd.s32 @!p0 $0x2B00, s12  }
0xa8: {  	[spmem:s2] =	stream.indirect.scatter.add.f32 @!p0 [tilespmem:s15], [sflag:$0x7], $0x20, s13, s14, $0xb8;
	[tilespmem:$0xE800] =	vst v63  }
0xa9: {  	s13 =	simm.s32 @!p0 $0x6  }
0xaa: {  	_ =	swait.ge @!p0 [sflag:s13], $0x1000  }
0xab: {  	[sflag:s13] =	ssyncset.done @!p0 $0x0  }
0xac: {  	s12 =	sadd.s32 @!p0 $0x480, s12;
	[sflag:s13] =	ssyncadd.s32 @!p0 $0xFFFFF000;
	s13 =	simm.s32 @!p0 $0x6000  }
0xad: {  	[tilespmem:s13], [sflag:$0x2] =	stream.indirect.gather @!p0 [hbm4b:s4+s14], $0x20, s12, s14, $0xb8;
	[tilespmem:$0xE800] =	vst v63  }
0xae: {  	_ =	swait.ge [sflag:s7], $0x1000  }
0xaf: {  	[sflag:s7] =	ssyncset.done $0x0  }
.Ltmp3:
0xb0: {  	s15 =	sadd.s32 $0x2B80, s11;
	[sflag:s7] =	ssyncadd.s32 $0xFFFFF000;
	(pc) =	sbr.rel @p0 .LBB2_6-.Ltmp3, $4  }
0xb1: {  	[spmem:s2] =	stream.indirect.scatter.add.f32 [tilespmem:s1], [sflag:$0x8], $0x20, s15, s23, $0xb8;
	[tilespmem:$0xE800] =	vst v63  }
0xb2: {  	_ =	swait.ge [sflag:s8], $0x1000  }
0xb3: {  	[sflag:s8] =	ssyncset.done $0x0  }
0xb4: {  	[sflag:s8] =	ssyncadd.s32 $0xFFFFF000  }
.Ltmp4:
0xb5: {  	(pc) =	sbr.rel .LBB2_4-.Ltmp4, $3  }
0xb6: {  	_ =	sdelay $0x1  }
0xb7: {  	s11 =	sadd.s32 $0x500, s11;
	s10 =	sadd.s32 $0x800, s10  }
0xb8: {  	[tilespmem:s29], [sflag:$0x3] =	stream.indirect.gather [hbm4b:s4+s23], $0x20, s11, s23, $0xb8;
	[tilespmem:$0xE800] =	vst v63  }
.LBB2_7:
0xb9: {  	_ =	sfence.sel $0x180000  }
0xba: {  	[bflag:$0x0] =	sbarrier.arrive $0xFFFF  }
0xbb: {  	_ =	strace $0x9000004A  }
0xbc: {  	s0 =	stileid.u32;
	[bflag:$0x2] =	sbarrier.arrive $0xFFFF  }
0xbd: {  	p0 =	sne.s32 s0, $0x0;
	s0 =	rddreg [dreg:$0x3]  }
0xbe: {  	s0 =	sadd.s32 @!p0 $0x100000, s0  }
0xbf: {  	[sflag:s0] =	ssyncadd.tile.s32 @!p0 $0x1;
	_ =	shalt  }
.Lfunc_end2:
_tile_overlayer_lowered:
.L_overlay_start_2:
0xc0: {  	(tag) =	ssettag $0x2  }
0xc1: {  	s0 =	rddreg [dreg:$0x0];
	s2 =	stileid.u32  }
0xc2: {  	s1 =	rddreg [dreg:$0x1];
	p0 =	sne.s32 s2, $0x0  }
0xc3: {  	s3 =	rddreg [dreg:$0x2];
	[bflag:$0x3] =	sbarrier.arrive $0xFFFF;
	s2 =	simm.s32 @!p0 $0x1C0A  }
0xc4: {  	[timem:s3], [sflag:s2] =	dma.local @!p0 [hbm:s0], s1  }
0xc5: {  	s0 =	simm.s32 @!p0 $0xA  }
0xc6: {  	_ =	swait.ge @!p0 [sflag:s0], s1  }
0xc7: {  	s1 =	ssub.s32 @!p0 $0x0, s1;
	[sflag:s0] =	ssyncset.done @!p0 $0x0  }
0xc8: {  	[sflag:s0] =	ssyncadd.s32 @!p0 s1  }
0xc9: {  	[bflag:$0x3] =	sbarrier.arrive $0xFFFF  }
0xca: {  	_ =	shalt  }

// kernel: kernel.17.cloned.1.call-start
scs
__scs_entry_jumppad:
0x0: {  	(pc) =	sbr.rel $0x88, $3  }
0x1: {  	(tag) =	ssettag $0x0;
	lr =	simm.s32 $0x1  }
0x2: {  	[smem:$0x3F93] =	sst lr;
	_ =	strace $0xD0000000  }
0x3: {  	_ = 	snop  }
0x4: {  	_ = 	snop  }
0x5: {  	_ = 	snop  }
0x6: {  	_ = 	snop  }
0x7: {  	_ = 	snop  }
__scs_overlays_trampoline_lowered:
0x8: {  	[smem:$0x3FA2] =	sst s0  }
0x9: {  	[smem:$0x3FA3] =	sst s1  }
0xa: {  	[smem:$0x3FA4] =	sst s2  }
0xb: {  	[smem:$0x3FA5] =	sst s3  }
0xc: {  	[smem:$0x3FA6] =	sst s4  }
0xd: {  	[smem:$0x3FA7] =	sst s5  }
0xe: {  	[smem:$0x3FA8] =	sst s6  }
0xf: {  	[smem:$0x3FA9] =	sst s7  }
0x10: {  	[smem:$0x3FAA] =	sst s8  }
0x11: {  	[smem:$0x3FAB] =	sst s9;
	s0 =	simm.s32 @!p0 $0x0  }
0x12: {  	s1 =	sld [smem:$0x3F91];
	s0 =	simm.s32 @p0 $0x1  }
0x13: {  	[smem:$0x3FAC] =	sst s0;
	s0 =	simm.s32 @!p1 $0x0  }
0x14: {  	s2 =	sld [smem:$0x3F90];
	s0 =	simm.s32 @p1 $0x1  }
0x15: {  	[smem:$0x3FAD] =	sst s0;
	s0 =	simm.s32 @!p2 $0x0  }
0x16: {  	s3 =	sld [smem:$0x3FDB];
	s0 =	simm.s32 @p2 $0x1  }
0x17: {  	s4 =	simm.s32 $0x1BF5;
	[smem:$0x3FAF] =	sst s0  }
0x18: {  	s0 =	sld [smem:$0x3F92];
	_ =	swait.ge [sflag:s4], $0x0  }
0x19: {  	s7 =	sld [smem:$0x3F93]  }
0x1a: {  	s8 =	sadd.s32 $0xFFFFE003, lr  }
0x1b: {  	s9 =	sadd.s32 $0xFFFFFEF7, lr;
	s5 =	simm.s32 $0xFFFFFFFF;
	p2 =	slt.u32 s8, $0xFFFFF086  }
0x1c: {  	p1 =	slt.u32 s9, $0xF7A;
	s5 =	simm.s32 @!p2 $0x0  }
0x1d: {  	s5 =	simm.s32 @p1 $0x1;
	p0 =	seq.s32 s7, s2  }
0x1e: {  	s7 =	smul.u32 @!p0 $0xF7A, s2;
	p2 =	seq.s32 @!p0 s5, $0x0  }
0x1f: {  	s9 =	smul.u32 $0xF7A, s1;
	s8 =	simm.s32 @!p0 $0x1BF5;
	p2 =	por !p2, p0  }
0x20: {  	[sflag:s8] =	ssyncset.s32 @!p0 $0xFFFFF086;
	s6 =	sadd.s32 @!p0 s3, s7;
	s7 =	simm.s32 @!p0 $0x108  }
0x21: {  	s3 =	sadd.s32 s3, s9;
	s6 =	sadd.s32 @!p0 $0x88, s6;
	s7 =	simm.s32 @p2 $0x1082  }
0x22: {  	[simem:s7], [sflag:s8] =	dma.local @!p0 [hbm:s6], $0xF7A  }
0x23: {  	s9 =	sor.u32 $0xD0000000, s2;
	s6 =	simm.s32 $0x108;
	_ =	swait.ge @!p0 [sflag:s8], $0x0  }
0x24: {  	s3 =	sadd.s32 $0x88, s3;
	s6 =	simm.s32 @!p1 $0x1082;
	[sflag:s4] =	ssyncset.s32 $0xFFFFF086  }
0x25: {  	[simem:s6], [sflag:s4] =	dma.local [hbm:s3], $0xF7A  }
0x26: {  	[smem:$0x3F93] =	sst s1;
	(tag) =	ssettag s2;
	_ =	strace s9  }
0x27: {  	s1 =	sld [smem:$0x3FA3]  }
0x28: {  	s2 =	sld [smem:$0x3FA4]  }
0x29: {  	s4 =	sld [smem:$0x3FA6]  }
0x2a: {  	p0 =	seq.s32 s5, $0x0;
	s5 =	sld [smem:$0x3FA7]  }
0x2b: {  	s6 =	sld [smem:$0x3FA8]  }
0x2c: {  	s7 =	sld [smem:$0x3FA9]  }
0x2d: {  	s3 =	simm.s32 $0x108;
	s8 =	sld [smem:$0x3FAA]  }
0x2e: {  	s3 =	simm.s32 @!p0 $0x1082;
	s9 =	sld [smem:$0x3FAB]  }
0x2f: {  	lr =	sadd.s32 s0, s3;
	s0 =	sld [smem:$0x3FA2]  }
0x30: {  	s3 =	sld [smem:$0x3FA5]  }
0x31: {  	[smem:$0x3FAE] =	sst s10  }
0x32: {  	s10 =	sld [smem:$0x3FAC];
	_ =	sdelay $0x3  }
0x33: {  	p0 =	seq.s32 s10, $0x1;
	s10 =	sld [smem:$0x3FAE];
	_ =	sdelay $0x3  }
0x34: {  	[smem:$0x3FAE] =	sst s10  }
0x35: {  	s10 =	sld [smem:$0x3FAD];
	_ =	sdelay $0x3  }
0x36: {  	p1 =	seq.s32 s10, $0x1;
	s10 =	sld [smem:$0x3FAE];
	_ =	sdelay $0x3  }
0x37: {  	[smem:$0x3FAE] =	sst s10  }
0x38: {  	s10 =	sld [smem:$0x3FAF]  }
0x39: {  	_ = 	snop;
	(pc) =	sbr.ind lr, $3  }
0x3a: {  	_ = 	snop  }
0x3b: {  	_ = 	snop  }
0x3c: {  	p2 =	seq.s32 s10, $0x1;
	s10 =	sld [smem:$0x3FAE]  }
0x3d: {  	_ =	shalt  }
0x3e: {  	_ =	shalt  }
0x3f: {  	_ =	shalt  }
0x40: {  	_ =	shalt  }
0x41: {  	_ =	shalt  }
0x42: {  	_ =	shalt  }
0x43: {  	_ =	shalt  }
0x44: {  	_ =	shalt  }
0x45: {  	_ =	shalt  }
0x46: {  	_ =	shalt  }
0x47: {  	_ =	shalt  }
0x48: {  	_ =	shalt  }
0x49: {  	_ =	shalt  }
0x4a: {  	_ =	shalt  }
0x4b: {  	_ =	shalt  }
0x4c: {  	_ =	shalt  }
0x4d: {  	_ =	shalt  }
0x4e: {  	_ =	shalt  }
0x4f: {  	_ =	shalt  }
0x50: {  	_ =	shalt  }
0x51: {  	_ =	shalt  }
0x52: {  	_ =	shalt  }
0x53: {  	_ =	shalt  }
0x54: {  	_ =	shalt  }
0x55: {  	_ =	shalt  }
0x56: {  	_ =	shalt  }
0x57: {  	_ =	shalt  }
0x58: {  	_ =	shalt  }
0x59: {  	_ =	shalt  }
0x5a: {  	_ =	shalt  }
0x5b: {  	_ =	shalt  }
0x5c: {  	_ =	shalt  }
0x5d: {  	_ =	shalt  }
0x5e: {  	_ =	shalt  }
0x5f: {  	_ =	shalt  }
0x60: {  	_ =	shalt  }
0x61: {  	_ =	shalt  }
0x62: {  	_ =	shalt  }
0x63: {  	_ =	shalt  }
0x64: {  	_ =	shalt  }
0x65: {  	_ =	shalt  }
0x66: {  	_ =	shalt  }
0x67: {  	_ =	shalt  }
0x68: {  	_ =	shalt  }
0x69: {  	_ =	shalt  }
0x6a: {  	_ =	shalt  }
0x6b: {  	_ =	shalt  }
0x6c: {  	_ =	shalt  }
0x6d: {  	_ =	shalt  }
0x6e: {  	_ =	shalt  }
0x6f: {  	_ =	shalt  }
0x70: {  	_ =	shalt  }
0x71: {  	_ =	shalt  }
0x72: {  	_ =	shalt  }
0x73: {  	_ =	shalt  }
0x74: {  	_ =	shalt  }
0x75: {  	_ =	shalt  }
0x76: {  	_ =	shalt  }
0x77: {  	_ =	shalt  }
0x78: {  	_ =	shalt  }
0x79: {  	_ =	shalt  }
0x7a: {  	_ =	shalt  }
0x7b: {  	_ =	shalt  }
0x7c: {  	_ =	shalt  }
0x7d: {  	_ =	shalt  }
0x7e: {  	_ =	shalt  }
0x7f: {  	_ =	shalt  }
0x80: {  	_ =	shalt  }
0x81: {  	_ =	shalt  }
0x82: {  	_ =	shalt  }
0x83: {  	_ =	shalt  }
0x84: {  	_ =	shalt  }
0x85: {  	_ =	shalt  }
0x86: {  	_ =	shalt  }
0x87: {  	_ =	shalt  }
.Lfunc_end0:
.L_simem_size_0:
called_computation.2_lowered:
.L_overlay_start_0:
0x88: {  	s2 =	sld [smem:$0x3FD9]  }
0x89: {  	s3 =	sld [smem:$0x3FFE];
	_ =	sdelay $0x1  }
0x8a: {  	s1 =	srdreg.scid  }
0x8b: {  	s0 =	sand.u32 $0x1, s1  }
0x8c: {  	s17 =	sshll.u32 s0, $0xA;
	s2 =	sadd.s32 s3, s2  }
0x8d: {  	s2 =	sadd.s32 s2, s17  }
0x8e: {  	[smem:$0x3FBA] =	sst s2  }
0x8f: {  	_ = 	snop  }
0x90: {  	s2 =	sld [smem:$0x3FD0];
	(tm) =	ssettm $0x1  }
0x91: {  	s18 =	sld [smem:$0x3FFB];
	_ =	sdelay $0x3  }
0x92: {  	_ =	strace s18  }
0x93: {  	s3 =	sld [smem:$0x3FFC];
	_ =	sdelay $0x3  }
0x94: {  	_ =	strace s3  }
0x95: {  	s3 =	sld [smem:$0x3FFD];
	_ =	sdelay $0x3  }
0x96: {  	_ =	strace s3  }
0x97: {  	_ =	strace $0x8FFFFFFF  }
0x98: {  	s19 =	sld [smem:$0x3FDB];
	_ =	sdelay $0x1  }
0x99: {  	s4 =	simm.s32 $_scs_section_size  }
0x9a: {  	s5 =	simm.s32 $_size__tile_overlayer_lowered;
	s6 =	simm.s32 $_tile_overlayer_lowered  }
0x9b: {  	s22 =	simm.s32 $0x1BFF;
	s21 =	sshll.u32 s6, $0x1;
	s3 =	sadd.s32 s4, s19  }
0x9c: {  	s7 =	simm.s32 $0x0;
	s20 =	sshll.u32 s5, $0x1;
	s5 =	sadd.s32 s21, s3  }
0x9d: {  	[timem:s7], [sflag:s22] =	dma.local [hbm:s5], s20  }
0x9e: {  	_ =	swait.ge [sflag:s22], s20  }
0x9f: {  	s4 =	ssub.s32 $0x0, s20;
	[sflag:s22] =	ssyncset.done $0x0  }
0xa0: {  	[sflag:s22] =	ssyncadd.s32 s4;
	_ =	sdelay $0x1  }
0xa1: {  	s23 =	simm.s32 $0x1B8B  }
0xa2: {  	_ =	swait.ge [sflag:s23], $0x1  }
0xa3: {  	[sflag:s23] =	ssyncset.done $0x0  }
0xa4: {  	s25 =	simm.s32 $0x1B8E;
	s24 =	sld [smem:$0x3FFE];
	[sflag:s23] =	ssyncadd.s32 $0xFFFFFFFF  }
0xa5: {  	s26 =	simm.s32 $execute0_lowered;
	[smem:$0x3FD2] =	sst s25  }
0xa6: {  	s5 =	sshll.u32 s26, $0x1;
	_ =	strace $0x8000004C;
	[dreg:$0x1] =	wrdreg $0xFFFFFFFF  }
0xa7: {  	s28 =	simm.s32 $_size_execute0_lowered;
	s3 =	sadd.s32 s3, s5;
	[dreg:$0x0] =	wrdreg $0x0  }
0xa8: {  	s5 =	sshll.u32 s28, $0x1;
	[dreg:$0x2] =	wrdreg s3  }
0xa9: {  	[dreg:$0x3] =	wrdreg s5  }
0xaa: {  	[dreg:$0x4] =	wrdreg $0xC0  }
0xab: {  	_ =	task [dreg:s7], $0x5FFFF  }
0xac: {  	[dreg:$0x1] =	wrdreg $0xFFFFFFFF  }
0xad: {  	[dreg:$0x0] =	wrdreg $0x60  }
0xae: {  	[dreg:$0x2] =	wrdreg s24  }
0xaf: {  	[dreg:$0x3] =	wrdreg s2  }
0xb0: {  	[dreg:$0x4] =	wrdreg $0x74000  }
0xb1: {  	[dreg:$0x5] =	wrdreg $0x9  }
0xb2: {  	_ =	task.clear_ibuf [dreg:s7], $0x6FFFF;
	_ =	strace $0x9000004C  }
0xb3: {  	s29 =	simm.s32 $0x9;
	_ =	strace $0x8000004E  }
0xb4: {  	_ =	swait.ge [sflag:s29], $0x1  }
0xb5: {  	[sflag:s29] =	ssyncadd.s32 $0xFFFFFFFF  }
0xb6: {  	_ =	strace $0x9000004E  }
0xb7: {  	_ =	sfence  }
0xb8: {  	s30 =	sld [smem:$0x0];
	_ =	sdelay $0x2  }
0xb9: {  	s31 =	sshll.u32 s1, $0xD;
	s1 =	sshrl.u32 s1, $0x2  }
0xba: {  	s3 =	sand.u32 $0x4000, s31;
	s1 =	sadd.s32 s1, s30  }
0xbb: {  	s0 =	sor.u32 s3, s0;
	s1 =	sshll.u32 s1, $0x11  }
0xbc: {  	s0 =	sor.u32 s1, s0  }
0xbd: {  	s0 =	sadd.s32 $0x8F2B, s0  }
0xbe: {  	[sflag:s0] =	ssyncadd.remote.s32 $0x1  }
0xbf: {  	_ =	sfence.sel $0xFFFF  }
0xc0: {  	[dreg:$0x0] =	wrdreg $0xFFFFFFFF;
	(pc) =	sbr.abs _section_cstart, $3  }
0xc1: {  	[dreg:$0x1] =	wrdreg $0xFFFFFFFF  }
0xc2: {  	_ =	task.clear_ibuf [dreg:s7], $0x2FFFF;
	_ =	strace $0x9FFFFFFF  }
0xc3: {  	(tm) =	ssettm $0x7FFFFFFF  }
tec
execute0_lowered:
.L_overlay_start_1:
0x0: {  	(tag) =	ssettag $0x1  }
0x1: {  	s0 =	srdreg.scid;
	s1 =	rddreg [dreg:$0x0]  }
0x2: {  	s4 =	stileid.u32;
	s6 =	rddreg [dreg:$0x1]  }
0x3: {  	s19 =	simm.s32 $0x7000;
	s20 =	simm.s32 $0x9;
	s29 =	simm.s32 $0x6000  }
0x4: {  	s30 =	simm.s32 $0x1;
	s31 =	simm.s32 $0x5;
	s7 =	smul.u32 $0xA000, s4  }
0x5: {  	s28 =	simm.s32 $0x3;
	s0 =	sand.u32 $0x1, s0;
	s9 =	smul.u32 $0x2800, s4  }
0x6: {  	s2 =	sshll.u32 s0, $0x4;
	s8 =	smul.u32 $0x28000, s0;
	s0 =	ssub.s32 $0x2, s0  }
0x7: {  	s3 =	sor.u32 s4, s2;
	s2 =	rddreg [dreg:$0x2];
	s4 =	sadd.s32 $0x1A800, s1  }
0x8: {  	s10 =	sshrl.u32 s0, $0x1;
	s11 =	sshrl.u32 s7, $0x2;
	s5 =	smul.u32 $0x500, s3  }
0x9: {  	s3 =	simm.s32 $0x0;
	s0 =	ssub.s32 s0, s10;
	s12 =	sadd.s32 s9, s8  }
0xa: {  	s15 =	sadd.s32 s9, s2;
	s8 =	simm.s32 $0x7;
	[smem:$0x7FF] =	sst s3  }
0xb: {  	s7 =	sshrl.u32 s12, $0x3;
	s0 =	smax.u32 s0, $0x1;
	_ =	strace $0x8000004D  }
0xc: {  	s1 =	sadd.s32 s5, s1;
	s14 =	sadd.s32 s6, s7;
	[dreg:$0x7] =	wrdreg s0  }
0xd: {  	s9 =	simm.s32 $0x8;
	s13 =	sadd.s32 $0x3C00, s1;
	[dreg:$0x6] =	wrdreg s14  }
0xe: {  	s5 =	sadd.s32 s11, s2;
	s1 =	sadd.s32 $0xDC00, s1;
	[dreg:$0x4] =	wrdreg s13  }
0xf: {  	s0 =	simm.s32 $0x2;
	s21 =	sadd.s32 $0x400, s5;
	[dreg:$0x5] =	wrdreg s1  }
0x10: {  	s6 =	simm.s32 $0x6;
	s22 =	sadd.s32 $0x800, s5;
	[dreg:$0x8] =	wrdreg s21  }
0x11: {  	s7 =	simm.s32 $0x4;
	s23 =	sadd.s32 $0xC00, s5;
	[dreg:$0x9] =	wrdreg s22  }
0x12: {  	s24 =	sadd.s32 $0x1000, s5;
	s25 =	sadd.s32 $0x1400, s5;
	[dreg:$0xa] =	wrdreg s23  }
.Ltmp0:
0x13: {  	s26 =	sadd.s32 $0x1800, s5;
	[dreg:$0xb] =	wrdreg s24;
	(pc) =	sbr.rel .LBB2_1-.Ltmp0, $4  }
0x14: {  	s16 =	sadd.s32 $0x1C00, s5;
	s17 =	sadd.s32 $0x2000, s5;
	[dreg:$0xc] =	wrdreg s25  }
0x15: {  	s18 =	sadd.s32 $0x2400, s5;
	[dreg:$0xd] =	wrdreg s26;
	s21 =	simm.s32 $0xA  }
0x16: {  	s22 =	simm.s32 $0x2800;
	s23 =	simm.s32 $0x80;
	s24 =	simm.s32 $0x5000  }
0x17: {  	v0 =	vimm.f32 $0.0e+00;
	s25 =	sshrl.u32 s15, $0x3;
	s26 =	simm.s32 $0x5800;
	s1 =	simm.s32 $0x6800  }
.LBB2_6:
0x18: {  	_ =	swait.ge [sflag:s9], $0x800  }
0x19: {  	[sflag:s9] =	ssyncset.done $0x0  }
0x1a: {  	s10 =	stileid.u32;
	[sflag:s9] =	ssyncadd.s32 $0xFFFFF800  }
0x1b: {  	s10 =	sshll.u32 s10, $0x6;
	[bflag:$0x0] =	sbarrier.arrive $0xFFFF  }
0x1c: {  	s10 =	sor.u32 $0x1C0A, s10;
	s11 =	rddreg [dreg:$0x6]  }
0x1d: {  	[hbm:s11], [sflag:s10] =	dma.local [spmem:s25], $0x500  }
0x1e: {  	_ =	swait.ge [sflag:s21], $0x500  }
0x1f: {  	s3 =	sadd.s32 $0x1, s3;
	s15 =	rddreg [dreg:$0x7]  }
0x20: {  	p0 =	sne.s32 s3, s15  }
.Ltmp1:
0x21: {  	_ = 	snop;
	(pc) =	sbr.rel @!p0 .LBB2_7-.Ltmp1, $3  }
0x22: {  	_ =	sdelay $0x1  }
0x23: {  	[sflag:s21] =	ssyncset.done $0x0  }
0x24: {  	[sflag:s21] =	ssyncadd.s32 $0xFFFFFB00  }
.LBB2_1:
0x25: {  	s10 =	simm.s32 $0x40;
	s11 =	simm.s32 $0x0  }
.LBB2_2:
0x26: {  	p0 =	sne.s32 s10, $0xFC0;
	[tilespmem:s11+$0x7000] =	vst v0;
	s11 =	smov.u32 s10;
	s10 =	sadd.s32 $0x40, s10  }
.Ltmp2:
0x27: {  	(pc) =	sbr.rel @p0 .LBB2_2-.Ltmp2, $2  }
0x28: {  	_ =	sdelay $0x2  }
0x29: {  	s11 =	sshra.s32 s11, $0x2  }
0x2a: {  	[tilespmem:s11+$0x7000] =	vst v0  }
0x2b: {  	[spmem:s5] =	stream.linear.scatter [tilespmem:s19], [sflag:$0x9], $0x400, $0x38;
	[tilespmem:$0x9C00] =	vst v63  }
0x2c: {  	s10 =	rddreg [dreg:$0x8]  }
0x2d: {  	[spmem:s10] =	stream.linear.scatter [tilespmem:s19], [sflag:$0x9], $0x400, $0x38;
	[tilespmem:$0x9C00] =	vst v63  }
0x2e: {  	s14 =	rddreg [dreg:$0x9]  }
0x2f: {  	[spmem:s14] =	stream.linear.scatter [tilespmem:s19], [sflag:$0x9], $0x400, $0x38;
	[tilespmem:$0x9C00] =	vst v63  }
0x30: {  	s15 =	rddreg [dreg:$0xa]  }
0x31: {  	[spmem:s15] =	stream.linear.scatter [tilespmem:s19], [sflag:$0x9], $0x400, $0x38;
	[tilespmem:$0x9C00] =	vst v63  }
0x32: {  	s11 =	rddreg [dreg:$0xb]  }
0x33: {  	[spmem:s11] =	stream.linear.scatter [tilespmem:s19], [sflag:$0x9], $0x400, $0x38;
	[tilespmem:$0x9C00] =	vst v63  }
0x34: {  	s12 =	rddreg [dreg:$0xc]  }
0x35: {  	[spmem:s12] =	stream.linear.scatter [tilespmem:s19], [sflag:$0x9], $0x400, $0x38;
	[tilespmem:$0x9C00] =	vst v63  }
0x36: {  	s13 =	rddreg [dreg:$0xd]  }
0x37: {  	[spmem:s13] =	stream.linear.scatter [tilespmem:s19], [sflag:$0x9], $0x400, $0x38;
	[tilespmem:$0x9C00] =	vst v63  }
0x38: {  	_ = 	snop  }
0x39: {  	[spmem:s16] =	stream.linear.scatter [tilespmem:s19], [sflag:$0x9], $0x400, $0x38;
	[tilespmem:$0x9C00] =	vst v63  }
0x3a: {  	_ = 	snop  }
0x3b: {  	[spmem:s17] =	stream.linear.scatter [tilespmem:s19], [sflag:$0x9], $0x400, $0x38;
	[tilespmem:$0x9C00] =	vst v63  }
0x3c: {  	_ = 	snop  }
0x3d: {  	[spmem:s18] =	stream.linear.scatter [tilespmem:s19], [sflag:$0x9], $0x400, $0x38;
	[tilespmem:$0x9C00] =	vst v63  }
0x3e: {  	_ =	swait.ge [sflag:s20], $0x400  }
0x3f: {  	[sflag:s20] =	ssyncset.done $0x0  }
0x40: {  	[sflag:s20] =	ssyncadd.s32 $0xFFFFFC00  }
0x41: {  	_ =	swait.ge [sflag:s20], $0x400  }
0x42: {  	[sflag:s20] =	ssyncset.done $0x0  }
0x43: {  	[sflag:s20] =	ssyncadd.s32 $0xFFFFFC00  }
0x44: {  	_ =	swait.ge [sflag:s20], $0x400  }
0x45: {  	[sflag:s20] =	ssyncset.done $0x0  }
0x46: {  	[sflag:s20] =	ssyncadd.s32 $0xFFFFFC00  }
0x47: {  	_ =	swait.ge [sflag:s20], $0x400  }
0x48: {  	[sflag:s20] =	ssyncset.done $0x0  }
0x49: {  	[sflag:s20] =	ssyncadd.s32 $0xFFFFFC00  }
0x4a: {  	_ =	swait.ge [sflag:s20], $0x400  }
0x4b: {  	[sflag:s20] =	ssyncset.done $0x0  }
0x4c: {  	[sflag:s20] =	ssyncadd.s32 $0xFFFFFC00  }
0x4d: {  	_ =	swait.ge [sflag:s20], $0x400  }
0x4e: {  	[sflag:s20] =	ssyncset.done $0x0  }
0x4f: {  	[sflag:s20] =	ssyncadd.s32 $0xFFFFFC00  }
0x50: {  	_ =	swait.ge [sflag:s20], $0x400  }
0x51: {  	[sflag:s20] =	ssyncset.done $0x0  }
0x52: {  	[sflag:s20] =	ssyncadd.s32 $0xFFFFFC00  }
0x53: {  	_ =	swait.ge [sflag:s20], $0x400  }
0x54: {  	[sflag:s20] =	ssyncset.done $0x0  }
0x55: {  	[sflag:s20] =	ssyncadd.s32 $0xFFFFFC00  }
0x56: {  	_ =	swait.ge [sflag:s20], $0x400  }
0x57: {  	[sflag:s20] =	ssyncset.done $0x0  }
0x58: {  	[sflag:s20] =	ssyncadd.s32 $0xFFFFFC00  }
0x59: {  	_ =	swait.ge [sflag:s20], $0x400  }
0x5a: {  	[sflag:s20] =	ssyncset.done $0x0  }
0x5b: {  	[sflag:s20] =	ssyncadd.s32 $0xFFFFFC00  }
0x5c: {  	[bflag:$0x0] =	sbarrier.arrive $0xFFFF  }
0x5d: {  	s10 =	simm.s32 $0x0;
	s14 =	rddreg [dreg:$0x4]  }
0x5e: {  	[tilespmem:s10], [sflag:$0xA] =	stream.linear.gather [hbm4b:s14+s10], $0x2800, $0x38;
	[tilespmem:$0x9C00] =	vst v63  }
0x5f: {  	_ =	swait.ge [sflag:s21], $0x2800  }
0x60: {  	[sflag:s21] =	ssyncset.done $0x0  }
0x61: {  	s15 =	rddreg [dreg:$0x5];
	[sflag:s21] =	ssyncadd.s32 $0xFFFFD800  }
0x62: {  	[tilespmem:s22], [sflag:$0xA] =	stream.linear.gather [hbm4b:s15+s10], $0x2800, $0x38;
	[tilespmem:$0x9C00] =	vst v63  }
0x63: {  	_ =	swait.ge [sflag:s21], $0x2800  }
0x64: {  	[sflag:s21] =	ssyncset.done $0x0  }
0x65: {  	[sflag:s21] =	ssyncadd.s32 $0xFFFFD800  }
0x66: {  	[tilespmem:s24], [sflag:$0x1] =	stream.indirect.gather [hbm4b:s4+s23], $0x10, s10, s23, $0xb8;
	[tilespmem:$0x9C00] =	vst v63  }
0x67: {  	_ = 	snop  }
0x68: {  	[tilespmem:s26], [sflag:$0x2] =	stream.indirect.gather [hbm4b:s4+s23], $0x10, s23, s23, $0xb8;
	[tilespmem:$0x9C00] =	vst v63  }
0x69: {  	s12 =	simm.s32 $0x100  }
0x6a: {  	[tilespmem:s29], [sflag:$0x3] =	stream.indirect.gather [hbm4b:s4+s23], $0x10, s12, s23, $0xb8;
	[tilespmem:$0x9C00] =	vst v63  }
0x6b: {  	_ =	swait.ge [sflag:s30], $0x800  }
0x6c: {  	[sflag:s30] =	ssyncset.done $0x0  }
0x6d: {  	[sflag:s30] =	ssyncadd.s32 $0xFFFFF800  }
0x6e: {  	[spmem:s2] =	stream.indirect.scatter.add.f32 [tilespmem:s24], [sflag:$0x5], $0x10, s22, s23, $0xb8;
	[tilespmem:$0x9C00] =	vst v63  }
0x6f: {  	s13 =	simm.s32 $0x180  }
0x70: {  	[tilespmem:s1], [sflag:$0x4] =	stream.indirect.gather [hbm4b:s4+s23], $0x10, s13, s23, $0xb8;
	[tilespmem:$0x9C00] =	vst v63  }
0x71: {  	_ =	swait.ge [sflag:s0], $0x800  }
0x72: {  	[sflag:s0] =	ssyncset.done $0x0  }
0x73: {  	s14 =	simm.s32 $0x2880;
	[sflag:s0] =	ssyncadd.s32 $0xFFFFF800  }
0x74: {  	[spmem:s2] =	stream.indirect.scatter.add.f32 [tilespmem:s26], [sflag:$0x6], $0x10, s14, s23, $0xb8;
	[tilespmem:$0x9C00] =	vst v63  }
0x75: {  	_ =	swait.ge [sflag:s31], $0x800  }
0x76: {  	[sflag:s31] =	ssyncset.done $0x0  }
0x77: {  	s15 =	simm.s32 $0x200;
	[sflag:s31] =	ssyncadd.s32 $0xFFFFF800  }
0x78: {  	[tilespmem:s24], [sflag:$0x1] =	stream.indirect.gather [hbm4b:s4+s23], $0x10, s15, s23, $0xb8;
	[tilespmem:$0x9C00] =	vst v63  }
0x79: {  	_ =	swait.ge [sflag:s28], $0x800  }
0x7a: {  	[sflag:s28] =	ssyncset.done $0x0  }
0x7b: {  	s12 =	simm.s32 $0x2900;
	[sflag:s28] =	ssyncadd.s32 $0xFFFFF800  }
0x7c: {  	[spmem:s2] =	stream.indirect.scatter.add.f32 [tilespmem:s29], [sflag:$0x7], $0x10, s12, s23, $0xb8;
	[tilespmem:$0x9C00] =	vst v63  }
0x7d: {  	_ =	swait.ge [sflag:s6], $0x800  }
0x7e: {  	[sflag:s6] =	ssyncset.done $0x0  }
0x7f: {  	s13 =	simm.s32 $0x280;
	[sflag:s6] =	ssyncadd.s32 $0xFFFFF800  }
0x80: {  	[tilespmem:s26], [sflag:$0x2] =	stream.indirect.gather [hbm4b:s4+s23], $0x10, s13, s23, $0xb8;
	[tilespmem:$0x9C00] =	vst v63  }
0x81: {  	_ =	swait.ge [sflag:s7], $0x800  }
0x82: {  	[sflag:s7] =	ssyncset.done $0x0  }
0x83: {  	s14 =	simm.s32 $0x2980;
	[sflag:s7] =	ssyncadd.s32 $0xFFFFF800  }
0x84: {  	[spmem:s2] =	stream.indirect.scatter.add.f32 [tilespmem:s1], [sflag:$0x8], $0x10, s14, s23, $0xb8;
	[tilespmem:$0x9C00] =	vst v63  }
0x85: {  	_ =	swait.ge [sflag:s8], $0x800  }
0x86: {  	[sflag:s8] =	ssyncset.done $0x0  }
0x87: {  	s15 =	simm.s32 $0x300;
	[sflag:s8] =	ssyncadd.s32 $0xFFFFF800  }
0x88: {  	[tilespmem:s29], [sflag:$0x3] =	stream.indirect.gather [hbm4b:s4+s23], $0x10, s15, s23, $0xb8;
	[tilespmem:$0x9C00] =	vst v63  }
.LBB2_4:
0x89: {  	_ =	swait.ge [sflag:s30], $0x800  }
0x8a: {  	s11 =	sshra.s32 s10, $0x2;
	[sflag:s30] =	ssyncset.done $0x0  }
0x8b: {  	s12 =	sadd.s32 $0x2A00, s11;
	[sflag:s30] =	ssyncadd.s32 $0xFFFFF800  }
0x8c: {  	[spmem:s2] =	stream.indirect.scatter.add.f32 [tilespmem:s24], [sflag:$0x5], $0x10, s12, s23, $0xb8;
	[tilespmem:$0x9C00] =	vst v63  }
0x8d: {  	_ =	swait.ge [sflag:s9], $0x800  }
0x8e: {  	[sflag:s9] =	ssyncset.done $0x0  }
0x8f: {  	s13 =	sadd.s32 $0x380, s11;
	[sflag:s9] =	ssyncadd.s32 $0xFFFFF800  }
0x90: {  	[tilespmem:s1], [sflag:$0x4] =	stream.indirect.gather [hbm4b:s4+s23], $0x10, s13, s23, $0xb8;
	[tilespmem:$0x9C00] =	vst v63  }
0x91: {  	_ =	swait.ge [sflag:s0], $0x800  }
0x92: {  	[sflag:s0] =	ssyncset.done $0x0  }
0x93: {  	s14 =	sadd.s32 $0x2A80, s11;
	[sflag:s0] =	ssyncadd.s32 $0xFFFFF800  }
0x94: {  	[spmem:s2] =	stream.indirect.scatter.add.f32 [tilespmem:s26], [sflag:$0x6], $0x10, s14, s23, $0xb8;
	[tilespmem:$0x9C00] =	vst v63  }
0x95: {  	_ =	swait.ge [sflag:s31], $0x800  }
0x96: {  	p0 =	seq.s32 s10, $0x9000;
	[sflag:s31] =	ssyncset.done $0x0  }
0x97: {  	s12 =	simm.s32 @p0 $0x3;
	[sflag:s31] =	ssyncadd.s32 $0xFFFFF800  }
0x98: {  	_ =	swait.ge @p0 [sflag:s12], $0x800  }
0x99: {  	[sflag:s12] =	ssyncset.done @p0 $0x0  }
0x9a: {  	[sflag:s12] =	ssyncadd.s32 @p0 $0xFFFFF800;
	s12 =	sshra.s32 @p0 s10, $0x2  }
0x9b: {  	s13 =	simm.s32 @p0 $0x80;
	s14 =	simm.s32 @p0 $0x6000;
	s12 =	sadd.s32 @p0 $0x2B00, s12  }
0x9c: {  	[spmem:s2] =	stream.indirect.scatter.add.f32 @p0 [tilespmem:s14], [sflag:$0x7], $0x10, s12, s13, $0xb8;
	[tilespmem:$0x9C00] =	vst v63  }
0x9d: {  	s12 =	simm.s32 @p0 $0x6  }
0x9e: {  	_ =	swait.ge @p0 [sflag:s12], $0x800  }
0x9f: {  	[sflag:s12] =	ssyncset.done @p0 $0x0  }
0xa0: {  	[sflag:s12] =	ssyncadd.s32 @p0 $0xFFFFF800;
	s12 =	sshra.s32 @!p0 s10, $0x2  }
0xa1: {  	s15 =	simm.s32 @!p0 $0x5000;
	s14 =	simm.s32 @!p0 $0x80;
	s13 =	sadd.s32 @!p0 $0x400, s12  }
0xa2: {  	[tilespmem:s15], [sflag:$0x1] =	stream.indirect.gather @!p0 [hbm4b:s4+s14], $0x10, s13, s14, $0xb8;
	[tilespmem:$0x9C00] =	vst v63  }
0xa3: {  	s13 =	simm.s32 @!p0 $0x3  }
0xa4: {  	_ =	swait.ge @!p0 [sflag:s13], $0x800  }
0xa5: {  	[sflag:s13] =	ssyncset.done @!p0 $0x0  }
0xa6: {  	s15 =	simm.s32 @!p0 $0x6000;
	[sflag:s13] =	ssyncadd.s32 @!p0 $0xFFFFF800;
	s13 =	sadd.s32 @!p0 $0x2B00, s12  }
0xa7: {  	[spmem:s2] =	stream.indirect.scatter.add.f32 @!p0 [tilespmem:s15], [sflag:$0x7], $0x10, s13, s14, $0xb8;
	[tilespmem:$0x9C00] =	vst v63  }
0xa8: {  	s13 =	simm.s32 @!p0 $0x6  }
0xa9: {  	_ =	swait.ge @!p0 [sflag:s13], $0x800  }
0xaa: {  	[sflag:s13] =	ssyncset.done @!p0 $0x0  }
0xab: {  	s12 =	sadd.s32 @!p0 $0x480, s12;
	[sflag:s13] =	ssyncadd.s32 @!p0 $0xFFFFF800;
	s13 =	simm.s32 @!p0 $0x5800  }
0xac: {  	[tilespmem:s13], [sflag:$0x2] =	stream.indirect.gather @!p0 [hbm4b:s4+s14], $0x10, s12, s14, $0xb8;
	[tilespmem:$0x9C00] =	vst v63  }
0xad: {  	_ =	swait.ge [sflag:s7], $0x800  }
0xae: {  	[sflag:s7] =	ssyncset.done $0x0  }
.Ltmp3:
0xaf: {  	s15 =	sadd.s32 $0x2B80, s11;
	[sflag:s7] =	ssyncadd.s32 $0xFFFFF800;
	(pc) =	sbr.rel @p0 .LBB2_6-.Ltmp3, $4  }
0xb0: {  	[spmem:s2] =	stream.indirect.scatter.add.f32 [tilespmem:s1], [sflag:$0x8], $0x10, s15, s23, $0xb8;
	[tilespmem:$0x9C00] =	vst v63  }
0xb1: {  	_ =	swait.ge [sflag:s8], $0x800  }
0xb2: {  	[sflag:s8] =	ssyncset.done $0x0  }
0xb3: {  	[sflag:s8] =	ssyncadd.s32 $0xFFFFF800  }
.Ltmp4:
0xb4: {  	(pc) =	sbr.rel .LBB2_4-.Ltmp4, $3  }
0xb5: {  	_ =	sdelay $0x1  }
0xb6: {  	s11 =	sadd.s32 $0x500, s11;
	s10 =	sadd.s32 $0x800, s10  }
0xb7: {  	[tilespmem:s29], [sflag:$0x3] =	stream.indirect.gather [hbm4b:s4+s23], $0x10, s11, s23, $0xb8;
	[tilespmem:$0x9C00] =	vst v63  }
.LBB2_7:
0xb8: {  	_ =	sfence.sel $0x180000  }
0xb9: {  	[bflag:$0x0] =	sbarrier.arrive $0xFFFF  }
0xba: {  	_ =	strace $0x9000004D  }
0xbb: {  	s0 =	stileid.u32;
	[bflag:$0x2] =	sbarrier.arrive $0xFFFF  }
0xbc: {  	p0 =	sne.s32 s0, $0x0;
	s0 =	rddreg [dreg:$0x3]  }
0xbd: {  	s0 =	sadd.s32 @!p0 $0x100000, s0  }
0xbe: {  	[sflag:s0] =	ssyncadd.tile.s32 @!p0 $0x1;
	_ =	shalt  }
.Lfunc_end2:
_tile_overlayer_lowered:
.L_overlay_start_2:
0xbf: {  	(tag) =	ssettag $0x2  }
0xc0: {  	s0 =	rddreg [dreg:$0x0];
	s2 =	stileid.u32  }
0xc1: {  	s1 =	rddreg [dreg:$0x1];
	p0 =	sne.s32 s2, $0x0  }
0xc2: {  	s3 =	rddreg [dreg:$0x2];
	[bflag:$0x3] =	sbarrier.arrive $0xFFFF;
	s2 =	simm.s32 @!p0 $0x1C0A  }
0xc3: {  	[timem:s3], [sflag:s2] =	dma.local @!p0 [hbm:s0], s1  }
0xc4: {  	s0 =	simm.s32 @!p0 $0xA  }
0xc5: {  	_ =	swait.ge @!p0 [sflag:s0], s1  }
0xc6: {  	s1 =	ssub.s32 @!p0 $0x0, s1;
	[sflag:s0] =	ssyncset.done @!p0 $0x0  }
0xc7: {  	[sflag:s0] =	ssyncadd.s32 @!p0 s1  }
0xc8: {  	[bflag:$0x3] =	sbarrier.arrive $0xFFFF  }
0xc9: {  	_ =	shalt  }

// kernel: kernel.20.cloned.1.call-start
scs
__scs_entry_jumppad:
0x0: {  	(pc) =	sbr.rel $0x88, $3  }
0x1: {  	(tag) =	ssettag $0x0;
	lr =	simm.s32 $0x1  }
0x2: {  	[smem:$0x3F93] =	sst lr;
	_ =	strace $0xD0000000  }
0x3: {  	_ = 	snop  }
0x4: {  	_ = 	snop  }
0x5: {  	_ = 	snop  }
0x6: {  	_ = 	snop  }
0x7: {  	_ = 	snop  }
__scs_overlays_trampoline_lowered:
0x8: {  	[smem:$0x3FA2] =	sst s0  }
0x9: {  	[smem:$0x3FA3] =	sst s1  }
0xa: {  	[smem:$0x3FA4] =	sst s2  }
0xb: {  	[smem:$0x3FA5] =	sst s3  }
0xc: {  	[smem:$0x3FA6] =	sst s4  }
0xd: {  	[smem:$0x3FA7] =	sst s5  }
0xe: {  	[smem:$0x3FA8] =	sst s6  }
0xf: {  	[smem:$0x3FA9] =	sst s7  }
0x10: {  	[smem:$0x3FAA] =	sst s8  }
0x11: {  	[smem:$0x3FAB] =	sst s9;
	s0 =	simm.s32 @!p0 $0x0  }
0x12: {  	s1 =	sld [smem:$0x3F91];
	s0 =	simm.s32 @p0 $0x1  }
0x13: {  	[smem:$0x3FAC] =	sst s0;
	s0 =	simm.s32 @!p1 $0x0  }
0x14: {  	s2 =	sld [smem:$0x3F90];
	s0 =	simm.s32 @p1 $0x1  }
0x15: {  	[smem:$0x3FAD] =	sst s0;
	s0 =	simm.s32 @!p2 $0x0  }
0x16: {  	s3 =	sld [smem:$0x3FDB];
	s0 =	simm.s32 @p2 $0x1  }
0x17: {  	s4 =	simm.s32 $0x1BF5;
	[smem:$0x3FAF] =	sst s0  }
0x18: {  	s0 =	sld [smem:$0x3F92];
	_ =	swait.ge [sflag:s4], $0x0  }
0x19: {  	s7 =	sld [smem:$0x3F93]  }
0x1a: {  	s8 =	sadd.s32 $0xFFFFE003, lr  }
0x1b: {  	s9 =	sadd.s32 $0xFFFFFEF7, lr;
	s5 =	simm.s32 $0xFFFFFFFF;
	p2 =	slt.u32 s8, $0xFFFFF086  }
0x1c: {  	p1 =	slt.u32 s9, $0xF7A;
	s5 =	simm.s32 @!p2 $0x0  }
0x1d: {  	s5 =	simm.s32 @p1 $0x1;
	p0 =	seq.s32 s7, s2  }
0x1e: {  	s7 =	smul.u32 @!p0 $0xF7A, s2;
	p2 =	seq.s32 @!p0 s5, $0x0  }
0x1f: {  	s9 =	smul.u32 $0xF7A, s1;
	s8 =	simm.s32 @!p0 $0x1BF5;
	p2 =	por !p2, p0  }
0x20: {  	[sflag:s8] =	ssyncset.s32 @!p0 $0xFFFFF086;
	s6 =	sadd.s32 @!p0 s3, s7;
	s7 =	simm.s32 @!p0 $0x108  }
0x21: {  	s3 =	sadd.s32 s3, s9;
	s6 =	sadd.s32 @!p0 $0x88, s6;
	s7 =	simm.s32 @p2 $0x1082  }
0x22: {  	[simem:s7], [sflag:s8] =	dma.local @!p0 [hbm:s6], $0xF7A  }
0x23: {  	s9 =	sor.u32 $0xD0000000, s2;
	s6 =	simm.s32 $0x108;
	_ =	swait.ge @!p0 [sflag:s8], $0x0  }
0x24: {  	s3 =	sadd.s32 $0x88, s3;
	s6 =	simm.s32 @!p1 $0x1082;
	[sflag:s4] =	ssyncset.s32 $0xFFFFF086  }
0x25: {  	[simem:s6], [sflag:s4] =	dma.local [hbm:s3], $0xF7A  }
0x26: {  	[smem:$0x3F93] =	sst s1;
	(tag) =	ssettag s2;
	_ =	strace s9  }
0x27: {  	s1 =	sld [smem:$0x3FA3]  }
0x28: {  	s2 =	sld [smem:$0x3FA4]  }
0x29: {  	s4 =	sld [smem:$0x3FA6]  }
0x2a: {  	p0 =	seq.s32 s5, $0x0;
	s5 =	sld [smem:$0x3FA7]  }
0x2b: {  	s6 =	sld [smem:$0x3FA8]  }
0x2c: {  	s7 =	sld [smem:$0x3FA9]  }
0x2d: {  	s3 =	simm.s32 $0x108;
	s8 =	sld [smem:$0x3FAA]  }
0x2e: {  	s3 =	simm.s32 @!p0 $0x1082;
	s9 =	sld [smem:$0x3FAB]  }
0x2f: {  	lr =	sadd.s32 s0, s3;
	s0 =	sld [smem:$0x3FA2]  }
0x30: {  	s3 =	sld [smem:$0x3FA5]  }
0x31: {  	[smem:$0x3FAE] =	sst s10  }
0x32: {  	s10 =	sld [smem:$0x3FAC];
	_ =	sdelay $0x3  }
0x33: {  	p0 =	seq.s32 s10, $0x1;
	s10 =	sld [smem:$0x3FAE];
	_ =	sdelay $0x3  }
0x34: {  	[smem:$0x3FAE] =	sst s10  }
0x35: {  	s10 =	sld [smem:$0x3FAD];
	_ =	sdelay $0x3  }
0x36: {  	p1 =	seq.s32 s10, $0x1;
	s10 =	sld [smem:$0x3FAE];
	_ =	sdelay $0x3  }
0x37: {  	[smem:$0x3FAE] =	sst s10  }
0x38: {  	s10 =	sld [smem:$0x3FAF]  }
0x39: {  	_ = 	snop;
	(pc) =	sbr.ind lr, $3  }
0x3a: {  	_ = 	snop  }
0x3b: {  	_ = 	snop  }
0x3c: {  	p2 =	seq.s32 s10, $0x1;
	s10 =	sld [smem:$0x3FAE]  }
0x3d: {  	_ =	shalt  }
0x3e: {  	_ =	shalt  }
0x3f: {  	_ =	shalt  }
0x40: {  	_ =	shalt  }
0x41: {  	_ =	shalt  }
0x42: {  	_ =	shalt  }
0x43: {  	_ =	shalt  }
0x44: {  	_ =	shalt  }
0x45: {  	_ =	shalt  }
0x46: {  	_ =	shalt  }
0x47: {  	_ =	shalt  }
0x48: {  	_ =	shalt  }
0x49: {  	_ =	shalt  }
0x4a: {  	_ =	shalt  }
0x4b: {  	_ =	shalt  }
0x4c: {  	_ =	shalt  }
0x4d: {  	_ =	shalt  }
0x4e: {  	_ =	shalt  }
0x4f: {  	_ =	shalt  }
0x50: {  	_ =	shalt  }
0x51: {  	_ =	shalt  }
0x52: {  	_ =	shalt  }
0x53: {  	_ =	shalt  }
0x54: {  	_ =	shalt  }
0x55: {  	_ =	shalt  }
0x56: {  	_ =	shalt  }
0x57: {  	_ =	shalt  }
0x58: {  	_ =	shalt  }
0x59: {  	_ =	shalt  }
0x5a: {  	_ =	shalt  }
0x5b: {  	_ =	shalt  }
0x5c: {  	_ =	shalt  }
0x5d: {  	_ =	shalt  }
0x5e: {  	_ =	shalt  }
0x5f: {  	_ =	shalt  }
0x60: {  	_ =	shalt  }
0x61: {  	_ =	shalt  }
0x62: {  	_ =	shalt  }
0x63: {  	_ =	shalt  }
0x64: {  	_ =	shalt  }
0x65: {  	_ =	shalt  }
0x66: {  	_ =	shalt  }
0x67: {  	_ =	shalt  }
0x68: {  	_ =	shalt  }
0x69: {  	_ =	shalt  }
0x6a: {  	_ =	shalt  }
0x6b: {  	_ =	shalt  }
0x6c: {  	_ =	shalt  }
0x6d: {  	_ =	shalt  }
0x6e: {  	_ =	shalt  }
0x6f: {  	_ =	shalt  }
0x70: {  	_ =	shalt  }
0x71: {  	_ =	shalt  }
0x72: {  	_ =	shalt  }
0x73: {  	_ =	shalt  }
0x74: {  	_ =	shalt  }
0x75: {  	_ =	shalt  }
0x76: {  	_ =	shalt  }
0x77: {  	_ =	shalt  }
0x78: {  	_ =	shalt  }
0x79: {  	_ =	shalt  }
0x7a: {  	_ =	shalt  }
0x7b: {  	_ =	shalt  }
0x7c: {  	_ =	shalt  }
0x7d: {  	_ =	shalt  }
0x7e: {  	_ =	shalt  }
0x7f: {  	_ =	shalt  }
0x80: {  	_ =	shalt  }
0x81: {  	_ =	shalt  }
0x82: {  	_ =	shalt  }
0x83: {  	_ =	shalt  }
0x84: {  	_ =	shalt  }
0x85: {  	_ =	shalt  }
0x86: {  	_ =	shalt  }
0x87: {  	_ =	shalt  }
.Lfunc_end0:
.L_simem_size_0:
called_computation.3_lowered:
.L_overlay_start_0:
0x88: {  	s2 =	sld [smem:$0x3FD9]  }
0x89: {  	s3 =	sld [smem:$0x3FFE];
	_ =	sdelay $0x1  }
0x8a: {  	s1 =	srdreg.scid  }
0x8b: {  	s0 =	sand.u32 $0x1, s1  }
0x8c: {  	s17 =	sshll.u32 s0, $0xA;
	s2 =	sadd.s32 s3, s2  }
0x8d: {  	s2 =	sadd.s32 s2, s17  }
0x8e: {  	[smem:$0x3FBA] =	sst s2  }
0x8f: {  	_ = 	snop  }
0x90: {  	s2 =	sld [smem:$0x3FD0];
	(tm) =	ssettm $0x1  }
0x91: {  	s18 =	sld [smem:$0x3FFB];
	_ =	sdelay $0x3  }
0x92: {  	_ =	strace s18  }
0x93: {  	s3 =	sld [smem:$0x3FFC];
	_ =	sdelay $0x3  }
0x94: {  	_ =	strace s3  }
0x95: {  	s3 =	sld [smem:$0x3FFD];
	_ =	sdelay $0x3  }
0x96: {  	_ =	strace s3  }
0x97: {  	_ =	strace $0x8FFFFFFF  }
0x98: {  	s19 =	sld [smem:$0x3FDB];
	_ =	sdelay $0x1  }
0x99: {  	s4 =	simm.s32 $_scs_section_size  }
0x9a: {  	s5 =	simm.s32 $_size__tile_overlayer_lowered;
	s6 =	simm.s32 $_tile_overlayer_lowered  }
0x9b: {  	s22 =	simm.s32 $0x1BFF;
	s21 =	sshll.u32 s6, $0x1;
	s3 =	sadd.s32 s4, s19  }
0x9c: {  	s7 =	simm.s32 $0x0;
	s20 =	sshll.u32 s5, $0x1;
	s5 =	sadd.s32 s21, s3  }
0x9d: {  	[timem:s7], [sflag:s22] =	dma.local [hbm:s5], s20  }
0x9e: {  	_ =	swait.ge [sflag:s22], s20  }
0x9f: {  	s4 =	ssub.s32 $0x0, s20;
	[sflag:s22] =	ssyncset.done $0x0  }
0xa0: {  	[sflag:s22] =	ssyncadd.s32 s4;
	_ =	sdelay $0x1  }
0xa1: {  	s23 =	simm.s32 $0x1B8B  }
0xa2: {  	_ =	swait.ge [sflag:s23], $0x1  }
0xa3: {  	[sflag:s23] =	ssyncset.done $0x0  }
0xa4: {  	s25 =	simm.s32 $0x1B8E;
	s24 =	sld [smem:$0x3FFE];
	[sflag:s23] =	ssyncadd.s32 $0xFFFFFFFF  }
0xa5: {  	s26 =	simm.s32 $execute0_lowered;
	[smem:$0x3FD2] =	sst s25  }
0xa6: {  	s5 =	sshll.u32 s26, $0x1;
	_ =	strace $0x8000004F;
	[dreg:$0x1] =	wrdreg $0xFFFFFFFF  }
0xa7: {  	s28 =	simm.s32 $_size_execute0_lowered;
	s3 =	sadd.s32 s3, s5;
	[dreg:$0x0] =	wrdreg $0x0  }
0xa8: {  	s5 =	sshll.u32 s28, $0x1;
	[dreg:$0x2] =	wrdreg s3  }
0xa9: {  	[dreg:$0x3] =	wrdreg s5  }
0xaa: {  	[dreg:$0x4] =	wrdreg $0xC0  }
0xab: {  	_ =	task [dreg:s7], $0x5FFFF  }
0xac: {  	[dreg:$0x1] =	wrdreg $0xFFFFFFFF  }
0xad: {  	[dreg:$0x0] =	wrdreg $0x60  }
0xae: {  	[dreg:$0x2] =	wrdreg s24  }
0xaf: {  	[dreg:$0x3] =	wrdreg s2  }
0xb0: {  	[dreg:$0x4] =	wrdreg $0x2C000  }
0xb1: {  	[dreg:$0x5] =	wrdreg $0x9  }
0xb2: {  	_ =	task.clear_ibuf [dreg:s7], $0x6FFFF;
	_ =	strace $0x9000004F  }
0xb3: {  	s29 =	simm.s32 $0x9;
	_ =	strace $0x80000051  }
0xb4: {  	_ =	swait.ge [sflag:s29], $0x1  }
0xb5: {  	[sflag:s29] =	ssyncadd.s32 $0xFFFFFFFF  }
0xb6: {  	_ =	strace $0x90000051  }
0xb7: {  	_ =	sfence  }
0xb8: {  	s30 =	sld [smem:$0x0];
	_ =	sdelay $0x2  }
0xb9: {  	s31 =	sshll.u32 s1, $0xD;
	s1 =	sshrl.u32 s1, $0x2  }
0xba: {  	s3 =	sand.u32 $0x4000, s31;
	s1 =	sadd.s32 s1, s30  }
0xbb: {  	s0 =	sor.u32 s3, s0;
	s1 =	sshll.u32 s1, $0x11  }
0xbc: {  	s0 =	sor.u32 s1, s0  }
0xbd: {  	s0 =	sadd.s32 $0x8F2B, s0  }
0xbe: {  	[sflag:s0] =	ssyncadd.remote.s32 $0x1  }
0xbf: {  	_ =	sfence.sel $0xFFFF  }
0xc0: {  	[dreg:$0x0] =	wrdreg $0xFFFFFFFF;
	(pc) =	sbr.abs _section_cstart, $3  }
0xc1: {  	[dreg:$0x1] =	wrdreg $0xFFFFFFFF  }
0xc2: {  	_ =	task.clear_ibuf [dreg:s7], $0x2FFFF;
	_ =	strace $0x9FFFFFFF  }
0xc3: {  	(tm) =	ssettm $0x7FFFFFFF  }
tec
execute0_lowered:
.L_overlay_start_1:
0x0: {  	(tag) =	ssettag $0x1  }
0x1: {  	s0 =	rddreg [dreg:$0x0]  }
0x2: {  	s2 =	rddreg [dreg:$0x1]  }
0x3: {  	s1 =	rddreg [dreg:$0x2]  }
0x4: {  	s3 =	simm.s32 $0x0;
	s5 =	srdreg.scid;
	s10 =	stileid.u32  }
0x5: {  	s20 =	simm.s32 $0x2800;
	s21 =	simm.s32 $0x9;
	s28 =	simm.s32 $0x1000  }
0x6: {  	s30 =	simm.s32 $0x1800;
	s31 =	simm.s32 $0x1;
	s29 =	simm.s32 $0x2  }
0x7: {  	[smem:$0x7FF] =	sst s3;
	s4 =	sadd.s32 $0x3C00, s0;
	s6 =	smul.u32 $0xB000, s10  }
0x8: {  	s5 =	sand.u32 $0x1, s5;
	s8 =	sshll.u32 s10, $0x7;
	s25 =	smul.u32 $0x2C00, s10  }
0x9: {  	s7 =	sshll.u32 s5, $0xB;
	s9 =	smul.u32 $0x2C000, s5;
	s5 =	ssub.s32 $0x2, s5  }
0xa: {  	_ =	strace $0x80000050;
	s7 =	sor.u32 s8, s7;
	s26 =	sshrl.u32 s5, $0x1  }
0xb: {  	s6 =	sshrl.u32 s6, $0x2;
	s13 =	sadd.s32 s25, s1;
	s8 =	simm.s32 $0x4  }
0xc: {  	s0 =	sadd.s32 s7, s0;
	s7 =	ssub.s32 s5, s26;
	s5 =	sadd.s32 s6, s1  }
0xd: {  	s10 =	sadd.s32 s25, s9;
	s6 =	simm.s32 $0x3;
	s9 =	simm.s32 $0x7  }
0xe: {  	s11 =	sadd.s32 $0x17C00, s0;
	s0 =	sadd.s32 $0x18C00, s0;
	s12 =	sshrl.u32 s10, $0x3  }
0xf: {  	s22 =	smax.u32 s7, $0x1;
	s23 =	sadd.s32 $0x400, s5;
	[dreg:$0x4] =	wrdreg s11  }
0x10: {  	s24 =	sadd.s32 $0x800, s5;
	s25 =	sadd.s32 $0xC00, s5;
	[dreg:$0x5] =	wrdreg s0  }
0x11: {  	s26 =	sadd.s32 $0x1000, s5;
	s14 =	sadd.s32 $0x1400, s5;
	[dreg:$0x7] =	wrdreg s22  }
0x12: {  	s15 =	sadd.s32 $0x1800, s5;
	s16 =	sadd.s32 $0x1C00, s5;
	[dreg:$0x8] =	wrdreg s23  }
0x13: {  	s17 =	sadd.s32 $0x2000, s5;
	s18 =	sadd.s32 $0x2400, s5;
	[dreg:$0x9] =	wrdreg s24  }
0x14: {  	s19 =	sadd.s32 $0x2800, s5;
	s7 =	simm.s32 $0x6;
	[dreg:$0xa] =	wrdreg s25  }
0x15: {  	s10 =	simm.s32 $0x8;
	s0 =	sadd.s32 s2, s12;
	[dreg:$0xb] =	wrdreg s26  }
0x16: {  	s22 =	simm.s32 $0xA;
	s23 =	simm.s32 $0x400;
	s24 =	simm.s32 $0x80  }
0x17: {  	s25 =	sshrl.u32 s13, $0x3;
	s26 =	simm.s32 $0x800;
	s2 =	simm.s32 $0x2000  }
0x18: {  	v0 =	vimm.f32 $0.0e+00;
	s11 =	simm.s32 $0x0;
	[dreg:$0x6] =	wrdreg s0;
	s0 =	simm.s32 $0x5  }
.LBB2_1:
0x19: {  	s12 =	simm.s32 $0x40;
	s13 =	simm.s32 $0x0  }
.LBB2_2:
0x1a: {  	p0 =	sne.s32 s12, $0xFC0;
	[tilespmem:s13+$0x2800] =	vst v0;
	s13 =	smov.u32 s12;
	s12 =	sadd.s32 $0x40, s12  }
.Ltmp0:
0x1b: {  	(pc) =	sbr.rel @p0 .LBB2_2-.Ltmp0, $2  }
0x1c: {  	_ =	sdelay $0x2  }
0x1d: {  	s13 =	sshra.s32 s13, $0x2  }
0x1e: {  	[tilespmem:s13+$0x2800] =	vst v0  }
0x1f: {  	[spmem:s5] =	stream.linear.scatter [tilespmem:s20], [sflag:$0x9], $0x400, $0x38;
	[tilespmem:$0x5800] =	vst v63  }
0x20: {  	s12 =	rddreg [dreg:$0x8]  }
0x21: {  	[spmem:s12] =	stream.linear.scatter [tilespmem:s20], [sflag:$0x9], $0x400, $0x38;
	[tilespmem:$0x5800] =	vst v63  }
0x22: {  	s13 =	rddreg [dreg:$0x9]  }
0x23: {  	[spmem:s13] =	stream.linear.scatter [tilespmem:s20], [sflag:$0x9], $0x400, $0x38;
	[tilespmem:$0x5800] =	vst v63  }
0x24: {  	s13 =	rddreg [dreg:$0xa]  }
0x25: {  	[spmem:s13] =	stream.linear.scatter [tilespmem:s20], [sflag:$0x9], $0x400, $0x38;
	[tilespmem:$0x5800] =	vst v63  }
0x26: {  	s13 =	rddreg [dreg:$0xb]  }
0x27: {  	[spmem:s13] =	stream.linear.scatter [tilespmem:s20], [sflag:$0x9], $0x400, $0x38;
	[tilespmem:$0x5800] =	vst v63  }
0x28: {  	_ = 	snop  }
0x29: {  	[spmem:s14] =	stream.linear.scatter [tilespmem:s20], [sflag:$0x9], $0x400, $0x38;
	[tilespmem:$0x5800] =	vst v63  }
0x2a: {  	_ = 	snop  }
0x2b: {  	[spmem:s15] =	stream.linear.scatter [tilespmem:s20], [sflag:$0x9], $0x400, $0x38;
	[tilespmem:$0x5800] =	vst v63  }
0x2c: {  	_ = 	snop  }
0x2d: {  	[spmem:s16] =	stream.linear.scatter [tilespmem:s20], [sflag:$0x9], $0x400, $0x38;
	[tilespmem:$0x5800] =	vst v63  }
0x2e: {  	_ = 	snop  }
0x2f: {  	[spmem:s17] =	stream.linear.scatter [tilespmem:s20], [sflag:$0x9], $0x400, $0x38;
	[tilespmem:$0x5800] =	vst v63  }
0x30: {  	_ = 	snop  }
0x31: {  	[spmem:s18] =	stream.linear.scatter [tilespmem:s20], [sflag:$0x9], $0x400, $0x38;
	[tilespmem:$0x5800] =	vst v63  }
0x32: {  	_ = 	snop  }
0x33: {  	[spmem:s19] =	stream.linear.scatter [tilespmem:s20], [sflag:$0x9], $0x400, $0x38;
	[tilespmem:$0x5800] =	vst v63  }
0x34: {  	_ =	swait.ge [sflag:s21], $0x400  }
0x35: {  	[sflag:s21] =	ssyncset.done $0x0  }
0x36: {  	[sflag:s21] =	ssyncadd.s32 $0xFFFFFC00  }
0x37: {  	_ =	swait.ge [sflag:s21], $0x400  }
0x38: {  	[sflag:s21] =	ssyncset.done $0x0  }
0x39: {  	[sflag:s21] =	ssyncadd.s32 $0xFFFFFC00  }
0x3a: {  	_ =	swait.ge [sflag:s21], $0x400  }
0x3b: {  	[sflag:s21] =	ssyncset.done $0x0  }
0x3c: {  	[sflag:s21] =	ssyncadd.s32 $0xFFFFFC00  }
0x3d: {  	_ =	swait.ge [sflag:s21], $0x400  }
0x3e: {  	[sflag:s21] =	ssyncset.done $0x0  }
0x3f: {  	[sflag:s21] =	ssyncadd.s32 $0xFFFFFC00  }
0x40: {  	_ =	swait.ge [sflag:s21], $0x400  }
0x41: {  	[sflag:s21] =	ssyncset.done $0x0  }
0x42: {  	[sflag:s21] =	ssyncadd.s32 $0xFFFFFC00  }
0x43: {  	_ =	swait.ge [sflag:s21], $0x400  }
0x44: {  	[sflag:s21] =	ssyncset.done $0x0  }
0x45: {  	[sflag:s21] =	ssyncadd.s32 $0xFFFFFC00  }
0x46: {  	_ =	swait.ge [sflag:s21], $0x400  }
0x47: {  	[sflag:s21] =	ssyncset.done $0x0  }
0x48: {  	[sflag:s21] =	ssyncadd.s32 $0xFFFFFC00  }
0x49: {  	_ =	swait.ge [sflag:s21], $0x400  }
0x4a: {  	[sflag:s21] =	ssyncset.done $0x0  }
0x4b: {  	[sflag:s21] =	ssyncadd.s32 $0xFFFFFC00  }
0x4c: {  	_ =	swait.ge [sflag:s21], $0x400  }
0x4d: {  	[sflag:s21] =	ssyncset.done $0x0  }
0x4e: {  	[sflag:s21] =	ssyncadd.s32 $0xFFFFFC00  }
0x4f: {  	_ =	swait.ge [sflag:s21], $0x400  }
0x50: {  	[sflag:s21] =	ssyncset.done $0x0  }
0x51: {  	[sflag:s21] =	ssyncadd.s32 $0xFFFFFC00  }
0x52: {  	_ =	swait.ge [sflag:s21], $0x400  }
0x53: {  	[sflag:s21] =	ssyncset.done $0x0  }
0x54: {  	[sflag:s21] =	ssyncadd.s32 $0xFFFFFC00  }
0x55: {  	[bflag:$0x0] =	sbarrier.arrive $0xFFFF  }
0x56: {  	s13 =	rddreg [dreg:$0x4]  }
0x57: {  	[tilespmem:s3], [sflag:$0xA] =	stream.linear.gather [hbm4b:s13+s3], $0x400, $0x38;
	[tilespmem:$0x5800] =	vst v63  }
0x58: {  	_ =	swait.ge [sflag:s22], $0x400  }
0x59: {  	[sflag:s22] =	ssyncset.done $0x0  }
0x5a: {  	s13 =	rddreg [dreg:$0x5];
	[sflag:s22] =	ssyncadd.s32 $0xFFFFFC00  }
0x5b: {  	[tilespmem:s23], [sflag:$0xA] =	stream.linear.gather [hbm4b:s13+s3], $0x400, $0x38;
	[tilespmem:$0x5800] =	vst v63  }
0x5c: {  	_ =	swait.ge [sflag:s22], $0x400  }
0x5d: {  	[sflag:s22] =	ssyncset.done $0x0  }
0x5e: {  	[sflag:s22] =	ssyncadd.s32 $0xFFFFFC00  }
0x5f: {  	[tilespmem:s26], [sflag:$0x1] =	stream.indirect.gather [hbm4b:s4+s24], $0x10, s3, s24, $0xb8;
	[tilespmem:$0x5800] =	vst v63  }
0x60: {  	_ = 	snop  }
0x61: {  	[tilespmem:s28], [sflag:$0x2] =	stream.indirect.gather [hbm4b:s4+s24], $0x10, s24, s24, $0xb8;
	[tilespmem:$0x5800] =	vst v63  }
0x62: {  	s13 =	simm.s32 $0x100  }
0x63: {  	[tilespmem:s30], [sflag:$0x3] =	stream.indirect.gather [hbm4b:s4+s24], $0x10, s13, s24, $0xb8;
	[tilespmem:$0x5800] =	vst v63  }
0x64: {  	_ =	swait.ge [sflag:s31], $0x800  }
0x65: {  	[sflag:s31] =	ssyncset.done $0x0  }
0x66: {  	[sflag:s31] =	ssyncadd.s32 $0xFFFFF800  }
0x67: {  	[spmem:s1] =	stream.indirect.scatter.add.f32 [tilespmem:s26], [sflag:$0x5], $0x10, s23, s24, $0xb8;
	[tilespmem:$0x5800] =	vst v63  }
0x68: {  	s13 =	simm.s32 $0x180  }
0x69: {  	[tilespmem:s2], [sflag:$0x4] =	stream.indirect.gather [hbm4b:s4+s24], $0x10, s13, s24, $0xb8;
	[tilespmem:$0x5800] =	vst v63  }
0x6a: {  	_ =	swait.ge [sflag:s29], $0x800  }
0x6b: {  	[sflag:s29] =	ssyncset.done $0x0  }
0x6c: {  	s13 =	simm.s32 $0x480;
	[sflag:s29] =	ssyncadd.s32 $0xFFFFF800  }
0x6d: {  	[spmem:s1] =	stream.indirect.scatter.add.f32 [tilespmem:s28], [sflag:$0x6], $0x10, s13, s24, $0xb8;
	[tilespmem:$0x5800] =	vst v63  }
0x6e: {  	_ =	swait.ge [sflag:s0], $0x800  }
0x6f: {  	[sflag:s0] =	ssyncset.done $0x0  }
0x70: {  	s13 =	simm.s32 $0x200;
	[sflag:s0] =	ssyncadd.s32 $0xFFFFF800  }
0x71: {  	[tilespmem:s26], [sflag:$0x1] =	stream.indirect.gather [hbm4b:s4+s24], $0x10, s13, s24, $0xb8;
	[tilespmem:$0x5800] =	vst v63  }
0x72: {  	_ =	swait.ge [sflag:s6], $0x800  }
0x73: {  	[sflag:s6] =	ssyncset.done $0x0  }
0x74: {  	s13 =	simm.s32 $0x500;
	[sflag:s6] =	ssyncadd.s32 $0xFFFFF800  }
0x75: {  	[spmem:s1] =	stream.indirect.scatter.add.f32 [tilespmem:s30], [sflag:$0x7], $0x10, s13, s24, $0xb8;
	[tilespmem:$0x5800] =	vst v63  }
0x76: {  	_ =	swait.ge [sflag:s7], $0x800  }
0x77: {  	[sflag:s7] =	ssyncset.done $0x0  }
0x78: {  	s13 =	simm.s32 $0x280;
	[sflag:s7] =	ssyncadd.s32 $0xFFFFF800  }
0x79: {  	[tilespmem:s28], [sflag:$0x2] =	stream.indirect.gather [hbm4b:s4+s24], $0x10, s13, s24, $0xb8;
	[tilespmem:$0x5800] =	vst v63  }
0x7a: {  	_ =	swait.ge [sflag:s8], $0x800  }
0x7b: {  	[sflag:s8] =	ssyncset.done $0x0  }
0x7c: {  	s13 =	simm.s32 $0x580;
	[sflag:s8] =	ssyncadd.s32 $0xFFFFF800  }
0x7d: {  	[spmem:s1] =	stream.indirect.scatter.add.f32 [tilespmem:s2], [sflag:$0x8], $0x10, s13, s24, $0xb8;
	[tilespmem:$0x5800] =	vst v63  }
0x7e: {  	_ =	swait.ge [sflag:s9], $0x800  }
0x7f: {  	[sflag:s9] =	ssyncset.done $0x0  }
0x80: {  	s13 =	simm.s32 $0x300;
	[sflag:s9] =	ssyncadd.s32 $0xFFFFF800  }
0x81: {  	[tilespmem:s30], [sflag:$0x3] =	stream.indirect.gather [hbm4b:s4+s24], $0x10, s13, s24, $0xb8;
	[tilespmem:$0x5800] =	vst v63  }
0x82: {  	_ =	swait.ge [sflag:s31], $0x800  }
0x83: {  	[sflag:s31] =	ssyncset.done $0x0  }
0x84: {  	s13 =	simm.s32 $0x600;
	[sflag:s31] =	ssyncadd.s32 $0xFFFFF800  }
0x85: {  	[spmem:s1] =	stream.indirect.scatter.add.f32 [tilespmem:s26], [sflag:$0x5], $0x10, s13, s24, $0xb8;
	[tilespmem:$0x5800] =	vst v63  }
0x86: {  	_ =	swait.ge [sflag:s10], $0x800  }
0x87: {  	[sflag:s10] =	ssyncset.done $0x0  }
0x88: {  	s13 =	simm.s32 $0x380;
	[sflag:s10] =	ssyncadd.s32 $0xFFFFF800  }
0x89: {  	[tilespmem:s2], [sflag:$0x4] =	stream.indirect.gather [hbm4b:s4+s24], $0x10, s13, s24, $0xb8;
	[tilespmem:$0x5800] =	vst v63  }
0x8a: {  	_ =	swait.ge [sflag:s29], $0x800  }
0x8b: {  	[sflag:s29] =	ssyncset.done $0x0  }
0x8c: {  	s13 =	simm.s32 $0x680;
	[sflag:s29] =	ssyncadd.s32 $0xFFFFF800  }
0x8d: {  	[spmem:s1] =	stream.indirect.scatter.add.f32 [tilespmem:s28], [sflag:$0x6], $0x10, s13, s24, $0xb8;
	[tilespmem:$0x5800] =	vst v63  }
0x8e: {  	_ =	swait.ge [sflag:s0], $0x800  }
0x8f: {  	[sflag:s0] =	ssyncset.done $0x0  }
0x90: {  	[sflag:s0] =	ssyncadd.s32 $0xFFFFF800  }
0x91: {  	_ =	swait.ge [sflag:s6], $0x800  }
0x92: {  	[sflag:s6] =	ssyncset.done $0x0  }
0x93: {  	s13 =	simm.s32 $0x700;
	[sflag:s6] =	ssyncadd.s32 $0xFFFFF800  }
0x94: {  	[spmem:s1] =	stream.indirect.scatter.add.f32 [tilespmem:s30], [sflag:$0x7], $0x10, s13, s24, $0xb8;
	[tilespmem:$0x5800] =	vst v63  }
0x95: {  	_ =	swait.ge [sflag:s7], $0x800  }
0x96: {  	[sflag:s7] =	ssyncset.done $0x0  }
0x97: {  	[sflag:s7] =	ssyncadd.s32 $0xFFFFF800  }
0x98: {  	_ =	swait.ge [sflag:s8], $0x800  }
0x99: {  	[sflag:s8] =	ssyncset.done $0x0  }
0x9a: {  	s13 =	simm.s32 $0x780;
	[sflag:s8] =	ssyncadd.s32 $0xFFFFF800  }
0x9b: {  	[spmem:s1] =	stream.indirect.scatter.add.f32 [tilespmem:s2], [sflag:$0x8], $0x10, s13, s24, $0xb8;
	[tilespmem:$0x5800] =	vst v63  }
0x9c: {  	_ =	swait.ge [sflag:s9], $0x800  }
0x9d: {  	[sflag:s9] =	ssyncset.done $0x0  }
0x9e: {  	[sflag:s9] =	ssyncadd.s32 $0xFFFFF800  }
0x9f: {  	_ =	swait.ge [sflag:s10], $0x800  }
0xa0: {  	[sflag:s10] =	ssyncset.done $0x0  }
0xa1: {  	s13 =	stileid.u32;
	[sflag:s10] =	ssyncadd.s32 $0xFFFFF800  }
0xa2: {  	s12 =	sshll.u32 s13, $0x6;
	[bflag:$0x0] =	sbarrier.arrive $0xFFFF  }
0xa3: {  	s12 =	sor.u32 $0x1C0A, s12;
	s13 =	rddreg [dreg:$0x6]  }
0xa4: {  	[hbm:s13], [sflag:s12] =	dma.local [spmem:s25], $0x580  }
0xa5: {  	_ =	swait.ge [sflag:s22], $0x580  }
0xa6: {  	s11 =	sadd.s32 $0x1, s11;
	s13 =	rddreg [dreg:$0x7]  }
0xa7: {  	p0 =	sne.s32 s11, s13  }
.Ltmp1:
0xa8: {  	_ = 	snop;
	(pc) =	sbr.rel @p0 .LBB2_1-.Ltmp1, $3  }
0xa9: {  	_ =	sdelay $0x1  }
0xaa: {  	[sflag:s22] =	ssyncset.done $0x0  }
0xab: {  	[sflag:s22] =	ssyncadd.s32 $0xFFFFFA80  }
0xac: {  	_ =	sfence.sel $0x180000  }
0xad: {  	[bflag:$0x0] =	sbarrier.arrive $0xFFFF  }
0xae: {  	_ =	strace $0x90000050  }
0xaf: {  	s0 =	stileid.u32;
	[bflag:$0x2] =	sbarrier.arrive $0xFFFF  }
0xb0: {  	p0 =	sne.s32 s0, $0x0;
	s0 =	rddreg [dreg:$0x3]  }
0xb1: {  	s0 =	sadd.s32 @!p0 $0x100000, s0  }
0xb2: {  	[sflag:s0] =	ssyncadd.tile.s32 @!p0 $0x1;
	_ =	shalt  }
.Lfunc_end2:
_tile_overlayer_lowered:
.L_overlay_start_2:
0xb3: {  	(tag) =	ssettag $0x2  }
0xb4: {  	s0 =	rddreg [dreg:$0x0];
	s2 =	stileid.u32  }
0xb5: {  	s1 =	rddreg [dreg:$0x1];
	p0 =	sne.s32 s2, $0x0  }
0xb6: {  	s3 =	rddreg [dreg:$0x2];
	[bflag:$0x3] =	sbarrier.arrive $0xFFFF;
	s2 =	simm.s32 @!p0 $0x1C0A  }
0xb7: {  	[timem:s3], [sflag:s2] =	dma.local @!p0 [hbm:s0], s1  }
0xb8: {  	s0 =	simm.s32 @!p0 $0xA  }
0xb9: {  	_ =	swait.ge @!p0 [sflag:s0], s1  }
0xba: {  	s1 =	ssub.s32 @!p0 $0x0, s1;
	[sflag:s0] =	ssyncset.done @!p0 $0x0  }
0xbb: {  	[sflag:s0] =	ssyncadd.s32 @!p0 s1  }
0xbc: {  	[bflag:$0x3] =	sbarrier.arrive $0xFFFF  }
0xbd: {  	_ =	shalt  }

</sc_bundles>
